<compile_context>
chip_gen: v7x
topology: tpu7x:2x2x1
jax: 0.10.2.dev20260603
libtpu: 0.0.44.dev20260713+nightly
codegen_flags: <defaults>
</compile_context>

<pallas_src>
import functools

import jax
import jax.numpy as jnp
from jax import lax
from jax.experimental import pallas as pl
from jax.experimental.pallas import tpu as pltpu
from jax.experimental.pallas import tpu_sc as plsc

N_NODES = 10000
N_EDGES = 320000
HIDDEN = 128

NC = 2
NS = 16
NW = NC * NS
EPW = N_EDGES // NW
CH = 80
NCHUNK = EPW // CH
RING = 2
N_PAD = 10240
RPS = N_PAD // NS
DEGW = 16



def _copy_rows(src_at, dst_at, stage, n_rows):
    done = 0
    while done < n_rows:
        step = min(128, n_rows - done)
        pltpu.sync_copy(src_at(done, step), stage.at[pl.ds(0, step)])
        pltpu.sync_copy(stage.at[pl.ds(0, step)], dst_at(done, step))
        done += step


def _zero_acc(zeros_hbm, zb, acc, base):
    pltpu.sync_copy(zeros_hbm, zb)
    done = 0
    while done < RPS:
        step = min(128, RPS - done)
        pltpu.sync_copy(zb.at[pl.ds(0, step)], acc.at[pl.ds(base + done, step)])
        done += step


def _deg_body(dst_hbm, ones_hbm, zeros_hbm, deg_out, didx, ones_v, zb, acc):
    c = lax.axis_index("c")
    s = lax.axis_index("s")
    wid = c * NS + s
    base = s * RPS

    pltpu.sync_copy(ones_hbm, ones_v)
    _zero_acc(zeros_hbm, zb, acc, base)
    plsc.subcore_barrier()

    def body(j, carry):
        pltpu.sync_copy(dst_hbm.at[pl.ds(wid * EPW + j * CH, CH)], didx)
        pltpu.sync_copy(ones_v, acc.at[didx], add=True)
        return carry

    lax.fori_loop(0, NCHUNK, body, 0)
    plsc.subcore_barrier()

    _copy_rows(lambda o, n: acc.at[pl.ds(base + o, n)],
               lambda o, n: deg_out.at[c, pl.ds(base + o, n)],
               zb, RPS)


def _agg_body(hs_hbm, src_hbm, dst_hbm, zeros_hbm, agg_out,
              s0, s1, d0, d1, r0, r1, zb, acc, gs0, gs1):
    sidx = [s0, s1]
    didx = [d0, d1]
    rows = [r0, r1]
    gsem = [gs0, gs1]
    c = lax.axis_index("c")
    s = lax.axis_index("s")
    wid = c * NS + s
    base = s * RPS

    _zero_acc(zeros_hbm, zb, acc, base)

    def load(p, j):
        eb = wid * EPW + j * CH
        pltpu.sync_copy(src_hbm.at[pl.ds(eb, CH)], sidx[p])
        pltpu.sync_copy(dst_hbm.at[pl.ds(eb, CH)], didx[p])

    def gat(p):
        return pltpu.make_async_copy(hs_hbm.at[sidx[p]], rows[p], gsem[p])

    def slot(p, j, start_next):
        gat(p).wait()
        pltpu.sync_copy(rows[p], acc.at[didx[p]], add=True)
        if start_next:
            load(p, j)
            gat(p).start()

    load(0, 0)
    load(1, 1)
    plsc.subcore_barrier()
    gat(0).start()
    gat(1).start()

    def body(i, carry):
        j = i * 2
        slot(0, j + 2, True)
        slot(1, j + 3, True)
        return carry

    lax.fori_loop(0, NCHUNK // 2 - 1, body, 0)
    slot(0, NCHUNK - 1, True)
    slot(1, 0, False)
    slot(0, 0, False)
    plsc.subcore_barrier()

    _copy_rows(lambda o, n: acc.at[pl.ds(base + o, n)],
               lambda o, n: agg_out.at[c, pl.ds(base + o, n)],
               zb, RPS)


@functools.cache
def _sc_calls():
    mesh = plsc.VectorSubcoreMesh(core_axis_name="c", subcore_axis_name="s",
                                  num_cores=NC, num_subcores=NS)
    deg_call = pl.kernel(
        _deg_body,
        out_type=jax.ShapeDtypeStruct((NC, N_PAD, DEGW), jnp.float32),
        mesh=mesh,
        scratch_types=[
            pltpu.VMEM((CH,), jnp.int32),
            pltpu.VMEM((CH, DEGW), jnp.float32),
            pltpu.VMEM((128, DEGW), jnp.float32),
            pltpu.VMEM_SHARED((N_PAD, DEGW), jnp.float32),
        ],
    )
    agg_call = pl.kernel(
        _agg_body,
        out_type=jax.ShapeDtypeStruct((NC, N_PAD, HIDDEN), jnp.float32),
        mesh=mesh,
        scratch_types=[pltpu.VMEM((CH,), jnp.int32)] * 4
        + [pltpu.VMEM((CH, HIDDEN), jnp.float32)] * 2 + [
            pltpu.VMEM((128, HIDDEN), jnp.float32),
            pltpu.VMEM_SHARED((N_PAD, HIDDEN), jnp.float32),
        ] + [pltpu.SemaphoreType.DMA] * 2,
    )
    return deg_call, agg_call



def _tc_prep_body(deg_ref, x_ref, w_ref, dinv_ref, hs_ref):
    deg = deg_ref[0, :N_NODES, 0:1] + deg_ref[1, :N_NODES, 0:1] + 1.0
    dinv = lax.rsqrt(deg)
    dinv_ref[...] = dinv
    h = jnp.dot(x_ref[...], w_ref[...], preferred_element_type=jnp.float32)
    hs_ref[...] = h * dinv


def _tc_mid_body(agg_ref, hs_ref, dinv_ref, b_ref, w_ref, out_ref):
    dinv = dinv_ref[...]
    h = dinv * (agg_ref[0, :N_NODES] + agg_ref[1, :N_NODES] + hs_ref[...]) + b_ref[...]
    h = jnp.maximum(h, 0.0)
    out_ref[...] = jnp.dot(h, w_ref[...],
                           preferred_element_type=jnp.float32) * dinv


def _tc_out_body(agg_ref, hs_ref, dinv_ref, b_ref, out_ref):
    h = dinv_ref[...] * (agg_ref[0, :N_NODES] + agg_ref[1, :N_NODES] + hs_ref[...]) + b_ref[...]
    out_ref[...] = jnp.maximum(h, 0.0)


_tc_prep = pl.pallas_call(
    _tc_prep_body,
    out_shape=(jax.ShapeDtypeStruct((N_NODES, 1), jnp.float32),
               jax.ShapeDtypeStruct((N_NODES, HIDDEN), jnp.float32)),
)

_tc_mid = pl.pallas_call(
    _tc_mid_body,
    out_shape=jax.ShapeDtypeStruct((N_NODES, HIDDEN), jnp.float32),
)

_tc_out = pl.pallas_call(
    _tc_out_body,
    out_shape=jax.ShapeDtypeStruct((N_NODES, HIDDEN), jnp.float32),
)


@jax.jit
def _run(x, edge_index, W1, b1, W2, b2):
    src = edge_index[0].astype(jnp.int32)
    dst = edge_index[1].astype(jnp.int32)
    ones = jnp.ones((CH, DEGW), jnp.float32)
    zeros_d = jnp.zeros((128, DEGW), jnp.float32)
    zeros_h = jnp.zeros((128, HIDDEN), jnp.float32)

    deg_call, agg_call = _sc_calls()
    deg = deg_call(dst, ones, zeros_d)
    dinv, hs1 = _tc_prep(deg, x, W1)
    agg1 = agg_call(hs1, src, dst, zeros_h)
    hs2 = _tc_mid(agg1, hs1, dinv, b1.reshape(1, HIDDEN), W2)
    agg2 = agg_call(hs2, src, dst, zeros_h)
    return _tc_out(agg2, hs2, dinv, b2.reshape(1, HIDDEN))


def kernel(x, edge_index, W1, b1, W2, b2):
    return _run(x, edge_index, W1, b1, W2, b2)

# --- scband reference (transcript-rebuilt; emitter-appended) ---
"""Pipeline reference for scband-polyline-subgraph-encoder-670014898408 (READ-ONLY COPY).

The authoritative reference and input builder live on the scoring server;
editing this copy changes nothing except your own understanding.
"""

import jax, jax.numpy as jnp
import numpy as np

N_NODES = 10000
N_EDGES = 320000
HIDDEN = 128
IN_DIM = 4


def setup_inputs(seed: int = 0) -> dict:
    key = jax.random.key(seed)
    k1, k2, k3, k4, k5, k6 = jax.random.split(key, 6)
    x = jax.random.normal(k1, (N_NODES, IN_DIM), dtype=jnp.float32)
    edge_index = jax.random.randint(k2, (2, N_EDGES), 0, N_NODES, dtype=jnp.int64)
    # GCNConv params (glorot-like init)
    W1 = jax.random.normal(k3, (IN_DIM, HIDDEN), dtype=jnp.float32) * (1.0 / np.sqrt(IN_DIM))
    b1 = jnp.zeros((HIDDEN,), dtype=jnp.float32)
    W2 = jax.random.normal(k4, (HIDDEN, HIDDEN), dtype=jnp.float32) * (1.0 / np.sqrt(HIDDEN))
    b2 = jnp.zeros((HIDDEN,), dtype=jnp.float32)
    return {"x": x, "edge_index": edge_index, "W1": W1, "b1": b1, "W2": W2, "b2": b2}


def _gcn_conv(x, edge_index, W, b, num_nodes):
    # PyG GCNConv: add self-loops, symmetric normalization, linear transform, scatter-add aggregate
    src = edge_index[0]
    dst = edge_index[1]
    loop = jnp.arange(num_nodes, dtype=src.dtype)
    src = jnp.concatenate([src, loop])
    dst = jnp.concatenate([dst, loop])
    deg = jnp.zeros((num_nodes,), dtype=x.dtype).at[dst].add(1.0)
    dinv = jnp.where(deg > 0, jax.lax.rsqrt(deg), 0.0)
    norm = dinv[src] * dinv[dst]
    h = x @ W
    msg = h[src] * norm[:, None]
    out = jnp.zeros((num_nodes, W.shape[1]), dtype=x.dtype).at[dst].add(msg)
    return out + b


def reference(x, edge_index, W1, b1, W2, b2):
    n = x.shape[0]
    h = jax.nn.relu(_gcn_conv(x, edge_index, W1, b1, n))
    h = jax.nn.relu(_gcn_conv(h, edge_index, W2, b2, n))
    return h

if __name__ == "__main__":
    import jax
    _d = setup_inputs()
    print(jax.jit(kernel)(*tuple(_d.values())))

</pallas_src>

<mosaic_0001>
#map = affine_map<(d0, d1) -> (0)>
#map1 = affine_map<(d0, d1) -> (0, 0)>
#map2 = affine_map<(d0, d1) -> (0, 0, 0)>
module attributes {stable_mosaic.version = 14 : i64} {
  func.func @_deg_body(%arg0: i32, %arg1: i32, %arg2: memref<320000xi32, #tpu.memory_space<hbm>>, %arg3: memref<80x16xf32, #tpu.memory_space<hbm>>, %arg4: memref<128x16xf32, #tpu.memory_space<hbm>>, %arg5: memref<2x10240x16xf32, #tpu.memory_space<hbm>>, %arg6: memref<80xi32, #tpu.memory_space<vmem>>, %arg7: memref<80x16xf32, #tpu.memory_space<vmem>>, %arg8: memref<128x16xf32, #tpu.memory_space<vmem>>, %arg9: memref<10240x16xf32, #tpu.memory_space<vmem_shared>>) attributes {dimension_semantics = [#tpu.dimension_semantics<core_parallel>, #tpu.dimension_semantics<subcore_parallel>], iteration_bounds = array<i64: 2, 16>, scalar_prefetch = 0 : i64, scratch_operands = 4 : i64, tpu.core_type = #tpu.core_type<sc_vector_subcore>, window_params = [{transform_indices = #map}, {transform_indices = #map1}, {transform_indices = #map1}, {transform_indices = #map2}]} {
    %mul3A = arith.constant 16 : i32
    %mul3A_0 = arith.muli %arg0, %mul3A : i32
    %add3A = arith.addi %mul3A_0, %arg1 : i32
    %mul3A_1 = arith.constant 640 : i32
    %mul3A_2 = arith.muli %arg1, %mul3A_1 : i32
    "tpu.region"() ({
      %run_scoped3A = tpu.sem_alloc : memref<!tpu.dma_semaphore, #tpu.memory_space<semaphore_mem>>
      tpu.enqueue_dma source(%arg3 : memref<80x16xf32, #tpu.memory_space<hbm>>) target(%arg7 : memref<80x16xf32, #tpu.memory_space<vmem>>) target_semaphore(%run_scoped3A : memref<!tpu.dma_semaphore, #tpu.memory_space<semaphore_mem>>)
      tpu.wait_dma2 semaphore(%run_scoped3A : memref<!tpu.dma_semaphore, #tpu.memory_space<semaphore_mem>>) src(%arg3 : memref<80x16xf32, #tpu.memory_space<hbm>>) dst(%arg7 : memref<80x16xf32, #tpu.memory_space<vmem>>)
      tpu.yield
    }) : () -> ()
    "tpu.region"() ({
      %run_scoped3A = tpu.sem_alloc : memref<!tpu.dma_semaphore, #tpu.memory_space<semaphore_mem>>
      tpu.enqueue_dma source(%arg4 : memref<128x16xf32, #tpu.memory_space<hbm>>) target(%arg8 : memref<128x16xf32, #tpu.memory_space<vmem>>) target_semaphore(%run_scoped3A : memref<!tpu.dma_semaphore, #tpu.memory_space<semaphore_mem>>)
      tpu.wait_dma2 semaphore(%run_scoped3A : memref<!tpu.dma_semaphore, #tpu.memory_space<semaphore_mem>>) src(%arg4 : memref<128x16xf32, #tpu.memory_space<hbm>>) dst(%arg8 : memref<128x16xf32, #tpu.memory_space<vmem>>)
      tpu.yield
    }) : () -> ()
    %add3A_3 = arith.constant 0 : i32
    %add3A_4 = arith.addi %mul3A_2, %add3A_3 : i32
    "tpu.region"() ({
      %run_scoped3A = tpu.sem_alloc : memref<!tpu.dma_semaphore, #tpu.memory_space<semaphore_mem>>
      %dma_start3A = arith.constant 0 : i32
      %dma_start3A_39 = arith.constant 0 : i32
      %dma_start3A_40 = tpu.memref_slice %arg8[%dma_start3A, %dma_start3A_39] : memref<128x16xf32, #tpu.memory_space<vmem>> -> memref<128x16xf32, #tpu.memory_space<vmem>>
      %dma_start3A_41 = arith.constant 0 : i32
      %dma_start3A_42 = tpu.memref_slice %arg9[%add3A_4, %dma_start3A_41] : memref<10240x16xf32, #tpu.memory_space<vmem_shared>> -> memref<128x16xf32, #tpu.memory_space<vmem_shared>>
      %dma_start3A_43 = arith.constant 0 : i32
      %dma_start3A_44 = tpu.memref_slice %arg9[%add3A_4, %dma_start3A_43] : memref<10240x16xf32, #tpu.memory_space<vmem_shared>> -> memref<128x16xf32, #tpu.memory_space<vmem_shared>>
      %dma_start3A_45 = arith.constant 0 : i32
      %dma_start3A_46 = arith.constant 0 : i32
      %dma_start3A_47 = tpu.memref_slice %arg8[%dma_start3A_45, %dma_start3A_46] : memref<128x16xf32, #tpu.memory_space<vmem>> -> memref<128x16xf32, #tpu.memory_space<vmem>>
      tpu.enqueue_dma source(%dma_start3A_47 : memref<128x16xf32, #tpu.memory_space<vmem>>) target(%dma_start3A_44 : memref<128x16xf32, #tpu.memory_space<vmem_shared>>) target_semaphore(%run_scoped3A : memref<!tpu.dma_semaphore, #tpu.memory_space<semaphore_mem>>)
      %dma_wait3A = arith.constant 0 : i32
      %dma_wait3A_48 = arith.constant 0 : i32
      %dma_wait3A_49 = tpu.memref_slice %arg8[%dma_wait3A, %dma_wait3A_48] : memref<128x16xf32, #tpu.memory_space<vmem>> -> memref<128x16xf32, #tpu.memory_space<vmem>>
      %dma_wait3A_50 = arith.constant 0 : i32
      %dma_wait3A_51 = tpu.memref_slice %arg9[%add3A_4, %dma_wait3A_50] : memref<10240x16xf32, #tpu.memory_space<vmem_shared>> -> memref<128x16xf32, #tpu.memory_space<vmem_shared>>
      %dma_wait3A_52 = arith.constant 0 : i32
      %dma_wait3A_53 = tpu.memref_slice %arg9[%add3A_4, %dma_wait3A_52] : memref<10240x16xf32, #tpu.memory_space<vmem_shared>> -> memref<128x16xf32, #tpu.memory_space<vmem_shared>>
      %dma_wait3A_54 = arith.constant 0 : i32
      %dma_wait3A_55 = arith.constant 0 : i32
      %dma_wait3A_56 = tpu.memref_slice %arg8[%dma_wait3A_54, %dma_wait3A_55] : memref<128x16xf32, #tpu.memory_space<vmem>> -> memref<128x16xf32, #tpu.memory_space<vmem>>
      tpu.wait_dma2 semaphore(%run_scoped3A : memref<!tpu.dma_semaphore, #tpu.memory_space<semaphore_mem>>) src(%dma_wait3A_56 : memref<128x16xf32, #tpu.memory_space<vmem>>) dst(%dma_wait3A_53 : memref<128x16xf32, #tpu.memory_space<vmem_shared>>)
      tpu.yield
    }) : () -> ()
    %add3A_5 = arith.constant 128 : i32
    %add3A_6 = arith.addi %mul3A_2, %add3A_5 : i32
    "tpu.region"() ({
      %run_scoped3A = tpu.sem_alloc : memref<!tpu.dma_semaphore, #tpu.memory_space<semaphore_mem>>
      %dma_start3A = arith.constant 0 : i32
      %dma_start3A_39 = arith.constant 0 : i32
      %dma_start3A_40 = tpu.memref_slice %arg8[%dma_start3A, %dma_start3A_39] : memref<128x16xf32, #tpu.memory_space<vmem>> -> memref<128x16xf32, #tpu.memory_space<vmem>>
      %dma_start3A_41 = arith.constant 0 : i32
      %dma_start3A_42 = tpu.memref_slice %arg9[%add3A_6, %dma_start3A_41] : memref<10240x16xf32, #tpu.memory_space<vmem_shared>> -> memref<128x16xf32, #tpu.memory_space<vmem_shared>>
      %dma_start3A_43 = arith.constant 0 : i32
      %dma_start3A_44 = tpu.memref_slice %arg9[%add3A_6, %dma_start3A_43] : memref<10240x16xf32, #tpu.memory_space<vmem_shared>> -> memref<128x16xf32, #tpu.memory_space<vmem_shared>>
      %dma_start3A_45 = arith.constant 0 : i32
      %dma_start3A_46 = arith.constant 0 : i32
      %dma_start3A_47 = tpu.memref_slice %arg8[%dma_start3A_45, %dma_start3A_46] : memref<128x16xf32, #tpu.memory_space<vmem>> -> memref<128x16xf32, #tpu.memory_space<vmem>>
      tpu.enqueue_dma source(%dma_start3A_47 : memref<128x16xf32, #tpu.memory_space<vmem>>) target(%dma_start3A_44 : memref<128x16xf32, #tpu.memory_space<vmem_shared>>) target_semaphore(%run_scoped3A : memref<!tpu.dma_semaphore, #tpu.memory_space<semaphore_mem>>)
      %dma_wait3A = arith.constant 0 : i32
      %dma_wait3A_48 = arith.constant 0 : i32
      %dma_wait3A_49 = tpu.memref_slice %arg8[%dma_wait3A, %dma_wait3A_48] : memref<128x16xf32, #tpu.memory_space<vmem>> -> memref<128x16xf32, #tpu.memory_space<vmem>>
      %dma_wait3A_50 = arith.constant 0 : i32
      %dma_wait3A_51 = tpu.memref_slice %arg9[%add3A_6, %dma_wait3A_50] : memref<10240x16xf32, #tpu.memory_space<vmem_shared>> -> memref<128x16xf32, #tpu.memory_space<vmem_shared>>
      %dma_wait3A_52 = arith.constant 0 : i32
      %dma_wait3A_53 = tpu.memref_slice %arg9[%add3A_6, %dma_wait3A_52] : memref<10240x16xf32, #tpu.memory_space<vmem_shared>> -> memref<128x16xf32, #tpu.memory_space<vmem_shared>>
      %dma_wait3A_54 = arith.constant 0 : i32
      %dma_wait3A_55 = arith.constant 0 : i32
      %dma_wait3A_56 = tpu.memref_slice %arg8[%dma_wait3A_54, %dma_wait3A_55] : memref<128x16xf32, #tpu.memory_space<vmem>> -> memref<128x16xf32, #tpu.memory_space<vmem>>
      tpu.wait_dma2 semaphore(%run_scoped3A : memref<!tpu.dma_semaphore, #tpu.memory_space<semaphore_mem>>) src(%dma_wait3A_56 : memref<128x16xf32, #tpu.memory_space<vmem>>) dst(%dma_wait3A_53 : memref<128x16xf32, #tpu.memory_space<vmem_shared>>)
      tpu.yield
    }) : () -> ()
    %add3A_7 = arith.constant 256 : i32
    %add3A_8 = arith.addi %mul3A_2, %add3A_7 : i32
    "tpu.region"() ({
      %run_scoped3A = tpu.sem_alloc : memref<!tpu.dma_semaphore, #tpu.memory_space<semaphore_mem>>
      %dma_start3A = arith.constant 0 : i32
      %dma_start3A_39 = arith.constant 0 : i32
      %dma_start3A_40 = tpu.memref_slice %arg8[%dma_start3A, %dma_start3A_39] : memref<128x16xf32, #tpu.memory_space<vmem>> -> memref<128x16xf32, #tpu.memory_space<vmem>>
      %dma_start3A_41 = arith.constant 0 : i32
      %dma_start3A_42 = tpu.memref_slice %arg9[%add3A_8, %dma_start3A_41] : memref<10240x16xf32, #tpu.memory_space<vmem_shared>> -> memref<128x16xf32, #tpu.memory_space<vmem_shared>>
      %dma_start3A_43 = arith.constant 0 : i32
      %dma_start3A_44 = tpu.memref_slice %arg9[%add3A_8, %dma_start3A_43] : memref<10240x16xf32, #tpu.memory_space<vmem_shared>> -> memref<128x16xf32, #tpu.memory_space<vmem_shared>>
      %dma_start3A_45 = arith.constant 0 : i32
      %dma_start3A_46 = arith.constant 0 : i32
      %dma_start3A_47 = tpu.memref_slice %arg8[%dma_start3A_45, %dma_start3A_46] : memref<128x16xf32, #tpu.memory_space<vmem>> -> memref<128x16xf32, #tpu.memory_space<vmem>>
      tpu.enqueue_dma source(%dma_start3A_47 : memref<128x16xf32, #tpu.memory_space<vmem>>) target(%dma_start3A_44 : memref<128x16xf32, #tpu.memory_space<vmem_shared>>) target_semaphore(%run_scoped3A : memref<!tpu.dma_semaphore, #tpu.memory_space<semaphore_mem>>)
      %dma_wait3A = arith.constant 0 : i32
      %dma_wait3A_48 = arith.constant 0 : i32
      %dma_wait3A_49 = tpu.memref_slice %arg8[%dma_wait3A, %dma_wait3A_48] : memref<128x16xf32, #tpu.memory_space<vmem>> -> memref<128x16xf32, #tpu.memory_space<vmem>>
      %dma_wait3A_50 = arith.constant 0 : i32
      %dma_wait3A_51 = tpu.memref_slice %arg9[%add3A_8, %dma_wait3A_50] : memref<10240x16xf32, #tpu.memory_space<vmem_shared>> -> memref<128x16xf32, #tpu.memory_space<vmem_shared>>
      %dma_wait3A_52 = arith.constant 0 : i32
      %dma_wait3A_53 = tpu.memref_slice %arg9[%add3A_8, %dma_wait3A_52] : memref<10240x16xf32, #tpu.memory_space<vmem_shared>> -> memref<128x16xf32, #tpu.memory_space<vmem_shared>>
      %dma_wait3A_54 = arith.constant 0 : i32
      %dma_wait3A_55 = arith.constant 0 : i32
      %dma_wait3A_56 = tpu.memref_slice %arg8[%dma_wait3A_54, %dma_wait3A_55] : memref<128x16xf32, #tpu.memory_space<vmem>> -> memref<128x16xf32, #tpu.memory_space<vmem>>
      tpu.wait_dma2 semaphore(%run_scoped3A : memref<!tpu.dma_semaphore, #tpu.memory_space<semaphore_mem>>) src(%dma_wait3A_56 : memref<128x16xf32, #tpu.memory_space<vmem>>) dst(%dma_wait3A_53 : memref<128x16xf32, #tpu.memory_space<vmem_shared>>)
      tpu.yield
    }) : () -> ()
    %add3A_9 = arith.constant 384 : i32
    %add3A_10 = arith.addi %mul3A_2, %add3A_9 : i32
    "tpu.region"() ({
      %run_scoped3A = tpu.sem_alloc : memref<!tpu.dma_semaphore, #tpu.memory_space<semaphore_mem>>
      %dma_start3A = arith.constant 0 : i32
      %dma_start3A_39 = arith.constant 0 : i32
      %dma_start3A_40 = tpu.memref_slice %arg8[%dma_start3A, %dma_start3A_39] : memref<128x16xf32, #tpu.memory_space<vmem>> -> memref<128x16xf32, #tpu.memory_space<vmem>>
      %dma_start3A_41 = arith.constant 0 : i32
      %dma_start3A_42 = tpu.memref_slice %arg9[%add3A_10, %dma_start3A_41] : memref<10240x16xf32, #tpu.memory_space<vmem_shared>> -> memref<128x16xf32, #tpu.memory_space<vmem_shared>>
      %dma_start3A_43 = arith.constant 0 : i32
      %dma_start3A_44 = tpu.memref_slice %arg9[%add3A_10, %dma_start3A_43] : memref<10240x16xf32, #tpu.memory_space<vmem_shared>> -> memref<128x16xf32, #tpu.memory_space<vmem_shared>>
      %dma_start3A_45 = arith.constant 0 : i32
      %dma_start3A_46 = arith.constant 0 : i32
      %dma_start3A_47 = tpu.memref_slice %arg8[%dma_start3A_45, %dma_start3A_46] : memref<128x16xf32, #tpu.memory_space<vmem>> -> memref<128x16xf32, #tpu.memory_space<vmem>>
      tpu.enqueue_dma source(%dma_start3A_47 : memref<128x16xf32, #tpu.memory_space<vmem>>) target(%dma_start3A_44 : memref<128x16xf32, #tpu.memory_space<vmem_shared>>) target_semaphore(%run_scoped3A : memref<!tpu.dma_semaphore, #tpu.memory_space<semaphore_mem>>)
      %dma_wait3A = arith.constant 0 : i32
      %dma_wait3A_48 = arith.constant 0 : i32
      %dma_wait3A_49 = tpu.memref_slice %arg8[%dma_wait3A, %dma_wait3A_48] : memref<128x16xf32, #tpu.memory_space<vmem>> -> memref<128x16xf32, #tpu.memory_space<vmem>>
      %dma_wait3A_50 = arith.constant 0 : i32
      %dma_wait3A_51 = tpu.memref_slice %arg9[%add3A_10, %dma_wait3A_50] : memref<10240x16xf32, #tpu.memory_space<vmem_shared>> -> memref<128x16xf32, #tpu.memory_space<vmem_shared>>
      %dma_wait3A_52 = arith.constant 0 : i32
      %dma_wait3A_53 = tpu.memref_slice %arg9[%add3A_10, %dma_wait3A_52] : memref<10240x16xf32, #tpu.memory_space<vmem_shared>> -> memref<128x16xf32, #tpu.memory_space<vmem_shared>>
      %dma_wait3A_54 = arith.constant 0 : i32
      %dma_wait3A_55 = arith.constant 0 : i32
      %dma_wait3A_56 = tpu.memref_slice %arg8[%dma_wait3A_54, %dma_wait3A_55] : memref<128x16xf32, #tpu.memory_space<vmem>> -> memref<128x16xf32, #tpu.memory_space<vmem>>
      tpu.wait_dma2 semaphore(%run_scoped3A : memref<!tpu.dma_semaphore, #tpu.memory_space<semaphore_mem>>) src(%dma_wait3A_56 : memref<128x16xf32, #tpu.memory_space<vmem>>) dst(%dma_wait3A_53 : memref<128x16xf32, #tpu.memory_space<vmem_shared>>)
      tpu.yield
    }) : () -> ()
    %add3A_11 = arith.constant 512 : i32
    %add3A_12 = arith.addi %mul3A_2, %add3A_11 : i32
    "tpu.region"() ({
      %run_scoped3A = tpu.sem_alloc : memref<!tpu.dma_semaphore, #tpu.memory_space<semaphore_mem>>
      %dma_start3A = arith.constant 0 : i32
      %dma_start3A_39 = arith.constant 0 : i32
      %dma_start3A_40 = tpu.memref_slice %arg8[%dma_start3A, %dma_start3A_39] : memref<128x16xf32, #tpu.memory_space<vmem>> -> memref<128x16xf32, #tpu.memory_space<vmem>>
      %dma_start3A_41 = arith.constant 0 : i32
      %dma_start3A_42 = tpu.memref_slice %arg9[%add3A_12, %dma_start3A_41] : memref<10240x16xf32, #tpu.memory_space<vmem_shared>> -> memref<128x16xf32, #tpu.memory_space<vmem_shared>>
      %dma_start3A_43 = arith.constant 0 : i32
      %dma_start3A_44 = tpu.memref_slice %arg9[%add3A_12, %dma_start3A_43] : memref<10240x16xf32, #tpu.memory_space<vmem_shared>> -> memref<128x16xf32, #tpu.memory_space<vmem_shared>>
      %dma_start3A_45 = arith.constant 0 : i32
      %dma_start3A_46 = arith.constant 0 : i32
      %dma_start3A_47 = tpu.memref_slice %arg8[%dma_start3A_45, %dma_start3A_46] : memref<128x16xf32, #tpu.memory_space<vmem>> -> memref<128x16xf32, #tpu.memory_space<vmem>>
      tpu.enqueue_dma source(%dma_start3A_47 : memref<128x16xf32, #tpu.memory_space<vmem>>) target(%dma_start3A_44 : memref<128x16xf32, #tpu.memory_space<vmem_shared>>) target_semaphore(%run_scoped3A : memref<!tpu.dma_semaphore, #tpu.memory_space<semaphore_mem>>)
      %dma_wait3A = arith.constant 0 : i32
      %dma_wait3A_48 = arith.constant 0 : i32
      %dma_wait3A_49 = tpu.memref_slice %arg8[%dma_wait3A, %dma_wait3A_48] : memref<128x16xf32, #tpu.memory_space<vmem>> -> memref<128x16xf32, #tpu.memory_space<vmem>>
      %dma_wait3A_50 = arith.constant 0 : i32
      %dma_wait3A_51 = tpu.memref_slice %arg9[%add3A_12, %dma_wait3A_50] : memref<10240x16xf32, #tpu.memory_space<vmem_shared>> -> memref<128x16xf32, #tpu.memory_space<vmem_shared>>
      %dma_wait3A_52 = arith.constant 0 : i32
      %dma_wait3A_53 = tpu.memref_slice %arg9[%add3A_12, %dma_wait3A_52] : memref<10240x16xf32, #tpu.memory_space<vmem_shared>> -> memref<128x16xf32, #tpu.memory_space<vmem_shared>>
      %dma_wait3A_54 = arith.constant 0 : i32
      %dma_wait3A_55 = arith.constant 0 : i32
      %dma_wait3A_56 = tpu.memref_slice %arg8[%dma_wait3A_54, %dma_wait3A_55] : memref<128x16xf32, #tpu.memory_space<vmem>> -> memref<128x16xf32, #tpu.memory_space<vmem>>
      tpu.wait_dma2 semaphore(%run_scoped3A : memref<!tpu.dma_semaphore, #tpu.memory_space<semaphore_mem>>) src(%dma_wait3A_56 : memref<128x16xf32, #tpu.memory_space<vmem>>) dst(%dma_wait3A_53 : memref<128x16xf32, #tpu.memory_space<vmem_shared>>)
      tpu.yield
    }) : () -> ()
    %barrier3A = arith.constant 0 : index
    tpu.barrier barrier_id(%barrier3A)
    %scan3A = arith.constant 0 : i32
    %scan3A_13 = arith.constant 0 : i32
    %scan3A_14 = arith.constant 125 : i32
    %scan3A_15 = arith.addi %scan3A_13, %scan3A_14 : i32
    %scan3A_16 = arith.constant 1 : i32
    scf.for %scan3A_39 = %scan3A_13 to %scan3A_15 step %scan3A_16  : i32 {
      %mul3A_40 = arith.constant 10000 : i32
      %mul3A_41 = arith.muli %add3A, %mul3A_40 : i32
      %mul3A_42 = arith.constant 80 : i32
      %mul3A_43 = arith.muli %scan3A_39, %mul3A_42 : i32
      %add3A_44 = arith.addi %mul3A_41, %mul3A_43 : i32
      "tpu.region"() ({
        %run_scoped3A = tpu.sem_alloc : memref<!tpu.dma_semaphore, #tpu.memory_space<semaphore_mem>>
        %dma_start3A = tpu.memref_slice %arg2[%add3A_44] : memref<320000xi32, #tpu.memory_space<hbm>> -> memref<80xi32, #tpu.memory_space<hbm>>
        %dma_start3A_45 = tpu.memref_slice %arg2[%add3A_44] : memref<320000xi32, #tpu.memory_space<hbm>> -> memref<80xi32, #tpu.memory_space<hbm>>
        tpu.enqueue_dma source(%dma_start3A_45 : memref<80xi32, #tpu.memory_space<hbm>>) target(%arg6 : memref<80xi32, #tpu.memory_space<vmem>>) target_semaphore(%run_scoped3A : memref<!tpu.dma_semaphore, #tpu.memory_space<semaphore_mem>>)
        %dma_wait3A = tpu.memref_slice %arg2[%add3A_44] : memref<320000xi32, #tpu.memory_space<hbm>> -> memref<80xi32, #tpu.memory_space<hbm>>
        %dma_wait3A_46 = tpu.memref_slice %arg2[%add3A_44] : memref<320000xi32, #tpu.memory_space<hbm>> -> memref<80xi32, #tpu.memory_space<hbm>>
        tpu.wait_dma2 semaphore(%run_scoped3A : memref<!tpu.dma_semaphore, #tpu.memory_space<semaphore_mem>>) src(%dma_wait3A_46 : memref<80xi32, #tpu.memory_space<hbm>>) dst(%arg6 : memref<80xi32, #tpu.memory_space<vmem>>)
        tpu.yield
      }) : () -> ()
      "tpu.region"() ({
        %run_scoped3A = tpu.sem_alloc : memref<!tpu.dma_semaphore, #tpu.memory_space<semaphore_mem>>
        %dma_start3A = arith.constant 0 : i32
        %dma_start3A_45 = arith.constant 0 : i32
        %dma_start3A_46 = tpu.memref_slice %arg9[%dma_start3A, %dma_start3A_45] : memref<10240x16xf32, #tpu.memory_space<vmem_shared>> -> memref<10240x16xf32, #tpu.memory_space<vmem_shared>>
        tpu.enqueue_indirect_dma source(%arg7 : memref<80x16xf32, #tpu.memory_space<vmem>>) target(%dma_start3A_46 : memref<10240x16xf32, #tpu.memory_space<vmem_shared>>) offsets(%arg6 : memref<80xi32, #tpu.memory_space<vmem>>) semaphore(%run_scoped3A : memref<!tpu.dma_semaphore, #tpu.memory_space<semaphore_mem>>) {add = true}
        %dma_wait3A = arith.constant 0 : i32
        %dma_wait3A_47 = arith.constant 0 : i32
        %dma_wait3A_48 = tpu.memref_slice %arg9[%dma_wait3A, %dma_wait3A_47] : memref<10240x16xf32, #tpu.memory_space<vmem_shared>> -> memref<10240x16xf32, #tpu.memory_space<vmem_shared>>
        tpu.wait_indirect_dma semaphore(%run_scoped3A : memref<!tpu.dma_semaphore, #tpu.memory_space<semaphore_mem>>) src(%arg7 : memref<80x16xf32, #tpu.memory_space<vmem>>) dst(%dma_wait3A_48 : memref<10240x16xf32, #tpu.memory_space<vmem_shared>>)
        tpu.yield
      }) : () -> ()
    }
    %scan3A_17 = arith.constant 125 : i32
    %barrier3A_18 = arith.constant 0 : index
    tpu.barrier barrier_id(%barrier3A_18)
    %add3A_19 = arith.constant 0 : i32
    %add3A_20 = arith.addi %mul3A_2, %add3A_19 : i32
    "tpu.region"() ({
      %run_scoped3A = tpu.sem_alloc : memref<!tpu.dma_semaphore, #tpu.memory_space<semaphore_mem>>
      %dma_start3A = arith.constant 0 : i32
      %dma_start3A_39 = arith.constant 0 : i32
      %dma_start3A_40 = tpu.memref_slice %arg8[%dma_start3A, %dma_start3A_39] : memref<128x16xf32, #tpu.memory_space<vmem>> -> memref<128x16xf32, #tpu.memory_space<vmem>>
      %dma_start3A_41 = arith.constant 0 : i32
      %dma_start3A_42 = tpu.memref_slice %arg9[%add3A_20, %dma_start3A_41] : memref<10240x16xf32, #tpu.memory_space<vmem_shared>> -> memref<128x16xf32, #tpu.memory_space<vmem_shared>>
      %dma_start3A_43 = arith.constant 0 : i32
      %dma_start3A_44 = arith.constant 0 : i32
      %dma_start3A_45 = tpu.memref_slice %arg8[%dma_start3A_43, %dma_start3A_44] : memref<128x16xf32, #tpu.memory_space<vmem>> -> memref<128x16xf32, #tpu.memory_space<vmem>>
      %dma_start3A_46 = arith.constant 0 : i32
      %dma_start3A_47 = tpu.memref_slice %arg9[%add3A_20, %dma_start3A_46] : memref<10240x16xf32, #tpu.memory_space<vmem_shared>> -> memref<128x16xf32, #tpu.memory_space<vmem_shared>>
      tpu.enqueue_dma source(%dma_start3A_47 : memref<128x16xf32, #tpu.memory_space<vmem_shared>>) target(%dma_start3A_45 : memref<128x16xf32, #tpu.memory_space<vmem>>) target_semaphore(%run_scoped3A : memref<!tpu.dma_semaphore, #tpu.memory_space<semaphore_mem>>)
      %dma_wait3A = arith.constant 0 : i32
      %dma_wait3A_48 = arith.constant 0 : i32
      %dma_wait3A_49 = tpu.memref_slice %arg8[%dma_wait3A, %dma_wait3A_48] : memref<128x16xf32, #tpu.memory_space<vmem>> -> memref<128x16xf32, #tpu.memory_space<vmem>>
      %dma_wait3A_50 = arith.constant 0 : i32
      %dma_wait3A_51 = tpu.memref_slice %arg9[%add3A_20, %dma_wait3A_50] : memref<10240x16xf32, #tpu.memory_space<vmem_shared>> -> memref<128x16xf32, #tpu.memory_space<vmem_shared>>
      %dma_wait3A_52 = arith.constant 0 : i32
      %dma_wait3A_53 = arith.constant 0 : i32
      %dma_wait3A_54 = tpu.memref_slice %arg8[%dma_wait3A_52, %dma_wait3A_53] : memref<128x16xf32, #tpu.memory_space<vmem>> -> memref<128x16xf32, #tpu.memory_space<vmem>>
      %dma_wait3A_55 = arith.constant 0 : i32
      %dma_wait3A_56 = tpu.memref_slice %arg9[%add3A_20, %dma_wait3A_55] : memref<10240x16xf32, #tpu.memory_space<vmem_shared>> -> memref<128x16xf32, #tpu.memory_space<vmem_shared>>
      tpu.wait_dma2 semaphore(%run_scoped3A : memref<!tpu.dma_semaphore, #tpu.memory_space<semaphore_mem>>) src(%dma_wait3A_56 : memref<128x16xf32, #tpu.memory_space<vmem_shared>>) dst(%dma_wait3A_54 : memref<128x16xf32, #tpu.memory_space<vmem>>)
      tpu.yield
    }) : () -> ()
    %add3A_21 = arith.constant 0 : i32
    %add3A_22 = arith.addi %mul3A_2, %add3A_21 : i32
    "tpu.region"() ({
      %run_scoped3A = tpu.sem_alloc : memref<!tpu.dma_semaphore, #tpu.memory_space<semaphore_mem>>
      %dma_start3A = arith.constant 0 : i32
      %dma_start3A_39 = arith.constant 0 : i32
      %dma_start3A_40 = tpu.memref_slice %arg8[%dma_start3A, %dma_start3A_39] : memref<128x16xf32, #tpu.memory_space<vmem>> -> memref<128x16xf32, #tpu.memory_space<vmem>>
      %dma_start3A_41 = arith.constant 0 : i32
      %dma_start3A_42 = tpu.memref_slice %arg5[%arg0, %add3A_22, %dma_start3A_41] : memref<2x10240x16xf32, #tpu.memory_space<hbm>> -> memref<1x128x16xf32, #tpu.memory_space<hbm>>
      %dma_start3A_43 = tpu.memref_squeeze %dma_start3A_42 : memref<1x128x16xf32, #tpu.memory_space<hbm>> -> memref<128x16xf32, #tpu.memory_space<hbm>>
      %dma_start3A_44 = arith.constant 0 : i32
      %dma_start3A_45 = tpu.memref_slice %arg5[%arg0, %add3A_22, %dma_start3A_44] : memref<2x10240x16xf32, #tpu.memory_space<hbm>> -> memref<1x128x16xf32, #tpu.memory_space<hbm>>
      %dma_start3A_46 = tpu.memref_squeeze %dma_start3A_45 : memref<1x128x16xf32, #tpu.memory_space<hbm>> -> memref<128x16xf32, #tpu.memory_space<hbm>>
      %dma_start3A_47 = arith.constant 0 : i32
      %dma_start3A_48 = arith.constant 0 : i32
      %dma_start3A_49 = tpu.memref_slice %arg8[%dma_start3A_47, %dma_start3A_48] : memref<128x16xf32, #tpu.memory_space<vmem>> -> memref<128x16xf32, #tpu.memory_space<vmem>>
      tpu.enqueue_dma source(%dma_start3A_49 : memref<128x16xf32, #tpu.memory_space<vmem>>) target(%dma_start3A_46 : memref<128x16xf32, #tpu.memory_space<hbm>>) target_semaphore(%run_scoped3A : memref<!tpu.dma_semaphore, #tpu.memory_space<semaphore_mem>>)
      %dma_wait3A = arith.constant 0 : i32
      %dma_wait3A_50 = arith.constant 0 : i32
      %dma_wait3A_51 = tpu.memref_slice %arg8[%dma_wait3A, %dma_wait3A_50] : memref<128x16xf32, #tpu.memory_space<vmem>> -> memref<128x16xf32, #tpu.memory_space<vmem>>
      %dma_wait3A_52 = arith.constant 0 : i32
      %dma_wait3A_53 = tpu.memref_slice %arg5[%arg0, %add3A_22, %dma_wait3A_52] : memref<2x10240x16xf32, #tpu.memory_space<hbm>> -> memref<1x128x16xf32, #tpu.memory_space<hbm>>
      %dma_wait3A_54 = tpu.memref_squeeze %dma_wait3A_53 : memref<1x128x16xf32, #tpu.memory_space<hbm>> -> memref<128x16xf32, #tpu.memory_space<hbm>>
      %dma_wait3A_55 = arith.constant 0 : i32
      %dma_wait3A_56 = tpu.memref_slice %arg5[%arg0, %add3A_22, %dma_wait3A_55] : memref<2x10240x16xf32, #tpu.memory_space<hbm>> -> memref<1x128x16xf32, #tpu.memory_space<hbm>>
      %dma_wait3A_57 = tpu.memref_squeeze %dma_wait3A_56 : memref<1x128x16xf32, #tpu.memory_space<hbm>> -> memref<128x16xf32, #tpu.memory_space<hbm>>
      %dma_wait3A_58 = arith.constant 0 : i32
      %dma_wait3A_59 = arith.constant 0 : i32
      %dma_wait3A_60 = tpu.memref_slice %arg8[%dma_wait3A_58, %dma_wait3A_59] : memref<128x16xf32, #tpu.memory_space<vmem>> -> memref<128x16xf32, #tpu.memory_space<vmem>>
      tpu.wait_dma2 semaphore(%run_scoped3A : memref<!tpu.dma_semaphore, #tpu.memory_space<semaphore_mem>>) src(%dma_wait3A_60 : memref<128x16xf32, #tpu.memory_space<vmem>>) dst(%dma_wait3A_57 : memref<128x16xf32, #tpu.memory_space<hbm>>)
      tpu.yield
    }) : () -> ()
    %add3A_23 = arith.constant 128 : i32
    %add3A_24 = arith.addi %mul3A_2, %add3A_23 : i32
    "tpu.region"() ({
      %run_scoped3A = tpu.sem_alloc : memref<!tpu.dma_semaphore, #tpu.memory_space<semaphore_mem>>
      %dma_start3A = arith.constant 0 : i32
      %dma_start3A_39 = arith.constant 0 : i32
      %dma_start3A_40 = tpu.memref_slice %arg8[%dma_start3A, %dma_start3A_39] : memref<128x16xf32, #tpu.memory_space<vmem>> -> memref<128x16xf32, #tpu.memory_space<vmem>>
      %dma_start3A_41 = arith.constant 0 : i32
      %dma_start3A_42 = tpu.memref_slice %arg9[%add3A_24, %dma_start3A_41] : memref<10240x16xf32, #tpu.memory_space<vmem_shared>> -> memref<128x16xf32, #tpu.memory_space<vmem_shared>>
      %dma_start3A_43 = arith.constant 0 : i32
      %dma_start3A_44 = arith.constant 0 : i32
      %dma_start3A_45 = tpu.memref_slice %arg8[%dma_start3A_43, %dma_start3A_44] : memref<128x16xf32, #tpu.memory_space<vmem>> -> memref<128x16xf32, #tpu.memory_space<vmem>>
      %dma_start3A_46 = arith.constant 0 : i32
      %dma_start3A_47 = tpu.memref_slice %arg9[%add3A_24, %dma_start3A_46] : memref<10240x16xf32, #tpu.memory_space<vmem_shared>> -> memref<128x16xf32, #tpu.memory_space<vmem_shared>>
      tpu.enqueue_dma source(%dma_start3A_47 : memref<128x16xf32, #tpu.memory_space<vmem_shared>>) target(%dma_start3A_45 : memref<128x16xf32, #tpu.memory_space<vmem>>) target_semaphore(%run_scoped3A : memref<!tpu.dma_semaphore, #tpu.memory_space<semaphore_mem>>)
      %dma_wait3A = arith.constant 0 : i32
      %dma_wait3A_48 = arith.constant 0 : i32
      %dma_wait3A_49 = tpu.memref_slice %arg8[%dma_wait3A, %dma_wait3A_48] : memref<128x16xf32, #tpu.memory_space<vmem>> -> memref<128x16xf32, #tpu.memory_space<vmem>>
      %dma_wait3A_50 = arith.constant 0 : i32
      %dma_wait3A_51 = tpu.memref_slice %arg9[%add3A_24, %dma_wait3A_50] : memref<10240x16xf32, #tpu.memory_space<vmem_shared>> -> memref<128x16xf32, #tpu.memory_space<vmem_shared>>
      %dma_wait3A_52 = arith.constant 0 : i32
      %dma_wait3A_53 = arith.constant 0 : i32
      %dma_wait3A_54 = tpu.memref_slice %arg8[%dma_wait3A_52, %dma_wait3A_53] : memref<128x16xf32, #tpu.memory_space<vmem>> -> memref<128x16xf32, #tpu.memory_space<vmem>>
      %dma_wait3A_55 = arith.constant 0 : i32
      %dma_wait3A_56 = tpu.memref_slice %arg9[%add3A_24, %dma_wait3A_55] : memref<10240x16xf32, #tpu.memory_space<vmem_shared>> -> memref<128x16xf32, #tpu.memory_space<vmem_shared>>
      tpu.wait_dma2 semaphore(%run_scoped3A : memref<!tpu.dma_semaphore, #tpu.memory_space<semaphore_mem>>) src(%dma_wait3A_56 : memref<128x16xf32, #tpu.memory_space<vmem_shared>>) dst(%dma_wait3A_54 : memref<128x16xf32, #tpu.memory_space<vmem>>)
      tpu.yield
    }) : () -> ()
    %add3A_25 = arith.constant 128 : i32
    %add3A_26 = arith.addi %mul3A_2, %add3A_25 : i32
    "tpu.region"() ({
      %run_scoped3A = tpu.sem_alloc : memref<!tpu.dma_semaphore, #tpu.memory_space<semaphore_mem>>
      %dma_start3A = arith.constant 0 : i32
      %dma_start3A_39 = arith.constant 0 : i32
      %dma_start3A_40 = tpu.memref_slice %arg8[%dma_start3A, %dma_start3A_39] : memref<128x16xf32, #tpu.memory_space<vmem>> -> memref<128x16xf32, #tpu.memory_space<vmem>>
      %dma_start3A_41 = arith.constant 0 : i32
      %dma_start3A_42 = tpu.memref_slice %arg5[%arg0, %add3A_26, %dma_start3A_41] : memref<2x10240x16xf32, #tpu.memory_space<hbm>> -> memref<1x128x16xf32, #tpu.memory_space<hbm>>
      %dma_start3A_43 = tpu.memref_squeeze %dma_start3A_42 : memref<1x128x16xf32, #tpu.memory_space<hbm>> -> memref<128x16xf32, #tpu.memory_space<hbm>>
      %dma_start3A_44 = arith.constant 0 : i32
      %dma_start3A_45 = tpu.memref_slice %arg5[%arg0, %add3A_26, %dma_start3A_44] : memref<2x10240x16xf32, #tpu.memory_space<hbm>> -> memref<1x128x16xf32, #tpu.memory_space<hbm>>
      %dma_start3A_46 = tpu.memref_squeeze %dma_start3A_45 : memref<1x128x16xf32, #tpu.memory_space<hbm>> -> memref<128x16xf32, #tpu.memory_space<hbm>>
      %dma_start3A_47 = arith.constant 0 : i32
      %dma_start3A_48 = arith.constant 0 : i32
      %dma_start3A_49 = tpu.memref_slice %arg8[%dma_start3A_47, %dma_start3A_48] : memref<128x16xf32, #tpu.memory_space<vmem>> -> memref<128x16xf32, #tpu.memory_space<vmem>>
      tpu.enqueue_dma source(%dma_start3A_49 : memref<128x16xf32, #tpu.memory_space<vmem>>) target(%dma_start3A_46 : memref<128x16xf32, #tpu.memory_space<hbm>>) target_semaphore(%run_scoped3A : memref<!tpu.dma_semaphore, #tpu.memory_space<semaphore_mem>>)
      %dma_wait3A = arith.constant 0 : i32
      %dma_wait3A_50 = arith.constant 0 : i32
      %dma_wait3A_51 = tpu.memref_slice %arg8[%dma_wait3A, %dma_wait3A_50] : memref<128x16xf32, #tpu.memory_space<vmem>> -> memref<128x16xf32, #tpu.memory_space<vmem>>
      %dma_wait3A_52 = arith.constant 0 : i32
      %dma_wait3A_53 = tpu.memref_slice %arg5[%arg0, %add3A_26, %dma_wait3A_52] : memref<2x10240x16xf32, #tpu.memory_space<hbm>> -> memref<1x128x16xf32, #tpu.memory_space<hbm>>
      %dma_wait3A_54 = tpu.memref_squeeze %dma_wait3A_53 : memref<1x128x16xf32, #tpu.memory_space<hbm>> -> memref<128x16xf32, #tpu.memory_space<hbm>>
      %dma_wait3A_55 = arith.constant 0 : i32
      %dma_wait3A_56 = tpu.memref_slice %arg5[%arg0, %add3A_26, %dma_wait3A_55] : memref<2x10240x16xf32, #tpu.memory_space<hbm>> -> memref<1x128x16xf32, #tpu.memory_space<hbm>>
      %dma_wait3A_57 = tpu.memref_squeeze %dma_wait3A_56 : memref<1x128x16xf32, #tpu.memory_space<hbm>> -> memref<128x16xf32, #tpu.memory_space<hbm>>
      %dma_wait3A_58 = arith.constant 0 : i32
      %dma_wait3A_59 = arith.constant 0 : i32
      %dma_wait3A_60 = tpu.memref_slice %arg8[%dma_wait3A_58, %dma_wait3A_59] : memref<128x16xf32, #tpu.memory_space<vmem>> -> memref<128x16xf32, #tpu.memory_space<vmem>>
      tpu.wait_dma2 semaphore(%run_scoped3A : memref<!tpu.dma_semaphore, #tpu.memory_space<semaphore_mem>>) src(%dma_wait3A_60 : memref<128x16xf32, #tpu.memory_space<vmem>>) dst(%dma_wait3A_57 : memref<128x16xf32, #tpu.memory_space<hbm>>)
      tpu.yield
    }) : () -> ()
    %add3A_27 = arith.constant 256 : i32
    %add3A_28 = arith.addi %mul3A_2, %add3A_27 : i32
    "tpu.region"() ({
      %run_scoped3A = tpu.sem_alloc : memref<!tpu.dma_semaphore, #tpu.memory_space<semaphore_mem>>
      %dma_start3A = arith.constant 0 : i32
      %dma_start3A_39 = arith.constant 0 : i32
      %dma_start3A_40 = tpu.memref_slice %arg8[%dma_start3A, %dma_start3A_39] : memref<128x16xf32, #tpu.memory_space<vmem>> -> memref<128x16xf32, #tpu.memory_space<vmem>>
      %dma_start3A_41 = arith.constant 0 : i32
      %dma_start3A_42 = tpu.memref_slice %arg9[%add3A_28, %dma_start3A_41] : memref<10240x16xf32, #tpu.memory_space<vmem_shared>> -> memref<128x16xf32, #tpu.memory_space<vmem_shared>>
      %dma_start3A_43 = arith.constant 0 : i32
      %dma_start3A_44 = arith.constant 0 : i32
      %dma_start3A_45 = tpu.memref_slice %arg8[%dma_start3A_43, %dma_start3A_44] : memref<128x16xf32, #tpu.memory_space<vmem>> -> memref<128x16xf32, #tpu.memory_space<vmem>>
      %dma_start3A_46 = arith.constant 0 : i32
      %dma_start3A_47 = tpu.memref_slice %arg9[%add3A_28, %dma_start3A_46] : memref<10240x16xf32, #tpu.memory_space<vmem_shared>> -> memref<128x16xf32, #tpu.memory_space<vmem_shared>>
      tpu.enqueue_dma source(%dma_start3A_47 : memref<128x16xf32, #tpu.memory_space<vmem_shared>>) target(%dma_start3A_45 : memref<128x16xf32, #tpu.memory_space<vmem>>) target_semaphore(%run_scoped3A : memref<!tpu.dma_semaphore, #tpu.memory_space<semaphore_mem>>)
      %dma_wait3A = arith.constant 0 : i32
      %dma_wait3A_48 = arith.constant 0 : i32
      %dma_wait3A_49 = tpu.memref_slice %arg8[%dma_wait3A, %dma_wait3A_48] : memref<128x16xf32, #tpu.memory_space<vmem>> -> memref<128x16xf32, #tpu.memory_space<vmem>>
      %dma_wait3A_50 = arith.constant 0 : i32
      %dma_wait3A_51 = tpu.memref_slice %arg9[%add3A_28, %dma_wait3A_50] : memref<10240x16xf32, #tpu.memory_space<vmem_shared>> -> memref<128x16xf32, #tpu.memory_space<vmem_shared>>
      %dma_wait3A_52 = arith.constant 0 : i32
      %dma_wait3A_53 = arith.constant 0 : i32
      %dma_wait3A_54 = tpu.memref_slice %arg8[%dma_wait3A_52, %dma_wait3A_53] : memref<128x16xf32, #tpu.memory_space<vmem>> -> memref<128x16xf32, #tpu.memory_space<vmem>>
      %dma_wait3A_55 = arith.constant 0 : i32
      %dma_wait3A_56 = tpu.memref_slice %arg9[%add3A_28, %dma_wait3A_55] : memref<10240x16xf32, #tpu.memory_space<vmem_shared>> -> memref<128x16xf32, #tpu.memory_space<vmem_shared>>
      tpu.wait_dma2 semaphore(%run_scoped3A : memref<!tpu.dma_semaphore, #tpu.memory_space<semaphore_mem>>) src(%dma_wait3A_56 : memref<128x16xf32, #tpu.memory_space<vmem_shared>>) dst(%dma_wait3A_54 : memref<128x16xf32, #tpu.memory_space<vmem>>)
      tpu.yield
    }) : () -> ()
    %add3A_29 = arith.constant 256 : i32
    %add3A_30 = arith.addi %mul3A_2, %add3A_29 : i32
    "tpu.region"() ({
      %run_scoped3A = tpu.sem_alloc : memref<!tpu.dma_semaphore, #tpu.memory_space<semaphore_mem>>
      %dma_start3A = arith.constant 0 : i32
      %dma_start3A_39 = arith.constant 0 : i32
      %dma_start3A_40 = tpu.memref_slice %arg8[%dma_start3A, %dma_start3A_39] : memref<128x16xf32, #tpu.memory_space<vmem>> -> memref<128x16xf32, #tpu.memory_space<vmem>>
      %dma_start3A_41 = arith.constant 0 : i32
      %dma_start3A_42 = tpu.memref_slice %arg5[%arg0, %add3A_30, %dma_start3A_41] : memref<2x10240x16xf32, #tpu.memory_space<hbm>> -> memref<1x128x16xf32, #tpu.memory_space<hbm>>
      %dma_start3A_43 = tpu.memref_squeeze %dma_start3A_42 : memref<1x128x16xf32, #tpu.memory_space<hbm>> -> memref<128x16xf32, #tpu.memory_space<hbm>>
      %dma_start3A_44 = arith.constant 0 : i32
      %dma_start3A_45 = tpu.memref_slice %arg5[%arg0, %add3A_30, %dma_start3A_44] : memref<2x10240x16xf32, #tpu.memory_space<hbm>> -> memref<1x128x16xf32, #tpu.memory_space<hbm>>
      %dma_start3A_46 = tpu.memref_squeeze %dma_start3A_45 : memref<1x128x16xf32, #tpu.memory_space<hbm>> -> memref<128x16xf32, #tpu.memory_space<hbm>>
      %dma_start3A_47 = arith.constant 0 : i32
      %dma_start3A_48 = arith.constant 0 : i32
      %dma_start3A_49 = tpu.memref_slice %arg8[%dma_start3A_47, %dma_start3A_48] : memref<128x16xf32, #tpu.memory_space<vmem>> -> memref<128x16xf32, #tpu.memory_space<vmem>>
      tpu.enqueue_dma source(%dma_start3A_49 : memref<128x16xf32, #tpu.memory_space<vmem>>) target(%dma_start3A_46 : memref<128x16xf32, #tpu.memory_space<hbm>>) target_semaphore(%run_scoped3A : memref<!tpu.dma_semaphore, #tpu.memory_space<semaphore_mem>>)
      %dma_wait3A = arith.constant 0 : i32
      %dma_wait3A_50 = arith.constant 0 : i32
      %dma_wait3A_51 = tpu.memref_slice %arg8[%dma_wait3A, %dma_wait3A_50] : memref<128x16xf32, #tpu.memory_space<vmem>> -> memref<128x16xf32, #tpu.memory_space<vmem>>
      %dma_wait3A_52 = arith.constant 0 : i32
      %dma_wait3A_53 = tpu.memref_slice %arg5[%arg0, %add3A_30, %dma_wait3A_52] : memref<2x10240x16xf32, #tpu.memory_space<hbm>> -> memref<1x128x16xf32, #tpu.memory_space<hbm>>
      %dma_wait3A_54 = tpu.memref_squeeze %dma_wait3A_53 : memref<1x128x16xf32, #tpu.memory_space<hbm>> -> memref<128x16xf32, #tpu.memory_space<hbm>>
      %dma_wait3A_55 = arith.constant 0 : i32
      %dma_wait3A_56 = tpu.memref_slice %arg5[%arg0, %add3A_30, %dma_wait3A_55] : memref<2x10240x16xf32, #tpu.memory_space<hbm>> -> memref<1x128x16xf32, #tpu.memory_space<hbm>>
      %dma_wait3A_57 = tpu.memref_squeeze %dma_wait3A_56 : memref<1x128x16xf32, #tpu.memory_space<hbm>> -> memref<128x16xf32, #tpu.memory_space<hbm>>
      %dma_wait3A_58 = arith.constant 0 : i32
      %dma_wait3A_59 = arith.constant 0 : i32
      %dma_wait3A_60 = tpu.memref_slice %arg8[%dma_wait3A_58, %dma_wait3A_59] : memref<128x16xf32, #tpu.memory_space<vmem>> -> memref<128x16xf32, #tpu.memory_space<vmem>>
      tpu.wait_dma2 semaphore(%run_scoped3A : memref<!tpu.dma_semaphore, #tpu.memory_space<semaphore_mem>>) src(%dma_wait3A_60 : memref<128x16xf32, #tpu.memory_space<vmem>>) dst(%dma_wait3A_57 : memref<128x16xf32, #tpu.memory_space<hbm>>)
      tpu.yield
    }) : () -> ()
    %add3A_31 = arith.constant 384 : i32
    %add3A_32 = arith.addi %mul3A_2, %add3A_31 : i32
    "tpu.region"() ({
      %run_scoped3A = tpu.sem_alloc : memref<!tpu.dma_semaphore, #tpu.memory_space<semaphore_mem>>
      %dma_start3A = arith.constant 0 : i32
      %dma_start3A_39 = arith.constant 0 : i32
      %dma_start3A_40 = tpu.memref_slice %arg8[%dma_start3A, %dma_start3A_39] : memref<128x16xf32, #tpu.memory_space<vmem>> -> memref<128x16xf32, #tpu.memory_space<vmem>>
      %dma_start3A_41 = arith.constant 0 : i32
      %dma_start3A_42 = tpu.memref_slice %arg9[%add3A_32, %dma_start3A_41] : memref<10240x16xf32, #tpu.memory_space<vmem_shared>> -> memref<128x16xf32, #tpu.memory_space<vmem_shared>>
      %dma_start3A_43 = arith.constant 0 : i32
      %dma_start3A_44 = arith.constant 0 : i32
      %dma_start3A_45 = tpu.memref_slice %arg8[%dma_start3A_43, %dma_start3A_44] : memref<128x16xf32, #tpu.memory_space<vmem>> -> memref<128x16xf32, #tpu.memory_space<vmem>>
      %dma_start3A_46 = arith.constant 0 : i32
      %dma_start3A_47 = tpu.memref_slice %arg9[%add3A_32, %dma_start3A_46] : memref<10240x16xf32, #tpu.memory_space<vmem_shared>> -> memref<128x16xf32, #tpu.memory_space<vmem_shared>>
      tpu.enqueue_dma source(%dma_start3A_47 : memref<128x16xf32, #tpu.memory_space<vmem_shared>>) target(%dma_start3A_45 : memref<128x16xf32, #tpu.memory_space<vmem>>) target_semaphore(%run_scoped3A : memref<!tpu.dma_semaphore, #tpu.memory_space<semaphore_mem>>)
      %dma_wait3A = arith.constant 0 : i32
      %dma_wait3A_48 = arith.constant 0 : i32
      %dma_wait3A_49 = tpu.memref_slice %arg8[%dma_wait3A, %dma_wait3A_48] : memref<128x16xf32, #tpu.memory_space<vmem>> -> memref<128x16xf32, #tpu.memory_space<vmem>>
      %dma_wait3A_50 = arith.constant 0 : i32
      %dma_wait3A_51 = tpu.memref_slice %arg9[%add3A_32, %dma_wait3A_50] : memref<10240x16xf32, #tpu.memory_space<vmem_shared>> -> memref<128x16xf32, #tpu.memory_space<vmem_shared>>
      %dma_wait3A_52 = arith.constant 0 : i32
      %dma_wait3A_53 = arith.constant 0 : i32
      %dma_wait3A_54 = tpu.memref_slice %arg8[%dma_wait3A_52, %dma_wait3A_53] : memref<128x16xf32, #tpu.memory_space<vmem>> -> memref<128x16xf32, #tpu.memory_space<vmem>>
      %dma_wait3A_55 = arith.constant 0 : i32
      %dma_wait3A_56 = tpu.memref_slice %arg9[%add3A_32, %dma_wait3A_55] : memref<10240x16xf32, #tpu.memory_space<vmem_shared>> -> memref<128x16xf32, #tpu.memory_space<vmem_shared>>
      tpu.wait_dma2 semaphore(%run_scoped3A : memref<!tpu.dma_semaphore, #tpu.memory_space<semaphore_mem>>) src(%dma_wait3A_56 : memref<128x16xf32, #tpu.memory_space<vmem_shared>>) dst(%dma_wait3A_54 : memref<128x16xf32, #tpu.memory_space<vmem>>)
      tpu.yield
    }) : () -> ()
    %add3A_33 = arith.constant 384 : i32
    %add3A_34 = arith.addi %mul3A_2, %add3A_33 : i32
    "tpu.region"() ({
      %run_scoped3A = tpu.sem_alloc : memref<!tpu.dma_semaphore, #tpu.memory_space<semaphore_mem>>
      %dma_start3A = arith.constant 0 : i32
      %dma_start3A_39 = arith.constant 0 : i32
      %dma_start3A_40 = tpu.memref_slice %arg8[%dma_start3A, %dma_start3A_39] : memref<128x16xf32, #tpu.memory_space<vmem>> -> memref<128x16xf32, #tpu.memory_space<vmem>>
      %dma_start3A_41 = arith.constant 0 : i32
      %dma_start3A_42 = tpu.memref_slice %arg5[%arg0, %add3A_34, %dma_start3A_41] : memref<2x10240x16xf32, #tpu.memory_space<hbm>> -> memref<1x128x16xf32, #tpu.memory_space<hbm>>
      %dma_start3A_43 = tpu.memref_squeeze %dma_start3A_42 : memref<1x128x16xf32, #tpu.memory_space<hbm>> -> memref<128x16xf32, #tpu.memory_space<hbm>>
      %dma_start3A_44 = arith.constant 0 : i32
      %dma_start3A_45 = tpu.memref_slice %arg5[%arg0, %add3A_34, %dma_start3A_44] : memref<2x10240x16xf32, #tpu.memory_space<hbm>> -> memref<1x128x16xf32, #tpu.memory_space<hbm>>
      %dma_start3A_46 = tpu.memref_squeeze %dma_start3A_45 : memref<1x128x16xf32, #tpu.memory_space<hbm>> -> memref<128x16xf32, #tpu.memory_space<hbm>>
      %dma_start3A_47 = arith.constant 0 : i32
      %dma_start3A_48 = arith.constant 0 : i32
      %dma_start3A_49 = tpu.memref_slice %arg8[%dma_start3A_47, %dma_start3A_48] : memref<128x16xf32, #tpu.memory_space<vmem>> -> memref<128x16xf32, #tpu.memory_space<vmem>>
      tpu.enqueue_dma source(%dma_start3A_49 : memref<128x16xf32, #tpu.memory_space<vmem>>) target(%dma_start3A_46 : memref<128x16xf32, #tpu.memory_space<hbm>>) target_semaphore(%run_scoped3A : memref<!tpu.dma_semaphore, #tpu.memory_space<semaphore_mem>>)
      %dma_wait3A = arith.constant 0 : i32
      %dma_wait3A_50 = arith.constant 0 : i32
      %dma_wait3A_51 = tpu.memref_slice %arg8[%dma_wait3A, %dma_wait3A_50] : memref<128x16xf32, #tpu.memory_space<vmem>> -> memref<128x16xf32, #tpu.memory_space<vmem>>
      %dma_wait3A_52 = arith.constant 0 : i32
      %dma_wait3A_53 = tpu.memref_slice %arg5[%arg0, %add3A_34, %dma_wait3A_52] : memref<2x10240x16xf32, #tpu.memory_space<hbm>> -> memref<1x128x16xf32, #tpu.memory_space<hbm>>
      %dma_wait3A_54 = tpu.memref_squeeze %dma_wait3A_53 : memref<1x128x16xf32, #tpu.memory_space<hbm>> -> memref<128x16xf32, #tpu.memory_space<hbm>>
      %dma_wait3A_55 = arith.constant 0 : i32
      %dma_wait3A_56 = tpu.memref_slice %arg5[%arg0, %add3A_34, %dma_wait3A_55] : memref<2x10240x16xf32, #tpu.memory_space<hbm>> -> memref<1x128x16xf32, #tpu.memory_space<hbm>>
      %dma_wait3A_57 = tpu.memref_squeeze %dma_wait3A_56 : memref<1x128x16xf32, #tpu.memory_space<hbm>> -> memref<128x16xf32, #tpu.memory_space<hbm>>
      %dma_wait3A_58 = arith.constant 0 : i32
      %dma_wait3A_59 = arith.constant 0 : i32
      %dma_wait3A_60 = tpu.memref_slice %arg8[%dma_wait3A_58, %dma_wait3A_59] : memref<128x16xf32, #tpu.memory_space<vmem>> -> memref<128x16xf32, #tpu.memory_space<vmem>>
      tpu.wait_dma2 semaphore(%run_scoped3A : memref<!tpu.dma_semaphore, #tpu.memory_space<semaphore_mem>>) src(%dma_wait3A_60 : memref<128x16xf32, #tpu.memory_space<vmem>>) dst(%dma_wait3A_57 : memref<128x16xf32, #tpu.memory_space<hbm>>)
      tpu.yield
    }) : () -> ()
    %add3A_35 = arith.constant 512 : i32
    %add3A_36 = arith.addi %mul3A_2, %add3A_35 : i32
    "tpu.region"() ({
      %run_scoped3A = tpu.sem_alloc : memref<!tpu.dma_semaphore, #tpu.memory_space<semaphore_mem>>
      %dma_start3A = arith.constant 0 : i32
      %dma_start3A_39 = arith.constant 0 : i32
      %dma_start3A_40 = tpu.memref_slice %arg8[%dma_start3A, %dma_start3A_39] : memref<128x16xf32, #tpu.memory_space<vmem>> -> memref<128x16xf32, #tpu.memory_space<vmem>>
      %dma_start3A_41 = arith.constant 0 : i32
      %dma_start3A_42 = tpu.memref_slice %arg9[%add3A_36, %dma_start3A_41] : memref<10240x16xf32, #tpu.memory_space<vmem_shared>> -> memref<128x16xf32, #tpu.memory_space<vmem_shared>>
      %dma_start3A_43 = arith.constant 0 : i32
      %dma_start3A_44 = arith.constant 0 : i32
      %dma_start3A_45 = tpu.memref_slice %arg8[%dma_start3A_43, %dma_start3A_44] : memref<128x16xf32, #tpu.memory_space<vmem>> -> memref<128x16xf32, #tpu.memory_space<vmem>>
      %dma_start3A_46 = arith.constant 0 : i32
      %dma_start3A_47 = tpu.memref_slice %arg9[%add3A_36, %dma_start3A_46] : memref<10240x16xf32, #tpu.memory_space<vmem_shared>> -> memref<128x16xf32, #tpu.memory_space<vmem_shared>>
      tpu.enqueue_dma source(%dma_start3A_47 : memref<128x16xf32, #tpu.memory_space<vmem_shared>>) target(%dma_start3A_45 : memref<128x16xf32, #tpu.memory_space<vmem>>) target_semaphore(%run_scoped3A : memref<!tpu.dma_semaphore, #tpu.memory_space<semaphore_mem>>)
      %dma_wait3A = arith.constant 0 : i32
      %dma_wait3A_48 = arith.constant 0 : i32
      %dma_wait3A_49 = tpu.memref_slice %arg8[%dma_wait3A, %dma_wait3A_48] : memref<128x16xf32, #tpu.memory_space<vmem>> -> memref<128x16xf32, #tpu.memory_space<vmem>>
      %dma_wait3A_50 = arith.constant 0 : i32
      %dma_wait3A_51 = tpu.memref_slice %arg9[%add3A_36, %dma_wait3A_50] : memref<10240x16xf32, #tpu.memory_space<vmem_shared>> -> memref<128x16xf32, #tpu.memory_space<vmem_shared>>
      %dma_wait3A_52 = arith.constant 0 : i32
      %dma_wait3A_53 = arith.constant 0 : i32
      %dma_wait3A_54 = tpu.memref_slice %arg8[%dma_wait3A_52, %dma_wait3A_53] : memref<128x16xf32, #tpu.memory_space<vmem>> -> memref<128x16xf32, #tpu.memory_space<vmem>>
      %dma_wait3A_55 = arith.constant 0 : i32
      %dma_wait3A_56 = tpu.memref_slice %arg9[%add3A_36, %dma_wait3A_55] : memref<10240x16xf32, #tpu.memory_space<vmem_shared>> -> memref<128x16xf32, #tpu.memory_space<vmem_shared>>
      tpu.wait_dma2 semaphore(%run_scoped3A : memref<!tpu.dma_semaphore, #tpu.memory_space<semaphore_mem>>) src(%dma_wait3A_56 : memref<128x16xf32, #tpu.memory_space<vmem_shared>>) dst(%dma_wait3A_54 : memref<128x16xf32, #tpu.memory_space<vmem>>)
      tpu.yield
    }) : () -> ()
    %add3A_37 = arith.constant 512 : i32
    %add3A_38 = arith.addi %mul3A_2, %add3A_37 : i32
    "tpu.region"() ({
      %run_scoped3A = tpu.sem_alloc : memref<!tpu.dma_semaphore, #tpu.memory_space<semaphore_mem>>
      %dma_start3A = arith.constant 0 : i32
      %dma_start3A_39 = arith.constant 0 : i32
      %dma_start3A_40 = tpu.memref_slice %arg8[%dma_start3A, %dma_start3A_39] : memref<128x16xf32, #tpu.memory_space<vmem>> -> memref<128x16xf32, #tpu.memory_space<vmem>>
      %dma_start3A_41 = arith.constant 0 : i32
      %dma_start3A_42 = tpu.memref_slice %arg5[%arg0, %add3A_38, %dma_start3A_41] : memref<2x10240x16xf32, #tpu.memory_space<hbm>> -> memref<1x128x16xf32, #tpu.memory_space<hbm>>
      %dma_start3A_43 = tpu.memref_squeeze %dma_start3A_42 : memref<1x128x16xf32, #tpu.memory_space<hbm>> -> memref<128x16xf32, #tpu.memory_space<hbm>>
      %dma_start3A_44 = arith.constant 0 : i32
      %dma_start3A_45 = tpu.memref_slice %arg5[%arg0, %add3A_38, %dma_start3A_44] : memref<2x10240x16xf32, #tpu.memory_space<hbm>> -> memref<1x128x16xf32, #tpu.memory_space<hbm>>
      %dma_start3A_46 = tpu.memref_squeeze %dma_start3A_45 : memref<1x128x16xf32, #tpu.memory_space<hbm>> -> memref<128x16xf32, #tpu.memory_space<hbm>>
      %dma_start3A_47 = arith.constant 0 : i32
      %dma_start3A_48 = arith.constant 0 : i32
      %dma_start3A_49 = tpu.memref_slice %arg8[%dma_start3A_47, %dma_start3A_48] : memref<128x16xf32, #tpu.memory_space<vmem>> -> memref<128x16xf32, #tpu.memory_space<vmem>>
      tpu.enqueue_dma source(%dma_start3A_49 : memref<128x16xf32, #tpu.memory_space<vmem>>) target(%dma_start3A_46 : memref<128x16xf32, #tpu.memory_space<hbm>>) target_semaphore(%run_scoped3A : memref<!tpu.dma_semaphore, #tpu.memory_space<semaphore_mem>>)
      %dma_wait3A = arith.constant 0 : i32
      %dma_wait3A_50 = arith.constant 0 : i32
      %dma_wait3A_51 = tpu.memref_slice %arg8[%dma_wait3A, %dma_wait3A_50] : memref<128x16xf32, #tpu.memory_space<vmem>> -> memref<128x16xf32, #tpu.memory_space<vmem>>
      %dma_wait3A_52 = arith.constant 0 : i32
      %dma_wait3A_53 = tpu.memref_slice %arg5[%arg0, %add3A_38, %dma_wait3A_52] : memref<2x10240x16xf32, #tpu.memory_space<hbm>> -> memref<1x128x16xf32, #tpu.memory_space<hbm>>
      %dma_wait3A_54 = tpu.memref_squeeze %dma_wait3A_53 : memref<1x128x16xf32, #tpu.memory_space<hbm>> -> memref<128x16xf32, #tpu.memory_space<hbm>>
      %dma_wait3A_55 = arith.constant 0 : i32
      %dma_wait3A_56 = tpu.memref_slice %arg5[%arg0, %add3A_38, %dma_wait3A_55] : memref<2x10240x16xf32, #tpu.memory_space<hbm>> -> memref<1x128x16xf32, #tpu.memory_space<hbm>>
      %dma_wait3A_57 = tpu.memref_squeeze %dma_wait3A_56 : memref<1x128x16xf32, #tpu.memory_space<hbm>> -> memref<128x16xf32, #tpu.memory_space<hbm>>
      %dma_wait3A_58 = arith.constant 0 : i32
      %dma_wait3A_59 = arith.constant 0 : i32
      %dma_wait3A_60 = tpu.memref_slice %arg8[%dma_wait3A_58, %dma_wait3A_59] : memref<128x16xf32, #tpu.memory_space<vmem>> -> memref<128x16xf32, #tpu.memory_space<vmem>>
      tpu.wait_dma2 semaphore(%run_scoped3A : memref<!tpu.dma_semaphore, #tpu.memory_space<semaphore_mem>>) src(%dma_wait3A_60 : memref<128x16xf32, #tpu.memory_space<vmem>>) dst(%dma_wait3A_57 : memref<128x16xf32, #tpu.memory_space<hbm>>)
      tpu.yield
    }) : () -> ()
    return
  }
}

#map = affine_map<(d0, d1) -> (0, 0)>
#map1 = affine_map<(d0, d1) -> (0)>
#map2 = affine_map<(d0, d1) -> (0, 0, 0)>
module attributes {stable_mosaic.version = 14 : i64} {
  func.func @_agg_body(%arg0: i32, %arg1: i32, %arg2: memref<10000x128xf32, #tpu.memory_space<hbm>>, %arg3: memref<320000xi32, #tpu.memory_space<hbm>>, %arg4: memref<320000xi32, #tpu.memory_space<hbm>>, %arg5: memref<128x128xf32, #tpu.memory_space<hbm>>, %arg6: memref<2x10240x128xf32, #tpu.memory_space<hbm>>, %arg7: memref<80xi32, #tpu.memory_space<vmem>>, %arg8: memref<80xi32, #tpu.memory_space<vmem>>, %arg9: memref<80xi32, #tpu.memory_space<vmem>>, %arg10: memref<80xi32, #tpu.memory_space<vmem>>, %arg11: memref<80x128xf32, #tpu.memory_space<vmem>>, %arg12: memref<80x128xf32, #tpu.memory_space<vmem>>, %arg13: memref<128x128xf32, #tpu.memory_space<vmem>>, %arg14: memref<10240x128xf32, #tpu.memory_space<vmem_shared>>, %arg15: memref<!tpu.dma_semaphore, #tpu.memory_space<semaphore_mem>>, %arg16: memref<!tpu.dma_semaphore, #tpu.memory_space<semaphore_mem>>) attributes {dimension_semantics = [#tpu.dimension_semantics<core_parallel>, #tpu.dimension_semantics<subcore_parallel>], iteration_bounds = array<i64: 2, 16>, scalar_prefetch = 0 : i64, scratch_operands = 10 : i64, tpu.core_type = #tpu.core_type<sc_vector_subcore>, window_params = [{transform_indices = #map}, {transform_indices = #map1}, {transform_indices = #map1}, {transform_indices = #map}, {transform_indices = #map2}]} {
    %mul3A = arith.constant 16 : i32
    %mul3A_0 = arith.muli %arg0, %mul3A : i32
    %add3A = arith.addi %mul3A_0, %arg1 : i32
    %mul3A_1 = arith.constant 640 : i32
    %mul3A_2 = arith.muli %arg1, %mul3A_1 : i32
    "tpu.region"() ({
      %run_scoped3A = tpu.sem_alloc : memref<!tpu.dma_semaphore, #tpu.memory_space<semaphore_mem>>
      tpu.enqueue_dma source(%arg5 : memref<128x128xf32, #tpu.memory_space<hbm>>) target(%arg13 : memref<128x128xf32, #tpu.memory_space<vmem>>) target_semaphore(%run_scoped3A : memref<!tpu.dma_semaphore, #tpu.memory_space<semaphore_mem>>)
      tpu.wait_dma2 semaphore(%run_scoped3A : memref<!tpu.dma_semaphore, #tpu.memory_space<semaphore_mem>>) src(%arg5 : memref<128x128xf32, #tpu.memory_space<hbm>>) dst(%arg13 : memref<128x128xf32, #tpu.memory_space<vmem>>)
      tpu.yield
    }) : () -> ()
    %add3A_3 = arith.constant 0 : i32
    %add3A_4 = arith.addi %mul3A_2, %add3A_3 : i32
    "tpu.region"() ({
      %run_scoped3A = tpu.sem_alloc : memref<!tpu.dma_semaphore, #tpu.memory_space<semaphore_mem>>
      %dma_start3A_67 = arith.constant 0 : i32
      %dma_start3A_68 = arith.constant 0 : i32
      %dma_start3A_69 = tpu.memref_slice %arg13[%dma_start3A_67, %dma_start3A_68] : memref<128x128xf32, #tpu.memory_space<vmem>> -> memref<128x128xf32, #tpu.memory_space<vmem>>
      %dma_start3A_70 = arith.constant 0 : i32
      %dma_start3A_71 = tpu.memref_slice %arg14[%add3A_4, %dma_start3A_70] : memref<10240x128xf32, #tpu.memory_space<vmem_shared>> -> memref<128x128xf32, #tpu.memory_space<vmem_shared>>
      %dma_start3A_72 = arith.constant 0 : i32
      %dma_start3A_73 = tpu.memref_slice %arg14[%add3A_4, %dma_start3A_72] : memref<10240x128xf32, #tpu.memory_space<vmem_shared>> -> memref<128x128xf32, #tpu.memory_space<vmem_shared>>
      %dma_start3A_74 = arith.constant 0 : i32
      %dma_start3A_75 = arith.constant 0 : i32
      %dma_start3A_76 = tpu.memref_slice %arg13[%dma_start3A_74, %dma_start3A_75] : memref<128x128xf32, #tpu.memory_space<vmem>> -> memref<128x128xf32, #tpu.memory_space<vmem>>
      tpu.enqueue_dma source(%dma_start3A_76 : memref<128x128xf32, #tpu.memory_space<vmem>>) target(%dma_start3A_73 : memref<128x128xf32, #tpu.memory_space<vmem_shared>>) target_semaphore(%run_scoped3A : memref<!tpu.dma_semaphore, #tpu.memory_space<semaphore_mem>>)
      %dma_wait3A_77 = arith.constant 0 : i32
      %dma_wait3A_78 = arith.constant 0 : i32
      %dma_wait3A_79 = tpu.memref_slice %arg13[%dma_wait3A_77, %dma_wait3A_78] : memref<128x128xf32, #tpu.memory_space<vmem>> -> memref<128x128xf32, #tpu.memory_space<vmem>>
      %dma_wait3A_80 = arith.constant 0 : i32
      %dma_wait3A_81 = tpu.memref_slice %arg14[%add3A_4, %dma_wait3A_80] : memref<10240x128xf32, #tpu.memory_space<vmem_shared>> -> memref<128x128xf32, #tpu.memory_space<vmem_shared>>
      %dma_wait3A_82 = arith.constant 0 : i32
      %dma_wait3A_83 = tpu.memref_slice %arg14[%add3A_4, %dma_wait3A_82] : memref<10240x128xf32, #tpu.memory_space<vmem_shared>> -> memref<128x128xf32, #tpu.memory_space<vmem_shared>>
      %dma_wait3A_84 = arith.constant 0 : i32
      %dma_wait3A_85 = arith.constant 0 : i32
      %dma_wait3A_86 = tpu.memref_slice %arg13[%dma_wait3A_84, %dma_wait3A_85] : memref<128x128xf32, #tpu.memory_space<vmem>> -> memref<128x128xf32, #tpu.memory_space<vmem>>
      tpu.wait_dma2 semaphore(%run_scoped3A : memref<!tpu.dma_semaphore, #tpu.memory_space<semaphore_mem>>) src(%dma_wait3A_86 : memref<128x128xf32, #tpu.memory_space<vmem>>) dst(%dma_wait3A_83 : memref<128x128xf32, #tpu.memory_space<vmem_shared>>)
      tpu.yield
    }) : () -> ()
    %add3A_5 = arith.constant 128 : i32
    %add3A_6 = arith.addi %mul3A_2, %add3A_5 : i32
    "tpu.region"() ({
      %run_scoped3A = tpu.sem_alloc : memref<!tpu.dma_semaphore, #tpu.memory_space<semaphore_mem>>
      %dma_start3A_67 = arith.constant 0 : i32
      %dma_start3A_68 = arith.constant 0 : i32
      %dma_start3A_69 = tpu.memref_slice %arg13[%dma_start3A_67, %dma_start3A_68] : memref<128x128xf32, #tpu.memory_space<vmem>> -> memref<128x128xf32, #tpu.memory_space<vmem>>
      %dma_start3A_70 = arith.constant 0 : i32
      %dma_start3A_71 = tpu.memref_slice %arg14[%add3A_6, %dma_start3A_70] : memref<10240x128xf32, #tpu.memory_space<vmem_shared>> -> memref<128x128xf32, #tpu.memory_space<vmem_shared>>
      %dma_start3A_72 = arith.constant 0 : i32
      %dma_start3A_73 = tpu.memref_slice %arg14[%add3A_6, %dma_start3A_72] : memref<10240x128xf32, #tpu.memory_space<vmem_shared>> -> memref<128x128xf32, #tpu.memory_space<vmem_shared>>
      %dma_start3A_74 = arith.constant 0 : i32
      %dma_start3A_75 = arith.constant 0 : i32
      %dma_start3A_76 = tpu.memref_slice %arg13[%dma_start3A_74, %dma_start3A_75] : memref<128x128xf32, #tpu.memory_space<vmem>> -> memref<128x128xf32, #tpu.memory_space<vmem>>
      tpu.enqueue_dma source(%dma_start3A_76 : memref<128x128xf32, #tpu.memory_space<vmem>>) target(%dma_start3A_73 : memref<128x128xf32, #tpu.memory_space<vmem_shared>>) target_semaphore(%run_scoped3A : memref<!tpu.dma_semaphore, #tpu.memory_space<semaphore_mem>>)
      %dma_wait3A_77 = arith.constant 0 : i32
      %dma_wait3A_78 = arith.constant 0 : i32
      %dma_wait3A_79 = tpu.memref_slice %arg13[%dma_wait3A_77, %dma_wait3A_78] : memref<128x128xf32, #tpu.memory_space<vmem>> -> memref<128x128xf32, #tpu.memory_space<vmem>>
      %dma_wait3A_80 = arith.constant 0 : i32
      %dma_wait3A_81 = tpu.memref_slice %arg14[%add3A_6, %dma_wait3A_80] : memref<10240x128xf32, #tpu.memory_space<vmem_shared>> -> memref<128x128xf32, #tpu.memory_space<vmem_shared>>
      %dma_wait3A_82 = arith.constant 0 : i32
      %dma_wait3A_83 = tpu.memref_slice %arg14[%add3A_6, %dma_wait3A_82] : memref<10240x128xf32, #tpu.memory_space<vmem_shared>> -> memref<128x128xf32, #tpu.memory_space<vmem_shared>>
      %dma_wait3A_84 = arith.constant 0 : i32
      %dma_wait3A_85 = arith.constant 0 : i32
      %dma_wait3A_86 = tpu.memref_slice %arg13[%dma_wait3A_84, %dma_wait3A_85] : memref<128x128xf32, #tpu.memory_space<vmem>> -> memref<128x128xf32, #tpu.memory_space<vmem>>
      tpu.wait_dma2 semaphore(%run_scoped3A : memref<!tpu.dma_semaphore, #tpu.memory_space<semaphore_mem>>) src(%dma_wait3A_86 : memref<128x128xf32, #tpu.memory_space<vmem>>) dst(%dma_wait3A_83 : memref<128x128xf32, #tpu.memory_space<vmem_shared>>)
      tpu.yield
    }) : () -> ()
    %add3A_7 = arith.constant 256 : i32
    %add3A_8 = arith.addi %mul3A_2, %add3A_7 : i32
    "tpu.region"() ({
      %run_scoped3A = tpu.sem_alloc : memref<!tpu.dma_semaphore, #tpu.memory_space<semaphore_mem>>
      %dma_start3A_67 = arith.constant 0 : i32
      %dma_start3A_68 = arith.constant 0 : i32
      %dma_start3A_69 = tpu.memref_slice %arg13[%dma_start3A_67, %dma_start3A_68] : memref<128x128xf32, #tpu.memory_space<vmem>> -> memref<128x128xf32, #tpu.memory_space<vmem>>
      %dma_start3A_70 = arith.constant 0 : i32
      %dma_start3A_71 = tpu.memref_slice %arg14[%add3A_8, %dma_start3A_70] : memref<10240x128xf32, #tpu.memory_space<vmem_shared>> -> memref<128x128xf32, #tpu.memory_space<vmem_shared>>
      %dma_start3A_72 = arith.constant 0 : i32
      %dma_start3A_73 = tpu.memref_slice %arg14[%add3A_8, %dma_start3A_72] : memref<10240x128xf32, #tpu.memory_space<vmem_shared>> -> memref<128x128xf32, #tpu.memory_space<vmem_shared>>
      %dma_start3A_74 = arith.constant 0 : i32
      %dma_start3A_75 = arith.constant 0 : i32
      %dma_start3A_76 = tpu.memref_slice %arg13[%dma_start3A_74, %dma_start3A_75] : memref<128x128xf32, #tpu.memory_space<vmem>> -> memref<128x128xf32, #tpu.memory_space<vmem>>
      tpu.enqueue_dma source(%dma_start3A_76 : memref<128x128xf32, #tpu.memory_space<vmem>>) target(%dma_start3A_73 : memref<128x128xf32, #tpu.memory_space<vmem_shared>>) target_semaphore(%run_scoped3A : memref<!tpu.dma_semaphore, #tpu.memory_space<semaphore_mem>>)
      %dma_wait3A_77 = arith.constant 0 : i32
      %dma_wait3A_78 = arith.constant 0 : i32
      %dma_wait3A_79 = tpu.memref_slice %arg13[%dma_wait3A_77, %dma_wait3A_78] : memref<128x128xf32, #tpu.memory_space<vmem>> -> memref<128x128xf32, #tpu.memory_space<vmem>>
      %dma_wait3A_80 = arith.constant 0 : i32
      %dma_wait3A_81 = tpu.memref_slice %arg14[%add3A_8, %dma_wait3A_80] : memref<10240x128xf32, #tpu.memory_space<vmem_shared>> -> memref<128x128xf32, #tpu.memory_space<vmem_shared>>
      %dma_wait3A_82 = arith.constant 0 : i32
      %dma_wait3A_83 = tpu.memref_slice %arg14[%add3A_8, %dma_wait3A_82] : memref<10240x128xf32, #tpu.memory_space<vmem_shared>> -> memref<128x128xf32, #tpu.memory_space<vmem_shared>>
      %dma_wait3A_84 = arith.constant 0 : i32
      %dma_wait3A_85 = arith.constant 0 : i32
      %dma_wait3A_86 = tpu.memref_slice %arg13[%dma_wait3A_84, %dma_wait3A_85] : memref<128x128xf32, #tpu.memory_space<vmem>> -> memref<128x128xf32, #tpu.memory_space<vmem>>
      tpu.wait_dma2 semaphore(%run_scoped3A : memref<!tpu.dma_semaphore, #tpu.memory_space<semaphore_mem>>) src(%dma_wait3A_86 : memref<128x128xf32, #tpu.memory_space<vmem>>) dst(%dma_wait3A_83 : memref<128x128xf32, #tpu.memory_space<vmem_shared>>)
      tpu.yield
    }) : () -> ()
    %add3A_9 = arith.constant 384 : i32
    %add3A_10 = arith.addi %mul3A_2, %add3A_9 : i32
    "tpu.region"() ({
      %run_scoped3A = tpu.sem_alloc : memref<!tpu.dma_semaphore, #tpu.memory_space<semaphore_mem>>
      %dma_start3A_67 = arith.constant 0 : i32
      %dma_start3A_68 = arith.constant 0 : i32
      %dma_start3A_69 = tpu.memref_slice %arg13[%dma_start3A_67, %dma_start3A_68] : memref<128x128xf32, #tpu.memory_space<vmem>> -> memref<128x128xf32, #tpu.memory_space<vmem>>
      %dma_start3A_70 = arith.constant 0 : i32
      %dma_start3A_71 = tpu.memref_slice %arg14[%add3A_10, %dma_start3A_70] : memref<10240x128xf32, #tpu.memory_space<vmem_shared>> -> memref<128x128xf32, #tpu.memory_space<vmem_shared>>
      %dma_start3A_72 = arith.constant 0 : i32
      %dma_start3A_73 = tpu.memref_slice %arg14[%add3A_10, %dma_start3A_72] : memref<10240x128xf32, #tpu.memory_space<vmem_shared>> -> memref<128x128xf32, #tpu.memory_space<vmem_shared>>
      %dma_start3A_74 = arith.constant 0 : i32
      %dma_start3A_75 = arith.constant 0 : i32
      %dma_start3A_76 = tpu.memref_slice %arg13[%dma_start3A_74, %dma_start3A_75] : memref<128x128xf32, #tpu.memory_space<vmem>> -> memref<128x128xf32, #tpu.memory_space<vmem>>
      tpu.enqueue_dma source(%dma_start3A_76 : memref<128x128xf32, #tpu.memory_space<vmem>>) target(%dma_start3A_73 : memref<128x128xf32, #tpu.memory_space<vmem_shared>>) target_semaphore(%run_scoped3A : memref<!tpu.dma_semaphore, #tpu.memory_space<semaphore_mem>>)
      %dma_wait3A_77 = arith.constant 0 : i32
      %dma_wait3A_78 = arith.constant 0 : i32
      %dma_wait3A_79 = tpu.memref_slice %arg13[%dma_wait3A_77, %dma_wait3A_78] : memref<128x128xf32, #tpu.memory_space<vmem>> -> memref<128x128xf32, #tpu.memory_space<vmem>>
      %dma_wait3A_80 = arith.constant 0 : i32
      %dma_wait3A_81 = tpu.memref_slice %arg14[%add3A_10, %dma_wait3A_80] : memref<10240x128xf32, #tpu.memory_space<vmem_shared>> -> memref<128x128xf32, #tpu.memory_space<vmem_shared>>
      %dma_wait3A_82 = arith.constant 0 : i32
      %dma_wait3A_83 = tpu.memref_slice %arg14[%add3A_10, %dma_wait3A_82] : memref<10240x128xf32, #tpu.memory_space<vmem_shared>> -> memref<128x128xf32, #tpu.memory_space<vmem_shared>>
      %dma_wait3A_84 = arith.constant 0 : i32
      %dma_wait3A_85 = arith.constant 0 : i32
      %dma_wait3A_86 = tpu.memref_slice %arg13[%dma_wait3A_84, %dma_wait3A_85] : memref<128x128xf32, #tpu.memory_space<vmem>> -> memref<128x128xf32, #tpu.memory_space<vmem>>
      tpu.wait_dma2 semaphore(%run_scoped3A : memref<!tpu.dma_semaphore, #tpu.memory_space<semaphore_mem>>) src(%dma_wait3A_86 : memref<128x128xf32, #tpu.memory_space<vmem>>) dst(%dma_wait3A_83 : memref<128x128xf32, #tpu.memory_space<vmem_shared>>)
      tpu.yield
    }) : () -> ()
    %add3A_11 = arith.constant 512 : i32
    %add3A_12 = arith.addi %mul3A_2, %add3A_11 : i32
    "tpu.region"() ({
      %run_scoped3A = tpu.sem_alloc : memref<!tpu.dma_semaphore, #tpu.memory_space<semaphore_mem>>
      %dma_start3A_67 = arith.constant 0 : i32
      %dma_start3A_68 = arith.constant 0 : i32
      %dma_start3A_69 = tpu.memref_slice %arg13[%dma_start3A_67, %dma_start3A_68] : memref<128x128xf32, #tpu.memory_space<vmem>> -> memref<128x128xf32, #tpu.memory_space<vmem>>
      %dma_start3A_70 = arith.constant 0 : i32
      %dma_start3A_71 = tpu.memref_slice %arg14[%add3A_12, %dma_start3A_70] : memref<10240x128xf32, #tpu.memory_space<vmem_shared>> -> memref<128x128xf32, #tpu.memory_space<vmem_shared>>
      %dma_start3A_72 = arith.constant 0 : i32
      %dma_start3A_73 = tpu.memref_slice %arg14[%add3A_12, %dma_start3A_72] : memref<10240x128xf32, #tpu.memory_space<vmem_shared>> -> memref<128x128xf32, #tpu.memory_space<vmem_shared>>
      %dma_start3A_74 = arith.constant 0 : i32
      %dma_start3A_75 = arith.constant 0 : i32
      %dma_start3A_76 = tpu.memref_slice %arg13[%dma_start3A_74, %dma_start3A_75] : memref<128x128xf32, #tpu.memory_space<vmem>> -> memref<128x128xf32, #tpu.memory_space<vmem>>
      tpu.enqueue_dma source(%dma_start3A_76 : memref<128x128xf32, #tpu.memory_space<vmem>>) target(%dma_start3A_73 : memref<128x128xf32, #tpu.memory_space<vmem_shared>>) target_semaphore(%run_scoped3A : memref<!tpu.dma_semaphore, #tpu.memory_space<semaphore_mem>>)
      %dma_wait3A_77 = arith.constant 0 : i32
      %dma_wait3A_78 = arith.constant 0 : i32
      %dma_wait3A_79 = tpu.memref_slice %arg13[%dma_wait3A_77, %dma_wait3A_78] : memref<128x128xf32, #tpu.memory_space<vmem>> -> memref<128x128xf32, #tpu.memory_space<vmem>>
      %dma_wait3A_80 = arith.constant 0 : i32
      %dma_wait3A_81 = tpu.memref_slice %arg14[%add3A_12, %dma_wait3A_80] : memref<10240x128xf32, #tpu.memory_space<vmem_shared>> -> memref<128x128xf32, #tpu.memory_space<vmem_shared>>
      %dma_wait3A_82 = arith.constant 0 : i32
      %dma_wait3A_83 = tpu.memref_slice %arg14[%add3A_12, %dma_wait3A_82] : memref<10240x128xf32, #tpu.memory_space<vmem_shared>> -> memref<128x128xf32, #tpu.memory_space<vmem_shared>>
      %dma_wait3A_84 = arith.constant 0 : i32
      %dma_wait3A_85 = arith.constant 0 : i32
      %dma_wait3A_86 = tpu.memref_slice %arg13[%dma_wait3A_84, %dma_wait3A_85] : memref<128x128xf32, #tpu.memory_space<vmem>> -> memref<128x128xf32, #tpu.memory_space<vmem>>
      tpu.wait_dma2 semaphore(%run_scoped3A : memref<!tpu.dma_semaphore, #tpu.memory_space<semaphore_mem>>) src(%dma_wait3A_86 : memref<128x128xf32, #tpu.memory_space<vmem>>) dst(%dma_wait3A_83 : memref<128x128xf32, #tpu.memory_space<vmem_shared>>)
      tpu.yield
    }) : () -> ()
    %mul3A_13 = arith.constant 10000 : i32
    %mul3A_14 = arith.muli %add3A, %mul3A_13 : i32
    %add3A_15 = arith.constant 0 : i32
    %add3A_16 = arith.addi %mul3A_14, %add3A_15 : i32
    "tpu.region"() ({
      %run_scoped3A = tpu.sem_alloc : memref<!tpu.dma_semaphore, #tpu.memory_space<semaphore_mem>>
      %dma_start3A_67 = tpu.memref_slice %arg3[%add3A_16] : memref<320000xi32, #tpu.memory_space<hbm>> -> memref<80xi32, #tpu.memory_space<hbm>>
      %dma_start3A_68 = tpu.memref_slice %arg3[%add3A_16] : memref<320000xi32, #tpu.memory_space<hbm>> -> memref<80xi32, #tpu.memory_space<hbm>>
      tpu.enqueue_dma source(%dma_start3A_68 : memref<80xi32, #tpu.memory_space<hbm>>) target(%arg7 : memref<80xi32, #tpu.memory_space<vmem>>) target_semaphore(%run_scoped3A : memref<!tpu.dma_semaphore, #tpu.memory_space<semaphore_mem>>)
      %dma_wait3A_69 = tpu.memref_slice %arg3[%add3A_16] : memref<320000xi32, #tpu.memory_space<hbm>> -> memref<80xi32, #tpu.memory_space<hbm>>
      %dma_wait3A_70 = tpu.memref_slice %arg3[%add3A_16] : memref<320000xi32, #tpu.memory_space<hbm>> -> memref<80xi32, #tpu.memory_space<hbm>>
      tpu.wait_dma2 semaphore(%run_scoped3A : memref<!tpu.dma_semaphore, #tpu.memory_space<semaphore_mem>>) src(%dma_wait3A_70 : memref<80xi32, #tpu.memory_space<hbm>>) dst(%arg7 : memref<80xi32, #tpu.memory_space<vmem>>)
      tpu.yield
    }) : () -> ()
    "tpu.region"() ({
      %run_scoped3A = tpu.sem_alloc : memref<!tpu.dma_semaphore, #tpu.memory_space<semaphore_mem>>
      %dma_start3A_67 = tpu.memref_slice %arg4[%add3A_16] : memref<320000xi32, #tpu.memory_space<hbm>> -> memref<80xi32, #tpu.memory_space<hbm>>
      %dma_start3A_68 = tpu.memref_slice %arg4[%add3A_16] : memref<320000xi32, #tpu.memory_space<hbm>> -> memref<80xi32, #tpu.memory_space<hbm>>
      tpu.enqueue_dma source(%dma_start3A_68 : memref<80xi32, #tpu.memory_space<hbm>>) target(%arg9 : memref<80xi32, #tpu.memory_space<vmem>>) target_semaphore(%run_scoped3A : memref<!tpu.dma_semaphore, #tpu.memory_space<semaphore_mem>>)
      %dma_wait3A_69 = tpu.memref_slice %arg4[%add3A_16] : memref<320000xi32, #tpu.memory_space<hbm>> -> memref<80xi32, #tpu.memory_space<hbm>>
      %dma_wait3A_70 = tpu.memref_slice %arg4[%add3A_16] : memref<320000xi32, #tpu.memory_space<hbm>> -> memref<80xi32, #tpu.memory_space<hbm>>
      tpu.wait_dma2 semaphore(%run_scoped3A : memref<!tpu.dma_semaphore, #tpu.memory_space<semaphore_mem>>) src(%dma_wait3A_70 : memref<80xi32, #tpu.memory_space<hbm>>) dst(%arg9 : memref<80xi32, #tpu.memory_space<vmem>>)
      tpu.yield
    }) : () -> ()
    %mul3A_17 = arith.constant 10000 : i32
    %mul3A_18 = arith.muli %add3A, %mul3A_17 : i32
    %add3A_19 = arith.constant 80 : i32
    %add3A_20 = arith.addi %mul3A_18, %add3A_19 : i32
    "tpu.region"() ({
      %run_scoped3A = tpu.sem_alloc : memref<!tpu.dma_semaphore, #tpu.memory_space<semaphore_mem>>
      %dma_start3A_67 = tpu.memref_slice %arg3[%add3A_20] : memref<320000xi32, #tpu.memory_space<hbm>> -> memref<80xi32, #tpu.memory_space<hbm>>
      %dma_start3A_68 = tpu.memref_slice %arg3[%add3A_20] : memref<320000xi32, #tpu.memory_space<hbm>> -> memref<80xi32, #tpu.memory_space<hbm>>
      tpu.enqueue_dma source(%dma_start3A_68 : memref<80xi32, #tpu.memory_space<hbm>>) target(%arg8 : memref<80xi32, #tpu.memory_space<vmem>>) target_semaphore(%run_scoped3A : memref<!tpu.dma_semaphore, #tpu.memory_space<semaphore_mem>>)
      %dma_wait3A_69 = tpu.memref_slice %arg3[%add3A_20] : memref<320000xi32, #tpu.memory_space<hbm>> -> memref<80xi32, #tpu.memory_space<hbm>>
      %dma_wait3A_70 = tpu.memref_slice %arg3[%add3A_20] : memref<320000xi32, #tpu.memory_space<hbm>> -> memref<80xi32, #tpu.memory_space<hbm>>
      tpu.wait_dma2 semaphore(%run_scoped3A : memref<!tpu.dma_semaphore, #tpu.memory_space<semaphore_mem>>) src(%dma_wait3A_70 : memref<80xi32, #tpu.memory_space<hbm>>) dst(%arg8 : memref<80xi32, #tpu.memory_space<vmem>>)
      tpu.yield
    }) : () -> ()
    "tpu.region"() ({
      %run_scoped3A = tpu.sem_alloc : memref<!tpu.dma_semaphore, #tpu.memory_space<semaphore_mem>>
      %dma_start3A_67 = tpu.memref_slice %arg4[%add3A_20] : memref<320000xi32, #tpu.memory_space<hbm>> -> memref<80xi32, #tpu.memory_space<hbm>>
      %dma_start3A_68 = tpu.memref_slice %arg4[%add3A_20] : memref<320000xi32, #tpu.memory_space<hbm>> -> memref<80xi32, #tpu.memory_space<hbm>>
      tpu.enqueue_dma source(%dma_start3A_68 : memref<80xi32, #tpu.memory_space<hbm>>) target(%arg10 : memref<80xi32, #tpu.memory_space<vmem>>) target_semaphore(%run_scoped3A : memref<!tpu.dma_semaphore, #tpu.memory_space<semaphore_mem>>)
      %dma_wait3A_69 = tpu.memref_slice %arg4[%add3A_20] : memref<320000xi32, #tpu.memory_space<hbm>> -> memref<80xi32, #tpu.memory_space<hbm>>
      %dma_wait3A_70 = tpu.memref_slice %arg4[%add3A_20] : memref<320000xi32, #tpu.memory_space<hbm>> -> memref<80xi32, #tpu.memory_space<hbm>>
      tpu.wait_dma2 semaphore(%run_scoped3A : memref<!tpu.dma_semaphore, #tpu.memory_space<semaphore_mem>>) src(%dma_wait3A_70 : memref<80xi32, #tpu.memory_space<hbm>>) dst(%arg10 : memref<80xi32, #tpu.memory_space<vmem>>)
      tpu.yield
    }) : () -> ()
    %barrier3A = arith.constant 0 : index
    tpu.barrier barrier_id(%barrier3A)
    %dma_start3A = arith.constant 0 : i32
    %dma_start3A_21 = arith.constant 0 : i32
    %dma_start3A_22 = tpu.memref_slice %arg2[%dma_start3A, %dma_start3A_21] : memref<10000x128xf32, #tpu.memory_space<hbm>> -> memref<10000x128xf32, #tpu.memory_space<hbm>>
    tpu.enqueue_indirect_dma source(%dma_start3A_22 : memref<10000x128xf32, #tpu.memory_space<hbm>>) target(%arg11 : memref<80x128xf32, #tpu.memory_space<vmem>>) offsets(%arg7 : memref<80xi32, #tpu.memory_space<vmem>>) semaphore(%arg15 : memref<!tpu.dma_semaphore, #tpu.memory_space<semaphore_mem>>)
    %dma_start3A_23 = arith.constant 0 : i32
    %dma_start3A_24 = arith.constant 0 : i32
    %dma_start3A_25 = tpu.memref_slice %arg2[%dma_start3A_23, %dma_start3A_24] : memref<10000x128xf32, #tpu.memory_space<hbm>> -> memref<10000x128xf32, #tpu.memory_space<hbm>>
    tpu.enqueue_indirect_dma source(%dma_start3A_25 : memref<10000x128xf32, #tpu.memory_space<hbm>>) target(%arg12 : memref<80x128xf32, #tpu.memory_space<vmem>>) offsets(%arg8 : memref<80xi32, #tpu.memory_space<vmem>>) semaphore(%arg16 : memref<!tpu.dma_semaphore, #tpu.memory_space<semaphore_mem>>)
    %scan3A = arith.constant 0 : i32
    %scan3A_26 = arith.constant 0 : i32
    %scan3A_27 = arith.constant 61 : i32
    %scan3A_28 = arith.addi %scan3A_26, %scan3A_27 : i32
    %scan3A_29 = arith.constant 1 : i32
    scf.for %scan3A_67 = %scan3A_26 to %scan3A_28 step %scan3A_29  : i32 {
      %mul3A_68 = arith.constant 2 : i32
      %mul3A_69 = arith.muli %scan3A_67, %mul3A_68 : i32
      %add3A_70 = arith.constant 2 : i32
      %add3A_71 = arith.addi %mul3A_69, %add3A_70 : i32
      %dma_wait3A_72 = arith.constant 0 : i32
      %dma_wait3A_73 = arith.constant 0 : i32
      %dma_wait3A_74 = tpu.memref_slice %arg2[%dma_wait3A_72, %dma_wait3A_73] : memref<10000x128xf32, #tpu.memory_space<hbm>> -> memref<10000x128xf32, #tpu.memory_space<hbm>>
      tpu.wait_indirect_dma semaphore(%arg15 : memref<!tpu.dma_semaphore, #tpu.memory_space<semaphore_mem>>) src(%dma_wait3A_74 : memref<10000x128xf32, #tpu.memory_space<hbm>>) dst(%arg11 : memref<80x128xf32, #tpu.memory_space<vmem>>)
      "tpu.region"() ({
        %run_scoped3A = tpu.sem_alloc : memref<!tpu.dma_semaphore, #tpu.memory_space<semaphore_mem>>
        %dma_start3A_96 = arith.constant 0 : i32
        %dma_start3A_97 = arith.constant 0 : i32
        %dma_start3A_98 = tpu.memref_slice %arg14[%dma_start3A_96, %dma_start3A_97] : memref<10240x128xf32, #tpu.memory_space<vmem_shared>> -> memref<10240x128xf32, #tpu.memory_space<vmem_shared>>
        tpu.enqueue_indirect_dma source(%arg11 : memref<80x128xf32, #tpu.memory_space<vmem>>) target(%dma_start3A_98 : memref<10240x128xf32, #tpu.memory_space<vmem_shared>>) offsets(%arg9 : memref<80xi32, #tpu.memory_space<vmem>>) semaphore(%run_scoped3A : memref<!tpu.dma_semaphore, #tpu.memory_space<semaphore_mem>>) {add = true}
        %dma_wait3A_99 = arith.constant 0 : i32
        %dma_wait3A_100 = arith.constant 0 : i32
        %dma_wait3A_101 = tpu.memref_slice %arg14[%dma_wait3A_99, %dma_wait3A_100] : memref<10240x128xf32, #tpu.memory_space<vmem_shared>> -> memref<10240x128xf32, #tpu.memory_space<vmem_shared>>
        tpu.wait_indirect_dma semaphore(%run_scoped3A : memref<!tpu.dma_semaphore, #tpu.memory_space<semaphore_mem>>) src(%arg11 : memref<80x128xf32, #tpu.memory_space<vmem>>) dst(%dma_wait3A_101 : memref<10240x128xf32, #tpu.memory_space<vmem_shared>>)
        tpu.yield
      }) : () -> ()
      %mul3A_75 = arith.constant 10000 : i32
      %mul3A_76 = arith.muli %add3A, %mul3A_75 : i32
      %mul3A_77 = arith.constant 80 : i32
      %mul3A_78 = arith.muli %add3A_71, %mul3A_77 : i32
      %add3A_79 = arith.addi %mul3A_76, %mul3A_78 : i32
      "tpu.region"() ({
        %run_scoped3A = tpu.sem_alloc : memref<!tpu.dma_semaphore, #tpu.memory_space<semaphore_mem>>
        %dma_start3A_96 = tpu.memref_slice %arg3[%add3A_79] : memref<320000xi32, #tpu.memory_space<hbm>> -> memref<80xi32, #tpu.memory_space<hbm>>
        %dma_start3A_97 = tpu.memref_slice %arg3[%add3A_79] : memref<320000xi32, #tpu.memory_space<hbm>> -> memref<80xi32, #tpu.memory_space<hbm>>
        tpu.enqueue_dma source(%dma_start3A_97 : memref<80xi32, #tpu.memory_space<hbm>>) target(%arg7 : memref<80xi32, #tpu.memory_space<vmem>>) target_semaphore(%run_scoped3A : memref<!tpu.dma_semaphore, #tpu.memory_space<semaphore_mem>>)
        %dma_wait3A_98 = tpu.memref_slice %arg3[%add3A_79] : memref<320000xi32, #tpu.memory_space<hbm>> -> memref<80xi32, #tpu.memory_space<hbm>>
        %dma_wait3A_99 = tpu.memref_slice %arg3[%add3A_79] : memref<320000xi32, #tpu.memory_space<hbm>> -> memref<80xi32, #tpu.memory_space<hbm>>
        tpu.wait_dma2 semaphore(%run_scoped3A : memref<!tpu.dma_semaphore, #tpu.memory_space<semaphore_mem>>) src(%dma_wait3A_99 : memref<80xi32, #tpu.memory_space<hbm>>) dst(%arg7 : memref<80xi32, #tpu.memory_space<vmem>>)
        tpu.yield
      }) : () -> ()
      "tpu.region"() ({
        %run_scoped3A = tpu.sem_alloc : memref<!tpu.dma_semaphore, #tpu.memory_space<semaphore_mem>>
        %dma_start3A_96 = tpu.memref_slice %arg4[%add3A_79] : memref<320000xi32, #tpu.memory_space<hbm>> -> memref<80xi32, #tpu.memory_space<hbm>>
        %dma_start3A_97 = tpu.memref_slice %arg4[%add3A_79] : memref<320000xi32, #tpu.memory_space<hbm>> -> memref<80xi32, #tpu.memory_space<hbm>>
        tpu.enqueue_dma source(%dma_start3A_97 : memref<80xi32, #tpu.memory_space<hbm>>) target(%arg9 : memref<80xi32, #tpu.memory_space<vmem>>) target_semaphore(%run_scoped3A : memref<!tpu.dma_semaphore, #tpu.memory_space<semaphore_mem>>)
        %dma_wait3A_98 = tpu.memref_slice %arg4[%add3A_79] : memref<320000xi32, #tpu.memory_space<hbm>> -> memref<80xi32, #tpu.memory_space<hbm>>
        %dma_wait3A_99 = tpu.memref_slice %arg4[%add3A_79] : memref<320000xi32, #tpu.memory_space<hbm>> -> memref<80xi32, #tpu.memory_space<hbm>>
        tpu.wait_dma2 semaphore(%run_scoped3A : memref<!tpu.dma_semaphore, #tpu.memory_space<semaphore_mem>>) src(%dma_wait3A_99 : memref<80xi32, #tpu.memory_space<hbm>>) dst(%arg9 : memref<80xi32, #tpu.memory_space<vmem>>)
        tpu.yield
      }) : () -> ()
      %dma_start3A_80 = arith.constant 0 : i32
      %dma_start3A_81 = arith.constant 0 : i32
      %dma_start3A_82 = tpu.memref_slice %arg2[%dma_start3A_80, %dma_start3A_81] : memref<10000x128xf32, #tpu.memory_space<hbm>> -> memref<10000x128xf32, #tpu.memory_space<hbm>>
      tpu.enqueue_indirect_dma source(%dma_start3A_82 : memref<10000x128xf32, #tpu.memory_space<hbm>>) target(%arg11 : memref<80x128xf32, #tpu.memory_space<vmem>>) offsets(%arg7 : memref<80xi32, #tpu.memory_space<vmem>>) semaphore(%arg15 : memref<!tpu.dma_semaphore, #tpu.memory_space<semaphore_mem>>)
      %add3A_83 = arith.constant 3 : i32
      %add3A_84 = arith.addi %mul3A_69, %add3A_83 : i32
      %dma_wait3A_85 = arith.constant 0 : i32
      %dma_wait3A_86 = arith.constant 0 : i32
      %dma_wait3A_87 = tpu.memref_slice %arg2[%dma_wait3A_85, %dma_wait3A_86] : memref<10000x128xf32, #tpu.memory_space<hbm>> -> memref<10000x128xf32, #tpu.memory_space<hbm>>
      tpu.wait_indirect_dma semaphore(%arg16 : memref<!tpu.dma_semaphore, #tpu.memory_space<semaphore_mem>>) src(%dma_wait3A_87 : memref<10000x128xf32, #tpu.memory_space<hbm>>) dst(%arg12 : memref<80x128xf32, #tpu.memory_space<vmem>>)
      "tpu.region"() ({
        %run_scoped3A = tpu.sem_alloc : memref<!tpu.dma_semaphore, #tpu.memory_space<semaphore_mem>>
        %dma_start3A_96 = arith.constant 0 : i32
        %dma_start3A_97 = arith.constant 0 : i32
        %dma_start3A_98 = tpu.memref_slice %arg14[%dma_start3A_96, %dma_start3A_97] : memref<10240x128xf32, #tpu.memory_space<vmem_shared>> -> memref<10240x128xf32, #tpu.memory_space<vmem_shared>>
        tpu.enqueue_indirect_dma source(%arg12 : memref<80x128xf32, #tpu.memory_space<vmem>>) target(%dma_start3A_98 : memref<10240x128xf32, #tpu.memory_space<vmem_shared>>) offsets(%arg10 : memref<80xi32, #tpu.memory_space<vmem>>) semaphore(%run_scoped3A : memref<!tpu.dma_semaphore, #tpu.memory_space<semaphore_mem>>) {add = true}
        %dma_wait3A_99 = arith.constant 0 : i32
        %dma_wait3A_100 = arith.constant 0 : i32
        %dma_wait3A_101 = tpu.memref_slice %arg14[%dma_wait3A_99, %dma_wait3A_100] : memref<10240x128xf32, #tpu.memory_space<vmem_shared>> -> memref<10240x128xf32, #tpu.memory_space<vmem_shared>>
        tpu.wait_indirect_dma semaphore(%run_scoped3A : memref<!tpu.dma_semaphore, #tpu.memory_space<semaphore_mem>>) src(%arg12 : memref<80x128xf32, #tpu.memory_space<vmem>>) dst(%dma_wait3A_101 : memref<10240x128xf32, #tpu.memory_space<vmem_shared>>)
        tpu.yield
      }) : () -> ()
      %mul3A_88 = arith.constant 10000 : i32
      %mul3A_89 = arith.muli %add3A, %mul3A_88 : i32
      %mul3A_90 = arith.constant 80 : i32
      %mul3A_91 = arith.muli %add3A_84, %mul3A_90 : i32
      %add3A_92 = arith.addi %mul3A_89, %mul3A_91 : i32
      "tpu.region"() ({
        %run_scoped3A = tpu.sem_alloc : memref<!tpu.dma_semaphore, #tpu.memory_space<semaphore_mem>>
        %dma_start3A_96 = tpu.memref_slice %arg3[%add3A_92] : memref<320000xi32, #tpu.memory_space<hbm>> -> memref<80xi32, #tpu.memory_space<hbm>>
        %dma_start3A_97 = tpu.memref_slice %arg3[%add3A_92] : memref<320000xi32, #tpu.memory_space<hbm>> -> memref<80xi32, #tpu.memory_space<hbm>>
        tpu.enqueue_dma source(%dma_start3A_97 : memref<80xi32, #tpu.memory_space<hbm>>) target(%arg8 : memref<80xi32, #tpu.memory_space<vmem>>) target_semaphore(%run_scoped3A : memref<!tpu.dma_semaphore, #tpu.memory_space<semaphore_mem>>)
        %dma_wait3A_98 = tpu.memref_slice %arg3[%add3A_92] : memref<320000xi32, #tpu.memory_space<hbm>> -> memref<80xi32, #tpu.memory_space<hbm>>
        %dma_wait3A_99 = tpu.memref_slice %arg3[%add3A_92] : memref<320000xi32, #tpu.memory_space<hbm>> -> memref<80xi32, #tpu.memory_space<hbm>>
        tpu.wait_dma2 semaphore(%run_scoped3A : memref<!tpu.dma_semaphore, #tpu.memory_space<semaphore_mem>>) src(%dma_wait3A_99 : memref<80xi32, #tpu.memory_space<hbm>>) dst(%arg8 : memref<80xi32, #tpu.memory_space<vmem>>)
        tpu.yield
      }) : () -> ()
      "tpu.region"() ({
        %run_scoped3A = tpu.sem_alloc : memref<!tpu.dma_semaphore, #tpu.memory_space<semaphore_mem>>
        %dma_start3A_96 = tpu.memref_slice %arg4[%add3A_92] : memref<320000xi32, #tpu.memory_space<hbm>> -> memref<80xi32, #tpu.memory_space<hbm>>
        %dma_start3A_97 = tpu.memref_slice %arg4[%add3A_92] : memref<320000xi32, #tpu.memory_space<hbm>> -> memref<80xi32, #tpu.memory_space<hbm>>
        tpu.enqueue_dma source(%dma_start3A_97 : memref<80xi32, #tpu.memory_space<hbm>>) target(%arg10 : memref<80xi32, #tpu.memory_space<vmem>>) target_semaphore(%run_scoped3A : memref<!tpu.dma_semaphore, #tpu.memory_space<semaphore_mem>>)
        %dma_wait3A_98 = tpu.memref_slice %arg4[%add3A_92] : memref<320000xi32, #tpu.memory_space<hbm>> -> memref<80xi32, #tpu.memory_space<hbm>>
        %dma_wait3A_99 = tpu.memref_slice %arg4[%add3A_92] : memref<320000xi32, #tpu.memory_space<hbm>> -> memref<80xi32, #tpu.memory_space<hbm>>
        tpu.wait_dma2 semaphore(%run_scoped3A : memref<!tpu.dma_semaphore, #tpu.memory_space<semaphore_mem>>) src(%dma_wait3A_99 : memref<80xi32, #tpu.memory_space<hbm>>) dst(%arg10 : memref<80xi32, #tpu.memory_space<vmem>>)
        tpu.yield
      }) : () -> ()
      %dma_start3A_93 = arith.constant 0 : i32
      %dma_start3A_94 = arith.constant 0 : i32
      %dma_start3A_95 = tpu.memref_slice %arg2[%dma_start3A_93, %dma_start3A_94] : memref<10000x128xf32, #tpu.memory_space<hbm>> -> memref<10000x128xf32, #tpu.memory_space<hbm>>
      tpu.enqueue_indirect_dma source(%dma_start3A_95 : memref<10000x128xf32, #tpu.memory_space<hbm>>) target(%arg12 : memref<80x128xf32, #tpu.memory_space<vmem>>) offsets(%arg8 : memref<80xi32, #tpu.memory_space<vmem>>) semaphore(%arg16 : memref<!tpu.dma_semaphore, #tpu.memory_space<semaphore_mem>>)
    }
    %scan3A_30 = arith.constant 61 : i32
    %dma_wait3A = arith.constant 0 : i32
    %dma_wait3A_31 = arith.constant 0 : i32
    %dma_wait3A_32 = tpu.memref_slice %arg2[%dma_wait3A, %dma_wait3A_31] : memref<10000x128xf32, #tpu.memory_space<hbm>> -> memref<10000x128xf32, #tpu.memory_space<hbm>>
    tpu.wait_indirect_dma semaphore(%arg15 : memref<!tpu.dma_semaphore, #tpu.memory_space<semaphore_mem>>) src(%dma_wait3A_32 : memref<10000x128xf32, #tpu.memory_space<hbm>>) dst(%arg11 : memref<80x128xf32, #tpu.memory_space<vmem>>)
    "tpu.region"() ({
      %run_scoped3A = tpu.sem_alloc : memref<!tpu.dma_semaphore, #tpu.memory_space<semaphore_mem>>
      %dma_start3A_67 = arith.constant 0 : i32
      %dma_start3A_68 = arith.constant 0 : i32
      %dma_start3A_69 = tpu.memref_slice %arg14[%dma_start3A_67, %dma_start3A_68] : memref<10240x128xf32, #tpu.memory_space<vmem_shared>> -> memref<10240x128xf32, #tpu.memory_space<vmem_shared>>
      tpu.enqueue_indirect_dma source(%arg11 : memref<80x128xf32, #tpu.memory_space<vmem>>) target(%dma_start3A_69 : memref<10240x128xf32, #tpu.memory_space<vmem_shared>>) offsets(%arg9 : memref<80xi32, #tpu.memory_space<vmem>>) semaphore(%run_scoped3A : memref<!tpu.dma_semaphore, #tpu.memory_space<semaphore_mem>>) {add = true}
      %dma_wait3A_70 = arith.constant 0 : i32
      %dma_wait3A_71 = arith.constant 0 : i32
      %dma_wait3A_72 = tpu.memref_slice %arg14[%dma_wait3A_70, %dma_wait3A_71] : memref<10240x128xf32, #tpu.memory_space<vmem_shared>> -> memref<10240x128xf32, #tpu.memory_space<vmem_shared>>
      tpu.wait_indirect_dma semaphore(%run_scoped3A : memref<!tpu.dma_semaphore, #tpu.memory_space<semaphore_mem>>) src(%arg11 : memref<80x128xf32, #tpu.memory_space<vmem>>) dst(%dma_wait3A_72 : memref<10240x128xf32, #tpu.memory_space<vmem_shared>>)
      tpu.yield
    }) : () -> ()
    %mul3A_33 = arith.constant 10000 : i32
    %mul3A_34 = arith.muli %add3A, %mul3A_33 : i32
    %add3A_35 = arith.constant 9920 : i32
    %add3A_36 = arith.addi %mul3A_34, %add3A_35 : i32
    "tpu.region"() ({
      %run_scoped3A = tpu.sem_alloc : memref<!tpu.dma_semaphore, #tpu.memory_space<semaphore_mem>>
      %dma_start3A_67 = tpu.memref_slice %arg3[%add3A_36] : memref<320000xi32, #tpu.memory_space<hbm>> -> memref<80xi32, #tpu.memory_space<hbm>>
      %dma_start3A_68 = tpu.memref_slice %arg3[%add3A_36] : memref<320000xi32, #tpu.memory_space<hbm>> -> memref<80xi32, #tpu.memory_space<hbm>>
      tpu.enqueue_dma source(%dma_start3A_68 : memref<80xi32, #tpu.memory_space<hbm>>) target(%arg7 : memref<80xi32, #tpu.memory_space<vmem>>) target_semaphore(%run_scoped3A : memref<!tpu.dma_semaphore, #tpu.memory_space<semaphore_mem>>)
      %dma_wait3A_69 = tpu.memref_slice %arg3[%add3A_36] : memref<320000xi32, #tpu.memory_space<hbm>> -> memref<80xi32, #tpu.memory_space<hbm>>
      %dma_wait3A_70 = tpu.memref_slice %arg3[%add3A_36] : memref<320000xi32, #tpu.memory_space<hbm>> -> memref<80xi32, #tpu.memory_space<hbm>>
      tpu.wait_dma2 semaphore(%run_scoped3A : memref<!tpu.dma_semaphore, #tpu.memory_space<semaphore_mem>>) src(%dma_wait3A_70 : memref<80xi32, #tpu.memory_space<hbm>>) dst(%arg7 : memref<80xi32, #tpu.memory_space<vmem>>)
      tpu.yield
    }) : () -> ()
    "tpu.region"() ({
      %run_scoped3A = tpu.sem_alloc : memref<!tpu.dma_semaphore, #tpu.memory_space<semaphore_mem>>
      %dma_start3A_67 = tpu.memref_slice %arg4[%add3A_36] : memref<320000xi32, #tpu.memory_space<hbm>> -> memref<80xi32, #tpu.memory_space<hbm>>
      %dma_start3A_68 = tpu.memref_slice %arg4[%add3A_36] : memref<320000xi32, #tpu.memory_space<hbm>> -> memref<80xi32, #tpu.memory_space<hbm>>
      tpu.enqueue_dma source(%dma_start3A_68 : memref<80xi32, #tpu.memory_space<hbm>>) target(%arg9 : memref<80xi32, #tpu.memory_space<vmem>>) target_semaphore(%run_scoped3A : memref<!tpu.dma_semaphore, #tpu.memory_space<semaphore_mem>>)
      %dma_wait3A_69 = tpu.memref_slice %arg4[%add3A_36] : memref<320000xi32, #tpu.memory_space<hbm>> -> memref<80xi32, #tpu.memory_space<hbm>>
      %dma_wait3A_70 = tpu.memref_slice %arg4[%add3A_36] : memref<320000xi32, #tpu.memory_space<hbm>> -> memref<80xi32, #tpu.memory_space<hbm>>
      tpu.wait_dma2 semaphore(%run_scoped3A : memref<!tpu.dma_semaphore, #tpu.memory_space<semaphore_mem>>) src(%dma_wait3A_70 : memref<80xi32, #tpu.memory_space<hbm>>) dst(%arg9 : memref<80xi32, #tpu.memory_space<vmem>>)
      tpu.yield
    }) : () -> ()
    %dma_start3A_37 = arith.constant 0 : i32
    %dma_start3A_38 = arith.constant 0 : i32
    %dma_start3A_39 = tpu.memref_slice %arg2[%dma_start3A_37, %dma_start3A_38] : memref<10000x128xf32, #tpu.memory_space<hbm>> -> memref<10000x128xf32, #tpu.memory_space<hbm>>
    tpu.enqueue_indirect_dma source(%dma_start3A_39 : memref<10000x128xf32, #tpu.memory_space<hbm>>) target(%arg11 : memref<80x128xf32, #tpu.memory_space<vmem>>) offsets(%arg7 : memref<80xi32, #tpu.memory_space<vmem>>) semaphore(%arg15 : memref<!tpu.dma_semaphore, #tpu.memory_space<semaphore_mem>>)
    %dma_wait3A_40 = arith.constant 0 : i32
    %dma_wait3A_41 = arith.constant 0 : i32
    %dma_wait3A_42 = tpu.memref_slice %arg2[%dma_wait3A_40, %dma_wait3A_41] : memref<10000x128xf32, #tpu.memory_space<hbm>> -> memref<10000x128xf32, #tpu.memory_space<hbm>>
    tpu.wait_indirect_dma semaphore(%arg16 : memref<!tpu.dma_semaphore, #tpu.memory_space<semaphore_mem>>) src(%dma_wait3A_42 : memref<10000x128xf32, #tpu.memory_space<hbm>>) dst(%arg12 : memref<80x128xf32, #tpu.memory_space<vmem>>)
    "tpu.region"() ({
      %run_scoped3A = tpu.sem_alloc : memref<!tpu.dma_semaphore, #tpu.memory_space<semaphore_mem>>
      %dma_start3A_67 = arith.constant 0 : i32
      %dma_start3A_68 = arith.constant 0 : i32
      %dma_start3A_69 = tpu.memref_slice %arg14[%dma_start3A_67, %dma_start3A_68] : memref<10240x128xf32, #tpu.memory_space<vmem_shared>> -> memref<10240x128xf32, #tpu.memory_space<vmem_shared>>
      tpu.enqueue_indirect_dma source(%arg12 : memref<80x128xf32, #tpu.memory_space<vmem>>) target(%dma_start3A_69 : memref<10240x128xf32, #tpu.memory_space<vmem_shared>>) offsets(%arg10 : memref<80xi32, #tpu.memory_space<vmem>>) semaphore(%run_scoped3A : memref<!tpu.dma_semaphore, #tpu.memory_space<semaphore_mem>>) {add = true}
      %dma_wait3A_70 = arith.constant 0 : i32
      %dma_wait3A_71 = arith.constant 0 : i32
      %dma_wait3A_72 = tpu.memref_slice %arg14[%dma_wait3A_70, %dma_wait3A_71] : memref<10240x128xf32, #tpu.memory_space<vmem_shared>> -> memref<10240x128xf32, #tpu.memory_space<vmem_shared>>
      tpu.wait_indirect_dma semaphore(%run_scoped3A : memref<!tpu.dma_semaphore, #tpu.memory_space<semaphore_mem>>) src(%arg12 : memref<80x128xf32, #tpu.memory_space<vmem>>) dst(%dma_wait3A_72 : memref<10240x128xf32, #tpu.memory_space<vmem_shared>>)
      tpu.yield
    }) : () -> ()
    %dma_wait3A_43 = arith.constant 0 : i32
    %dma_wait3A_44 = arith.constant 0 : i32
    %dma_wait3A_45 = tpu.memref_slice %arg2[%dma_wait3A_43, %dma_wait3A_44] : memref<10000x128xf32, #tpu.memory_space<hbm>> -> memref<10000x128xf32, #tpu.memory_space<hbm>>
    tpu.wait_indirect_dma semaphore(%arg15 : memref<!tpu.dma_semaphore, #tpu.memory_space<semaphore_mem>>) src(%dma_wait3A_45 : memref<10000x128xf32, #tpu.memory_space<hbm>>) dst(%arg11 : memref<80x128xf32, #tpu.memory_space<vmem>>)
    "tpu.region"() ({
      %run_scoped3A = tpu.sem_alloc : memref<!tpu.dma_semaphore, #tpu.memory_space<semaphore_mem>>
      %dma_start3A_67 = arith.constant 0 : i32
      %dma_start3A_68 = arith.constant 0 : i32
      %dma_start3A_69 = tpu.memref_slice %arg14[%dma_start3A_67, %dma_start3A_68] : memref<10240x128xf32, #tpu.memory_space<vmem_shared>> -> memref<10240x128xf32, #tpu.memory_space<vmem_shared>>
      tpu.enqueue_indirect_dma source(%arg11 : memref<80x128xf32, #tpu.memory_space<vmem>>) target(%dma_start3A_69 : memref<10240x128xf32, #tpu.memory_space<vmem_shared>>) offsets(%arg9 : memref<80xi32, #tpu.memory_space<vmem>>) semaphore(%run_scoped3A : memref<!tpu.dma_semaphore, #tpu.memory_space<semaphore_mem>>) {add = true}
      %dma_wait3A_70 = arith.constant 0 : i32
      %dma_wait3A_71 = arith.constant 0 : i32
      %dma_wait3A_72 = tpu.memref_slice %arg14[%dma_wait3A_70, %dma_wait3A_71] : memref<10240x128xf32, #tpu.memory_space<vmem_shared>> -> memref<10240x128xf32, #tpu.memory_space<vmem_shared>>
      tpu.wait_indirect_dma semaphore(%run_scoped3A : memref<!tpu.dma_semaphore, #tpu.memory_space<semaphore_mem>>) src(%arg11 : memref<80x128xf32, #tpu.memory_space<vmem>>) dst(%dma_wait3A_72 : memref<10240x128xf32, #tpu.memory_space<vmem_shared>>)
      tpu.yield
    }) : () -> ()
    %barrier3A_46 = arith.constant 0 : index
    tpu.barrier barrier_id(%barrier3A_46)
    %add3A_47 = arith.constant 0 : i32
    %add3A_48 = arith.addi %mul3A_2, %add3A_47 : i32
    "tpu.region"() ({
      %run_scoped3A = tpu.sem_alloc : memref<!tpu.dma_semaphore, #tpu.memory_space<semaphore_mem>>
      %dma_start3A_67 = arith.constant 0 : i32
      %dma_start3A_68 = arith.constant 0 : i32
      %dma_start3A_69 = tpu.memref_slice %arg13[%dma_start3A_67, %dma_start3A_68] : memref<128x128xf32, #tpu.memory_space<vmem>> -> memref<128x128xf32, #tpu.memory_space<vmem>>
      %dma_start3A_70 = arith.constant 0 : i32
      %dma_start3A_71 = tpu.memref_slice %arg14[%add3A_48, %dma_start3A_70] : memref<10240x128xf32, #tpu.memory_space<vmem_shared>> -> memref<128x128xf32, #tpu.memory_space<vmem_shared>>
      %dma_start3A_72 = arith.constant 0 : i32
      %dma_start3A_73 = arith.constant 0 : i32
      %dma_start3A_74 = tpu.memref_slice %arg13[%dma_start3A_72, %dma_start3A_73] : memref<128x128xf32, #tpu.memory_space<vmem>> -> memref<128x128xf32, #tpu.memory_space<vmem>>
      %dma_start3A_75 = arith.constant 0 : i32
      %dma_start3A_76 = tpu.memref_slice %arg14[%add3A_48, %dma_start3A_75] : memref<10240x128xf32, #tpu.memory_space<vmem_shared>> -> memref<128x128xf32, #tpu.memory_space<vmem_shared>>
      tpu.enqueue_dma source(%dma_start3A_76 : memref<128x128xf32, #tpu.memory_space<vmem_shared>>) target(%dma_start3A_74 : memref<128x128xf32, #tpu.memory_space<vmem>>) target_semaphore(%run_scoped3A : memref<!tpu.dma_semaphore, #tpu.memory_space<semaphore_mem>>)
      %dma_wait3A_77 = arith.constant 0 : i32
      %dma_wait3A_78 = arith.constant 0 : i32
      %dma_wait3A_79 = tpu.memref_slice %arg13[%dma_wait3A_77, %dma_wait3A_78] : memref<128x128xf32, #tpu.memory_space<vmem>> -> memref<128x128xf32, #tpu.memory_space<vmem>>
      %dma_wait3A_80 = arith.constant 0 : i32
      %dma_wait3A_81 = tpu.memref_slice %arg14[%add3A_48, %dma_wait3A_80] : memref<10240x128xf32, #tpu.memory_space<vmem_shared>> -> memref<128x128xf32, #tpu.memory_space<vmem_shared>>
      %dma_wait3A_82 = arith.constant 0 : i32
      %dma_wait3A_83 = arith.constant 0 : i32
      %dma_wait3A_84 = tpu.memref_slice %arg13[%dma_wait3A_82, %dma_wait3A_83] : memref<128x128xf32, #tpu.memory_space<vmem>> -> memref<128x128xf32, #tpu.memory_space<vmem>>
      %dma_wait3A_85 = arith.constant 0 : i32
      %dma_wait3A_86 = tpu.memref_slice %arg14[%add3A_48, %dma_wait3A_85] : memref<10240x128xf32, #tpu.memory_space<vmem_shared>> -> memref<128x128xf32, #tpu.memory_space<vmem_shared>>
      tpu.wait_dma2 semaphore(%run_scoped3A : memref<!tpu.dma_semaphore, #tpu.memory_space<semaphore_mem>>) src(%dma_wait3A_86 : memref<128x128xf32, #tpu.memory_space<vmem_shared>>) dst(%dma_wait3A_84 : memref<128x128xf32, #tpu.memory_space<vmem>>)
      tpu.yield
    }) : () -> ()
    %add3A_49 = arith.constant 0 : i32
    %add3A_50 = arith.addi %mul3A_2, %add3A_49 : i32
    "tpu.region"() ({
      %run_scoped3A = tpu.sem_alloc : memref<!tpu.dma_semaphore, #tpu.memory_space<semaphore_mem>>
      %dma_start3A_67 = arith.constant 0 : i32
      %dma_start3A_68 = arith.constant 0 : i32
      %dma_start3A_69 = tpu.memref_slice %arg13[%dma_start3A_67, %dma_start3A_68] : memref<128x128xf32, #tpu.memory_space<vmem>> -> memref<128x128xf32, #tpu.memory_space<vmem>>
      %dma_start3A_70 = arith.constant 0 : i32
      %dma_start3A_71 = tpu.memref_slice %arg6[%arg0, %add3A_50, %dma_start3A_70] : memref<2x10240x128xf32, #tpu.memory_space<hbm>> -> memref<1x128x128xf32, #tpu.memory_space<hbm>>
      %dma_start3A_72 = tpu.memref_squeeze %dma_start3A_71 : memref<1x128x128xf32, #tpu.memory_space<hbm>> -> memref<128x128xf32, #tpu.memory_space<hbm>>
      %dma_start3A_73 = arith.constant 0 : i32
      %dma_start3A_74 = tpu.memref_slice %arg6[%arg0, %add3A_50, %dma_start3A_73] : memref<2x10240x128xf32, #tpu.memory_space<hbm>> -> memref<1x128x128xf32, #tpu.memory_space<hbm>>
      %dma_start3A_75 = tpu.memref_squeeze %dma_start3A_74 : memref<1x128x128xf32, #tpu.memory_space<hbm>> -> memref<128x128xf32, #tpu.memory_space<hbm>>
      %dma_start3A_76 = arith.constant 0 : i32
      %dma_start3A_77 = arith.constant 0 : i32
      %dma_start3A_78 = tpu.memref_slice %arg13[%dma_start3A_76, %dma_start3A_77] : memref<128x128xf32, #tpu.memory_space<vmem>> -> memref<128x128xf32, #tpu.memory_space<vmem>>
      tpu.enqueue_dma source(%dma_start3A_78 : memref<128x128xf32, #tpu.memory_space<vmem>>) target(%dma_start3A_75 : memref<128x128xf32, #tpu.memory_space<hbm>>) target_semaphore(%run_scoped3A : memref<!tpu.dma_semaphore, #tpu.memory_space<semaphore_mem>>)
      %dma_wait3A_79 = arith.constant 0 : i32
      %dma_wait3A_80 = arith.constant 0 : i32
      %dma_wait3A_81 = tpu.memref_slice %arg13[%dma_wait3A_79, %dma_wait3A_80] : memref<128x128xf32, #tpu.memory_space<vmem>> -> memref<128x128xf32, #tpu.memory_space<vmem>>
      %dma_wait3A_82 = arith.constant 0 : i32
      %dma_wait3A_83 = tpu.memref_slice %arg6[%arg0, %add3A_50, %dma_wait3A_82] : memref<2x10240x128xf32, #tpu.memory_space<hbm>> -> memref<1x128x128xf32, #tpu.memory_space<hbm>>
      %dma_wait3A_84 = tpu.memref_squeeze %dma_wait3A_83 : memref<1x128x128xf32, #tpu.memory_space<hbm>> -> memref<128x128xf32, #tpu.memory_space<hbm>>
      %dma_wait3A_85 = arith.constant 0 : i32
      %dma_wait3A_86 = tpu.memref_slice %arg6[%arg0, %add3A_50, %dma_wait3A_85] : memref<2x10240x128xf32, #tpu.memory_space<hbm>> -> memref<1x128x128xf32, #tpu.memory_space<hbm>>
      %dma_wait3A_87 = tpu.memref_squeeze %dma_wait3A_86 : memref<1x128x128xf32, #tpu.memory_space<hbm>> -> memref<128x128xf32, #tpu.memory_space<hbm>>
      %dma_wait3A_88 = arith.constant 0 : i32
      %dma_wait3A_89 = arith.constant 0 : i32
      %dma_wait3A_90 = tpu.memref_slice %arg13[%dma_wait3A_88, %dma_wait3A_89] : memref<128x128xf32, #tpu.memory_space<vmem>> -> memref<128x128xf32, #tpu.memory_space<vmem>>
      tpu.wait_dma2 semaphore(%run_scoped3A : memref<!tpu.dma_semaphore, #tpu.memory_space<semaphore_mem>>) src(%dma_wait3A_90 : memref<128x128xf32, #tpu.memory_space<vmem>>) dst(%dma_wait3A_87 : memref<128x128xf32, #tpu.memory_space<hbm>>)
      tpu.yield
    }) : () -> ()
    %add3A_51 = arith.constant 128 : i32
    %add3A_52 = arith.addi %mul3A_2, %add3A_51 : i32
    "tpu.region"() ({
      %run_scoped3A = tpu.sem_alloc : memref<!tpu.dma_semaphore, #tpu.memory_space<semaphore_mem>>
      %dma_start3A_67 = arith.constant 0 : i32
      %dma_start3A_68 = arith.constant 0 : i32
      %dma_start3A_69 = tpu.memref_slice %arg13[%dma_start3A_67, %dma_start3A_68] : memref<128x128xf32, #tpu.memory_space<vmem>> -> memref<128x128xf32, #tpu.memory_space<vmem>>
      %dma_start3A_70 = arith.constant 0 : i32
      %dma_start3A_71 = tpu.memref_slice %arg14[%add3A_52, %dma_start3A_70] : memref<10240x128xf32, #tpu.memory_space<vmem_shared>> -> memref<128x128xf32, #tpu.memory_space<vmem_shared>>
      %dma_start3A_72 = arith.constant 0 : i32
      %dma_start3A_73 = arith.constant 0 : i32
      %dma_start3A_74 = tpu.memref_slice %arg13[%dma_start3A_72, %dma_start3A_73] : memref<128x128xf32, #tpu.memory_space<vmem>> -> memref<128x128xf32, #tpu.memory_space<vmem>>
      %dma_start3A_75 = arith.constant 0 : i32
      %dma_start3A_76 = tpu.memref_slice %arg14[%add3A_52, %dma_start3A_75] : memref<10240x128xf32, #tpu.memory_space<vmem_shared>> -> memref<128x128xf32, #tpu.memory_space<vmem_shared>>
      tpu.enqueue_dma source(%dma_start3A_76 : memref<128x128xf32, #tpu.memory_space<vmem_shared>>) target(%dma_start3A_74 : memref<128x128xf32, #tpu.memory_space<vmem>>) target_semaphore(%run_scoped3A : memref<!tpu.dma_semaphore, #tpu.memory_space<semaphore_mem>>)
      %dma_wait3A_77 = arith.constant 0 : i32
      %dma_wait3A_78 = arith.constant 0 : i32
      %dma_wait3A_79 = tpu.memref_slice %arg13[%dma_wait3A_77, %dma_wait3A_78] : memref<128x128xf32, #tpu.memory_space<vmem>> -> memref<128x128xf32, #tpu.memory_space<vmem>>
      %dma_wait3A_80 = arith.constant 0 : i32
      %dma_wait3A_81 = tpu.memref_slice %arg14[%add3A_52, %dma_wait3A_80] : memref<10240x128xf32, #tpu.memory_space<vmem_shared>> -> memref<128x128xf32, #tpu.memory_space<vmem_shared>>
      %dma_wait3A_82 = arith.constant 0 : i32
      %dma_wait3A_83 = arith.constant 0 : i32
      %dma_wait3A_84 = tpu.memref_slice %arg13[%dma_wait3A_82, %dma_wait3A_83] : memref<128x128xf32, #tpu.memory_space<vmem>> -> memref<128x128xf32, #tpu.memory_space<vmem>>
      %dma_wait3A_85 = arith.constant 0 : i32
      %dma_wait3A_86 = tpu.memref_slice %arg14[%add3A_52, %dma_wait3A_85] : memref<10240x128xf32, #tpu.memory_space<vmem_shared>> -> memref<128x128xf32, #tpu.memory_space<vmem_shared>>
      tpu.wait_dma2 semaphore(%run_scoped3A : memref<!tpu.dma_semaphore, #tpu.memory_space<semaphore_mem>>) src(%dma_wait3A_86 : memref<128x128xf32, #tpu.memory_space<vmem_shared>>) dst(%dma_wait3A_84 : memref<128x128xf32, #tpu.memory_space<vmem>>)
      tpu.yield
    }) : () -> ()
    %add3A_53 = arith.constant 128 : i32
    %add3A_54 = arith.addi %mul3A_2, %add3A_53 : i32
    "tpu.region"() ({
      %run_scoped3A = tpu.sem_alloc : memref<!tpu.dma_semaphore, #tpu.memory_space<semaphore_mem>>
      %dma_start3A_67 = arith.constant 0 : i32
      %dma_start3A_68 = arith.constant 0 : i32
      %dma_start3A_69 = tpu.memref_slice %arg13[%dma_start3A_67, %dma_start3A_68] : memref<128x128xf32, #tpu.memory_space<vmem>> -> memref<128x128xf32, #tpu.memory_space<vmem>>
      %dma_start3A_70 = arith.constant 0 : i32
      %dma_start3A_71 = tpu.memref_slice %arg6[%arg0, %add3A_54, %dma_start3A_70] : memref<2x10240x128xf32, #tpu.memory_space<hbm>> -> memref<1x128x128xf32, #tpu.memory_space<hbm>>
      %dma_start3A_72 = tpu.memref_squeeze %dma_start3A_71 : memref<1x128x128xf32, #tpu.memory_space<hbm>> -> memref<128x128xf32, #tpu.memory_space<hbm>>
      %dma_start3A_73 = arith.constant 0 : i32
      %dma_start3A_74 = tpu.memref_slice %arg6[%arg0, %add3A_54, %dma_start3A_73] : memref<2x10240x128xf32, #tpu.memory_space<hbm>> -> memref<1x128x128xf32, #tpu.memory_space<hbm>>
      %dma_start3A_75 = tpu.memref_squeeze %dma_start3A_74 : memref<1x128x128xf32, #tpu.memory_space<hbm>> -> memref<128x128xf32, #tpu.memory_space<hbm>>
      %dma_start3A_76 = arith.constant 0 : i32
      %dma_start3A_77 = arith.constant 0 : i32
      %dma_start3A_78 = tpu.memref_slice %arg13[%dma_start3A_76, %dma_start3A_77] : memref<128x128xf32, #tpu.memory_space<vmem>> -> memref<128x128xf32, #tpu.memory_space<vmem>>
      tpu.enqueue_dma source(%dma_start3A_78 : memref<128x128xf32, #tpu.memory_space<vmem>>) target(%dma_start3A_75 : memref<128x128xf32, #tpu.memory_space<hbm>>) target_semaphore(%run_scoped3A : memref<!tpu.dma_semaphore, #tpu.memory_space<semaphore_mem>>)
      %dma_wait3A_79 = arith.constant 0 : i32
      %dma_wait3A_80 = arith.constant 0 : i32
      %dma_wait3A_81 = tpu.memref_slice %arg13[%dma_wait3A_79, %dma_wait3A_80] : memref<128x128xf32, #tpu.memory_space<vmem>> -> memref<128x128xf32, #tpu.memory_space<vmem>>
      %dma_wait3A_82 = arith.constant 0 : i32
      %dma_wait3A_83 = tpu.memref_slice %arg6[%arg0, %add3A_54, %dma_wait3A_82] : memref<2x10240x128xf32, #tpu.memory_space<hbm>> -> memref<1x128x128xf32, #tpu.memory_space<hbm>>
      %dma_wait3A_84 = tpu.memref_squeeze %dma_wait3A_83 : memref<1x128x128xf32, #tpu.memory_space<hbm>> -> memref<128x128xf32, #tpu.memory_space<hbm>>
      %dma_wait3A_85 = arith.constant 0 : i32
      %dma_wait3A_86 = tpu.memref_slice %arg6[%arg0, %add3A_54, %dma_wait3A_85] : memref<2x10240x128xf32, #tpu.memory_space<hbm>> -> memref<1x128x128xf32, #tpu.memory_space<hbm>>
      %dma_wait3A_87 = tpu.memref_squeeze %dma_wait3A_86 : memref<1x128x128xf32, #tpu.memory_space<hbm>> -> memref<128x128xf32, #tpu.memory_space<hbm>>
      %dma_wait3A_88 = arith.constant 0 : i32
      %dma_wait3A_89 = arith.constant 0 : i32
      %dma_wait3A_90 = tpu.memref_slice %arg13[%dma_wait3A_88, %dma_wait3A_89] : memref<128x128xf32, #tpu.memory_space<vmem>> -> memref<128x128xf32, #tpu.memory_space<vmem>>
      tpu.wait_dma2 semaphore(%run_scoped3A : memref<!tpu.dma_semaphore, #tpu.memory_space<semaphore_mem>>) src(%dma_wait3A_90 : memref<128x128xf32, #tpu.memory_space<vmem>>) dst(%dma_wait3A_87 : memref<128x128xf32, #tpu.memory_space<hbm>>)
      tpu.yield
    }) : () -> ()
    %add3A_55 = arith.constant 256 : i32
    %add3A_56 = arith.addi %mul3A_2, %add3A_55 : i32
    "tpu.region"() ({
      %run_scoped3A = tpu.sem_alloc : memref<!tpu.dma_semaphore, #tpu.memory_space<semaphore_mem>>
      %dma_start3A_67 = arith.constant 0 : i32
      %dma_start3A_68 = arith.constant 0 : i32
      %dma_start3A_69 = tpu.memref_slice %arg13[%dma_start3A_67, %dma_start3A_68] : memref<128x128xf32, #tpu.memory_space<vmem>> -> memref<128x128xf32, #tpu.memory_space<vmem>>
      %dma_start3A_70 = arith.constant 0 : i32
      %dma_start3A_71 = tpu.memref_slice %arg14[%add3A_56, %dma_start3A_70] : memref<10240x128xf32, #tpu.memory_space<vmem_shared>> -> memref<128x128xf32, #tpu.memory_space<vmem_shared>>
      %dma_start3A_72 = arith.constant 0 : i32
      %dma_start3A_73 = arith.constant 0 : i32
      %dma_start3A_74 = tpu.memref_slice %arg13[%dma_start3A_72, %dma_start3A_73] : memref<128x128xf32, #tpu.memory_space<vmem>> -> memref<128x128xf32, #tpu.memory_space<vmem>>
      %dma_start3A_75 = arith.constant 0 : i32
      %dma_start3A_76 = tpu.memref_slice %arg14[%add3A_56, %dma_start3A_75] : memref<10240x128xf32, #tpu.memory_space<vmem_shared>> -> memref<128x128xf32, #tpu.memory_space<vmem_shared>>
      tpu.enqueue_dma source(%dma_start3A_76 : memref<128x128xf32, #tpu.memory_space<vmem_shared>>) target(%dma_start3A_74 : memref<128x128xf32, #tpu.memory_space<vmem>>) target_semaphore(%run_scoped3A : memref<!tpu.dma_semaphore, #tpu.memory_space<semaphore_mem>>)
      %dma_wait3A_77 = arith.constant 0 : i32
      %dma_wait3A_78 = arith.constant 0 : i32
      %dma_wait3A_79 = tpu.memref_slice %arg13[%dma_wait3A_77, %dma_wait3A_78] : memref<128x128xf32, #tpu.memory_space<vmem>> -> memref<128x128xf32, #tpu.memory_space<vmem>>
      %dma_wait3A_80 = arith.constant 0 : i32
      %dma_wait3A_81 = tpu.memref_slice %arg14[%add3A_56, %dma_wait3A_80] : memref<10240x128xf32, #tpu.memory_space<vmem_shared>> -> memref<128x128xf32, #tpu.memory_space<vmem_shared>>
      %dma_wait3A_82 = arith.constant 0 : i32
      %dma_wait3A_83 = arith.constant 0 : i32
      %dma_wait3A_84 = tpu.memref_slice %arg13[%dma_wait3A_82, %dma_wait3A_83] : memref<128x128xf32, #tpu.memory_space<vmem>> -> memref<128x128xf32, #tpu.memory_space<vmem>>
      %dma_wait3A_85 = arith.constant 0 : i32
      %dma_wait3A_86 = tpu.memref_slice %arg14[%add3A_56, %dma_wait3A_85] : memref<10240x128xf32, #tpu.memory_space<vmem_shared>> -> memref<128x128xf32, #tpu.memory_space<vmem_shared>>
      tpu.wait_dma2 semaphore(%run_scoped3A : memref<!tpu.dma_semaphore, #tpu.memory_space<semaphore_mem>>) src(%dma_wait3A_86 : memref<128x128xf32, #tpu.memory_space<vmem_shared>>) dst(%dma_wait3A_84 : memref<128x128xf32, #tpu.memory_space<vmem>>)
      tpu.yield
    }) : () -> ()
    %add3A_57 = arith.constant 256 : i32
    %add3A_58 = arith.addi %mul3A_2, %add3A_57 : i32
    "tpu.region"() ({
      %run_scoped3A = tpu.sem_alloc : memref<!tpu.dma_semaphore, #tpu.memory_space<semaphore_mem>>
      %dma_start3A_67 = arith.constant 0 : i32
      %dma_start3A_68 = arith.constant 0 : i32
      %dma_start3A_69 = tpu.memref_slice %arg13[%dma_start3A_67, %dma_start3A_68] : memref<128x128xf32, #tpu.memory_space<vmem>> -> memref<128x128xf32, #tpu.memory_space<vmem>>
      %dma_start3A_70 = arith.constant 0 : i32
      %dma_start3A_71 = tpu.memref_slice %arg6[%arg0, %add3A_58, %dma_start3A_70] : memref<2x10240x128xf32, #tpu.memory_space<hbm>> -> memref<1x128x128xf32, #tpu.memory_space<hbm>>
      %dma_start3A_72 = tpu.memref_squeeze %dma_start3A_71 : memref<1x128x128xf32, #tpu.memory_space<hbm>> -> memref<128x128xf32, #tpu.memory_space<hbm>>
      %dma_start3A_73 = arith.constant 0 : i32
      %dma_start3A_74 = tpu.memref_slice %arg6[%arg0, %add3A_58, %dma_start3A_73] : memref<2x10240x128xf32, #tpu.memory_space<hbm>> -> memref<1x128x128xf32, #tpu.memory_space<hbm>>
      %dma_start3A_75 = tpu.memref_squeeze %dma_start3A_74 : memref<1x128x128xf32, #tpu.memory_space<hbm>> -> memref<128x128xf32, #tpu.memory_space<hbm>>
      %dma_start3A_76 = arith.constant 0 : i32
      %dma_start3A_77 = arith.constant 0 : i32
      %dma_start3A_78 = tpu.memref_slice %arg13[%dma_start3A_76, %dma_start3A_77] : memref<128x128xf32, #tpu.memory_space<vmem>> -> memref<128x128xf32, #tpu.memory_space<vmem>>
      tpu.enqueue_dma source(%dma_start3A_78 : memref<128x128xf32, #tpu.memory_space<vmem>>) target(%dma_start3A_75 : memref<128x128xf32, #tpu.memory_space<hbm>>) target_semaphore(%run_scoped3A : memref<!tpu.dma_semaphore, #tpu.memory_space<semaphore_mem>>)
      %dma_wait3A_79 = arith.constant 0 : i32
      %dma_wait3A_80 = arith.constant 0 : i32
      %dma_wait3A_81 = tpu.memref_slice %arg13[%dma_wait3A_79, %dma_wait3A_80] : memref<128x128xf32, #tpu.memory_space<vmem>> -> memref<128x128xf32, #tpu.memory_space<vmem>>
      %dma_wait3A_82 = arith.constant 0 : i32
      %dma_wait3A_83 = tpu.memref_slice %arg6[%arg0, %add3A_58, %dma_wait3A_82] : memref<2x10240x128xf32, #tpu.memory_space<hbm>> -> memref<1x128x128xf32, #tpu.memory_space<hbm>>
      %dma_wait3A_84 = tpu.memref_squeeze %dma_wait3A_83 : memref<1x128x128xf32, #tpu.memory_space<hbm>> -> memref<128x128xf32, #tpu.memory_space<hbm>>
      %dma_wait3A_85 = arith.constant 0 : i32
      %dma_wait3A_86 = tpu.memref_slice %arg6[%arg0, %add3A_58, %dma_wait3A_85] : memref<2x10240x128xf32, #tpu.memory_space<hbm>> -> memref<1x128x128xf32, #tpu.memory_space<hbm>>
      %dma_wait3A_87 = tpu.memref_squeeze %dma_wait3A_86 : memref<1x128x128xf32, #tpu.memory_space<hbm>> -> memref<128x128xf32, #tpu.memory_space<hbm>>
      %dma_wait3A_88 = arith.constant 0 : i32
      %dma_wait3A_89 = arith.constant 0 : i32
      %dma_wait3A_90 = tpu.memref_slice %arg13[%dma_wait3A_88, %dma_wait3A_89] : memref<128x128xf32, #tpu.memory_space<vmem>> -> memref<128x128xf32, #tpu.memory_space<vmem>>
      tpu.wait_dma2 semaphore(%run_scoped3A : memref<!tpu.dma_semaphore, #tpu.memory_space<semaphore_mem>>) src(%dma_wait3A_90 : memref<128x128xf32, #tpu.memory_space<vmem>>) dst(%dma_wait3A_87 : memref<128x128xf32, #tpu.memory_space<hbm>>)
      tpu.yield
    }) : () -> ()
    %add3A_59 = arith.constant 384 : i32
    %add3A_60 = arith.addi %mul3A_2, %add3A_59 : i32
    "tpu.region"() ({
      %run_scoped3A = tpu.sem_alloc : memref<!tpu.dma_semaphore, #tpu.memory_space<semaphore_mem>>
      %dma_start3A_67 = arith.constant 0 : i32
      %dma_start3A_68 = arith.constant 0 : i32
      %dma_start3A_69 = tpu.memref_slice %arg13[%dma_start3A_67, %dma_start3A_68] : memref<128x128xf32, #tpu.memory_space<vmem>> -> memref<128x128xf32, #tpu.memory_space<vmem>>
      %dma_start3A_70 = arith.constant 0 : i32
      %dma_start3A_71 = tpu.memref_slice %arg14[%add3A_60, %dma_start3A_70] : memref<10240x128xf32, #tpu.memory_space<vmem_shared>> -> memref<128x128xf32, #tpu.memory_space<vmem_shared>>
      %dma_start3A_72 = arith.constant 0 : i32
      %dma_start3A_73 = arith.constant 0 : i32
      %dma_start3A_74 = tpu.memref_slice %arg13[%dma_start3A_72, %dma_start3A_73] : memref<128x128xf32, #tpu.memory_space<vmem>> -> memref<128x128xf32, #tpu.memory_space<vmem>>
      %dma_start3A_75 = arith.constant 0 : i32
      %dma_start3A_76 = tpu.memref_slice %arg14[%add3A_60, %dma_start3A_75] : memref<10240x128xf32, #tpu.memory_space<vmem_shared>> -> memref<128x128xf32, #tpu.memory_space<vmem_shared>>
      tpu.enqueue_dma source(%dma_start3A_76 : memref<128x128xf32, #tpu.memory_space<vmem_shared>>) target(%dma_start3A_74 : memref<128x128xf32, #tpu.memory_space<vmem>>) target_semaphore(%run_scoped3A : memref<!tpu.dma_semaphore, #tpu.memory_space<semaphore_mem>>)
      %dma_wait3A_77 = arith.constant 0 : i32
      %dma_wait3A_78 = arith.constant 0 : i32
      %dma_wait3A_79 = tpu.memref_slice %arg13[%dma_wait3A_77, %dma_wait3A_78] : memref<128x128xf32, #tpu.memory_space<vmem>> -> memref<128x128xf32, #tpu.memory_space<vmem>>
      %dma_wait3A_80 = arith.constant 0 : i32
      %dma_wait3A_81 = tpu.memref_slice %arg14[%add3A_60, %dma_wait3A_80] : memref<10240x128xf32, #tpu.memory_space<vmem_shared>> -> memref<128x128xf32, #tpu.memory_space<vmem_shared>>
      %dma_wait3A_82 = arith.constant 0 : i32
      %dma_wait3A_83 = arith.constant 0 : i32
      %dma_wait3A_84 = tpu.memref_slice %arg13[%dma_wait3A_82, %dma_wait3A_83] : memref<128x128xf32, #tpu.memory_space<vmem>> -> memref<128x128xf32, #tpu.memory_space<vmem>>
      %dma_wait3A_85 = arith.constant 0 : i32
      %dma_wait3A_86 = tpu.memref_slice %arg14[%add3A_60, %dma_wait3A_85] : memref<10240x128xf32, #tpu.memory_space<vmem_shared>> -> memref<128x128xf32, #tpu.memory_space<vmem_shared>>
      tpu.wait_dma2 semaphore(%run_scoped3A : memref<!tpu.dma_semaphore, #tpu.memory_space<semaphore_mem>>) src(%dma_wait3A_86 : memref<128x128xf32, #tpu.memory_space<vmem_shared>>) dst(%dma_wait3A_84 : memref<128x128xf32, #tpu.memory_space<vmem>>)
      tpu.yield
    }) : () -> ()
    %add3A_61 = arith.constant 384 : i32
    %add3A_62 = arith.addi %mul3A_2, %add3A_61 : i32
    "tpu.region"() ({
      %run_scoped3A = tpu.sem_alloc : memref<!tpu.dma_semaphore, #tpu.memory_space<semaphore_mem>>
      %dma_start3A_67 = arith.constant 0 : i32
      %dma_start3A_68 = arith.constant 0 : i32
      %dma_start3A_69 = tpu.memref_slice %arg13[%dma_start3A_67, %dma_start3A_68] : memref<128x128xf32, #tpu.memory_space<vmem>> -> memref<128x128xf32, #tpu.memory_space<vmem>>
      %dma_start3A_70 = arith.constant 0 : i32
      %dma_start3A_71 = tpu.memref_slice %arg6[%arg0, %add3A_62, %dma_start3A_70] : memref<2x10240x128xf32, #tpu.memory_space<hbm>> -> memref<1x128x128xf32, #tpu.memory_space<hbm>>
      %dma_start3A_72 = tpu.memref_squeeze %dma_start3A_71 : memref<1x128x128xf32, #tpu.memory_space<hbm>> -> memref<128x128xf32, #tpu.memory_space<hbm>>
      %dma_start3A_73 = arith.constant 0 : i32
      %dma_start3A_74 = tpu.memref_slice %arg6[%arg0, %add3A_62, %dma_start3A_73] : memref<2x10240x128xf32, #tpu.memory_space<hbm>> -> memref<1x128x128xf32, #tpu.memory_space<hbm>>
      %dma_start3A_75 = tpu.memref_squeeze %dma_start3A_74 : memref<1x128x128xf32, #tpu.memory_space<hbm>> -> memref<128x128xf32, #tpu.memory_space<hbm>>
      %dma_start3A_76 = arith.constant 0 : i32
      %dma_start3A_77 = arith.constant 0 : i32
      %dma_start3A_78 = tpu.memref_slice %arg13[%dma_start3A_76, %dma_start3A_77] : memref<128x128xf32, #tpu.memory_space<vmem>> -> memref<128x128xf32, #tpu.memory_space<vmem>>
      tpu.enqueue_dma source(%dma_start3A_78 : memref<128x128xf32, #tpu.memory_space<vmem>>) target(%dma_start3A_75 : memref<128x128xf32, #tpu.memory_space<hbm>>) target_semaphore(%run_scoped3A : memref<!tpu.dma_semaphore, #tpu.memory_space<semaphore_mem>>)
      %dma_wait3A_79 = arith.constant 0 : i32
      %dma_wait3A_80 = arith.constant 0 : i32
      %dma_wait3A_81 = tpu.memref_slice %arg13[%dma_wait3A_79, %dma_wait3A_80] : memref<128x128xf32, #tpu.memory_space<vmem>> -> memref<128x128xf32, #tpu.memory_space<vmem>>
      %dma_wait3A_82 = arith.constant 0 : i32
      %dma_wait3A_83 = tpu.memref_slice %arg6[%arg0, %add3A_62, %dma_wait3A_82] : memref<2x10240x128xf32, #tpu.memory_space<hbm>> -> memref<1x128x128xf32, #tpu.memory_space<hbm>>
      %dma_wait3A_84 = tpu.memref_squeeze %dma_wait3A_83 : memref<1x128x128xf32, #tpu.memory_space<hbm>> -> memref<128x128xf32, #tpu.memory_space<hbm>>
      %dma_wait3A_85 = arith.constant 0 : i32
      %dma_wait3A_86 = tpu.memref_slice %arg6[%arg0, %add3A_62, %dma_wait3A_85] : memref<2x10240x128xf32, #tpu.memory_space<hbm>> -> memref<1x128x128xf32, #tpu.memory_space<hbm>>
      %dma_wait3A_87 = tpu.memref_squeeze %dma_wait3A_86 : memref<1x128x128xf32, #tpu.memory_space<hbm>> -> memref<128x128xf32, #tpu.memory_space<hbm>>
      %dma_wait3A_88 = arith.constant 0 : i32
      %dma_wait3A_89 = arith.constant 0 : i32
      %dma_wait3A_90 = tpu.memref_slice %arg13[%dma_wait3A_88, %dma_wait3A_89] : memref<128x128xf32, #tpu.memory_space<vmem>> -> memref<128x128xf32, #tpu.memory_space<vmem>>
      tpu.wait_dma2 semaphore(%run_scoped3A : memref<!tpu.dma_semaphore, #tpu.memory_space<semaphore_mem>>) src(%dma_wait3A_90 : memref<128x128xf32, #tpu.memory_space<vmem>>) dst(%dma_wait3A_87 : memref<128x128xf32, #tpu.memory_space<hbm>>)
      tpu.yield
    }) : () -> ()
    %add3A_63 = arith.constant 512 : i32
    %add3A_64 = arith.addi %mul3A_2, %add3A_63 : i32
    "tpu.region"() ({
      %run_scoped3A = tpu.sem_alloc : memref<!tpu.dma_semaphore, #tpu.memory_space<semaphore_mem>>
      %dma_start3A_67 = arith.constant 0 : i32
      %dma_start3A_68 = arith.constant 0 : i32
      %dma_start3A_69 = tpu.memref_slice %arg13[%dma_start3A_67, %dma_start3A_68] : memref<128x128xf32, #tpu.memory_space<vmem>> -> memref<128x128xf32, #tpu.memory_space<vmem>>
      %dma_start3A_70 = arith.constant 0 : i32
      %dma_start3A_71 = tpu.memref_slice %arg14[%add3A_64, %dma_start3A_70] : memref<10240x128xf32, #tpu.memory_space<vmem_shared>> -> memref<128x128xf32, #tpu.memory_space<vmem_shared>>
      %dma_start3A_72 = arith.constant 0 : i32
      %dma_start3A_73 = arith.constant 0 : i32
      %dma_start3A_74 = tpu.memref_slice %arg13[%dma_start3A_72, %dma_start3A_73] : memref<128x128xf32, #tpu.memory_space<vmem>> -> memref<128x128xf32, #tpu.memory_space<vmem>>
      %dma_start3A_75 = arith.constant 0 : i32
      %dma_start3A_76 = tpu.memref_slice %arg14[%add3A_64, %dma_start3A_75] : memref<10240x128xf32, #tpu.memory_space<vmem_shared>> -> memref<128x128xf32, #tpu.memory_space<vmem_shared>>
      tpu.enqueue_dma source(%dma_start3A_76 : memref<128x128xf32, #tpu.memory_space<vmem_shared>>) target(%dma_start3A_74 : memref<128x128xf32, #tpu.memory_space<vmem>>) target_semaphore(%run_scoped3A : memref<!tpu.dma_semaphore, #tpu.memory_space<semaphore_mem>>)
      %dma_wait3A_77 = arith.constant 0 : i32
      %dma_wait3A_78 = arith.constant 0 : i32
      %dma_wait3A_79 = tpu.memref_slice %arg13[%dma_wait3A_77, %dma_wait3A_78] : memref<128x128xf32, #tpu.memory_space<vmem>> -> memref<128x128xf32, #tpu.memory_space<vmem>>
      %dma_wait3A_80 = arith.constant 0 : i32
      %dma_wait3A_81 = tpu.memref_slice %arg14[%add3A_64, %dma_wait3A_80] : memref<10240x128xf32, #tpu.memory_space<vmem_shared>> -> memref<128x128xf32, #tpu.memory_space<vmem_shared>>
      %dma_wait3A_82 = arith.constant 0 : i32
      %dma_wait3A_83 = arith.constant 0 : i32
      %dma_wait3A_84 = tpu.memref_slice %arg13[%dma_wait3A_82, %dma_wait3A_83] : memref<128x128xf32, #tpu.memory_space<vmem>> -> memref<128x128xf32, #tpu.memory_space<vmem>>
      %dma_wait3A_85 = arith.constant 0 : i32
      %dma_wait3A_86 = tpu.memref_slice %arg14[%add3A_64, %dma_wait3A_85] : memref<10240x128xf32, #tpu.memory_space<vmem_shared>> -> memref<128x128xf32, #tpu.memory_space<vmem_shared>>
      tpu.wait_dma2 semaphore(%run_scoped3A : memref<!tpu.dma_semaphore, #tpu.memory_space<semaphore_mem>>) src(%dma_wait3A_86 : memref<128x128xf32, #tpu.memory_space<vmem_shared>>) dst(%dma_wait3A_84 : memref<128x128xf32, #tpu.memory_space<vmem>>)
      tpu.yield
    }) : () -> ()
    %add3A_65 = arith.constant 512 : i32
    %add3A_66 = arith.addi %mul3A_2, %add3A_65 : i32
    "tpu.region"() ({
      %run_scoped3A = tpu.sem_alloc : memref<!tpu.dma_semaphore, #tpu.memory_space<semaphore_mem>>
      %dma_start3A_67 = arith.constant 0 : i32
      %dma_start3A_68 = arith.constant 0 : i32
      %dma_start3A_69 = tpu.memref_slice %arg13[%dma_start3A_67, %dma_start3A_68] : memref<128x128xf32, #tpu.memory_space<vmem>> -> memref<128x128xf32, #tpu.memory_space<vmem>>
      %dma_start3A_70 = arith.constant 0 : i32
      %dma_start3A_71 = tpu.memref_slice %arg6[%arg0, %add3A_66, %dma_start3A_70] : memref<2x10240x128xf32, #tpu.memory_space<hbm>> -> memref<1x128x128xf32, #tpu.memory_space<hbm>>
      %dma_start3A_72 = tpu.memref_squeeze %dma_start3A_71 : memref<1x128x128xf32, #tpu.memory_space<hbm>> -> memref<128x128xf32, #tpu.memory_space<hbm>>
      %dma_start3A_73 = arith.constant 0 : i32
      %dma_start3A_74 = tpu.memref_slice %arg6[%arg0, %add3A_66, %dma_start3A_73] : memref<2x10240x128xf32, #tpu.memory_space<hbm>> -> memref<1x128x128xf32, #tpu.memory_space<hbm>>
      %dma_start3A_75 = tpu.memref_squeeze %dma_start3A_74 : memref<1x128x128xf32, #tpu.memory_space<hbm>> -> memref<128x128xf32, #tpu.memory_space<hbm>>
      %dma_start3A_76 = arith.constant 0 : i32
      %dma_start3A_77 = arith.constant 0 : i32
      %dma_start3A_78 = tpu.memref_slice %arg13[%dma_start3A_76, %dma_start3A_77] : memref<128x128xf32, #tpu.memory_space<vmem>> -> memref<128x128xf32, #tpu.memory_space<vmem>>
      tpu.enqueue_dma source(%dma_start3A_78 : memref<128x128xf32, #tpu.memory_space<vmem>>) target(%dma_start3A_75 : memref<128x128xf32, #tpu.memory_space<hbm>>) target_semaphore(%run_scoped3A : memref<!tpu.dma_semaphore, #tpu.memory_space<semaphore_mem>>)
      %dma_wait3A_79 = arith.constant 0 : i32
      %dma_wait3A_80 = arith.constant 0 : i32
      %dma_wait3A_81 = tpu.memref_slice %arg13[%dma_wait3A_79, %dma_wait3A_80] : memref<128x128xf32, #tpu.memory_space<vmem>> -> memref<128x128xf32, #tpu.memory_space<vmem>>
      %dma_wait3A_82 = arith.constant 0 : i32
      %dma_wait3A_83 = tpu.memref_slice %arg6[%arg0, %add3A_66, %dma_wait3A_82] : memref<2x10240x128xf32, #tpu.memory_space<hbm>> -> memref<1x128x128xf32, #tpu.memory_space<hbm>>
      %dma_wait3A_84 = tpu.memref_squeeze %dma_wait3A_83 : memref<1x128x128xf32, #tpu.memory_space<hbm>> -> memref<128x128xf32, #tpu.memory_space<hbm>>
      %dma_wait3A_85 = arith.constant 0 : i32
      %dma_wait3A_86 = tpu.memref_slice %arg6[%arg0, %add3A_66, %dma_wait3A_85] : memref<2x10240x128xf32, #tpu.memory_space<hbm>> -> memref<1x128x128xf32, #tpu.memory_space<hbm>>
      %dma_wait3A_87 = tpu.memref_squeeze %dma_wait3A_86 : memref<1x128x128xf32, #tpu.memory_space<hbm>> -> memref<128x128xf32, #tpu.memory_space<hbm>>
      %dma_wait3A_88 = arith.constant 0 : i32
      %dma_wait3A_89 = arith.constant 0 : i32
      %dma_wait3A_90 = tpu.memref_slice %arg13[%dma_wait3A_88, %dma_wait3A_89] : memref<128x128xf32, #tpu.memory_space<vmem>> -> memref<128x128xf32, #tpu.memory_space<vmem>>
      tpu.wait_dma2 semaphore(%run_scoped3A : memref<!tpu.dma_semaphore, #tpu.memory_space<semaphore_mem>>) src(%dma_wait3A_90 : memref<128x128xf32, #tpu.memory_space<vmem>>) dst(%dma_wait3A_87 : memref<128x128xf32, #tpu.memory_space<hbm>>)
      tpu.yield
    }) : () -> ()
    return
  }
}

#map = affine_map<(d0, d1) -> (0, 0)>
#map1 = affine_map<(d0, d1) -> (0)>
#map2 = affine_map<(d0, d1) -> (0, 0, 0)>
module attributes {stable_mosaic.version = 14 : i64} {
  func.func @_agg_body(%arg0: i32, %arg1: i32, %arg2: memref<10000x128xf32, #tpu.memory_space<hbm>>, %arg3: memref<320000xi32, #tpu.memory_space<hbm>>, %arg4: memref<320000xi32, #tpu.memory_space<hbm>>, %arg5: memref<128x128xf32, #tpu.memory_space<hbm>>, %arg6: memref<2x10240x128xf32, #tpu.memory_space<hbm>>, %arg7: memref<80xi32, #tpu.memory_space<vmem>>, %arg8: memref<80xi32, #tpu.memory_space<vmem>>, %arg9: memref<80xi32, #tpu.memory_space<vmem>>, %arg10: memref<80xi32, #tpu.memory_space<vmem>>, %arg11: memref<80x128xf32, #tpu.memory_space<vmem>>, %arg12: memref<80x128xf32, #tpu.memory_space<vmem>>, %arg13: memref<128x128xf32, #tpu.memory_space<vmem>>, %arg14: memref<10240x128xf32, #tpu.memory_space<vmem_shared>>, %arg15: memref<!tpu.dma_semaphore, #tpu.memory_space<semaphore_mem>>, %arg16: memref<!tpu.dma_semaphore, #tpu.memory_space<semaphore_mem>>) attributes {dimension_semantics = [#tpu.dimension_semantics<core_parallel>, #tpu.dimension_semantics<subcore_parallel>], iteration_bounds = array<i64: 2, 16>, scalar_prefetch = 0 : i64, scratch_operands = 10 : i64, tpu.core_type = #tpu.core_type<sc_vector_subcore>, window_params = [{transform_indices = #map}, {transform_indices = #map1}, {transform_indices = #map1}, {transform_indices = #map}, {transform_indices = #map2}]} {
    %mul3A = arith.constant 16 : i32
    %mul3A_0 = arith.muli %arg0, %mul3A : i32
    %add3A = arith.addi %mul3A_0, %arg1 : i32
    %mul3A_1 = arith.constant 640 : i32
    %mul3A_2 = arith.muli %arg1, %mul3A_1 : i32
    "tpu.region"() ({
      %run_scoped3A = tpu.sem_alloc : memref<!tpu.dma_semaphore, #tpu.memory_space<semaphore_mem>>
      tpu.enqueue_dma source(%arg5 : memref<128x128xf32, #tpu.memory_space<hbm>>) target(%arg13 : memref<128x128xf32, #tpu.memory_space<vmem>>) target_semaphore(%run_scoped3A : memref<!tpu.dma_semaphore, #tpu.memory_space<semaphore_mem>>)
      tpu.wait_dma2 semaphore(%run_scoped3A : memref<!tpu.dma_semaphore, #tpu.memory_space<semaphore_mem>>) src(%arg5 : memref<128x128xf32, #tpu.memory_space<hbm>>) dst(%arg13 : memref<128x128xf32, #tpu.memory_space<vmem>>)
      tpu.yield
    }) : () -> ()
    %add3A_3 = arith.constant 0 : i32
    %add3A_4 = arith.addi %mul3A_2, %add3A_3 : i32
    "tpu.region"() ({
      %run_scoped3A = tpu.sem_alloc : memref<!tpu.dma_semaphore, #tpu.memory_space<semaphore_mem>>
      %dma_start3A_67 = arith.constant 0 : i32
      %dma_start3A_68 = arith.constant 0 : i32
      %dma_start3A_69 = tpu.memref_slice %arg13[%dma_start3A_67, %dma_start3A_68] : memref<128x128xf32, #tpu.memory_space<vmem>> -> memref<128x128xf32, #tpu.memory_space<vmem>>
      %dma_start3A_70 = arith.constant 0 : i32
      %dma_start3A_71 = tpu.memref_slice %arg14[%add3A_4, %dma_start3A_70] : memref<10240x128xf32, #tpu.memory_space<vmem_shared>> -> memref<128x128xf32, #tpu.memory_space<vmem_shared>>
      %dma_start3A_72 = arith.constant 0 : i32
      %dma_start3A_73 = tpu.memref_slice %arg14[%add3A_4, %dma_start3A_72] : memref<10240x128xf32, #tpu.memory_space<vmem_shared>> -> memref<128x128xf32, #tpu.memory_space<vmem_shared>>
      %dma_start3A_74 = arith.constant 0 : i32
      %dma_start3A_75 = arith.constant 0 : i32
      %dma_start3A_76 = tpu.memref_slice %arg13[%dma_start3A_74, %dma_start3A_75] : memref<128x128xf32, #tpu.memory_space<vmem>> -> memref<128x128xf32, #tpu.memory_space<vmem>>
      tpu.enqueue_dma source(%dma_start3A_76 : memref<128x128xf32, #tpu.memory_space<vmem>>) target(%dma_start3A_73 : memref<128x128xf32, #tpu.memory_space<vmem_shared>>) target_semaphore(%run_scoped3A : memref<!tpu.dma_semaphore, #tpu.memory_space<semaphore_mem>>)
      %dma_wait3A_77 = arith.constant 0 : i32
      %dma_wait3A_78 = arith.constant 0 : i32
      %dma_wait3A_79 = tpu.memref_slice %arg13[%dma_wait3A_77, %dma_wait3A_78] : memref<128x128xf32, #tpu.memory_space<vmem>> -> memref<128x128xf32, #tpu.memory_space<vmem>>
      %dma_wait3A_80 = arith.constant 0 : i32
      %dma_wait3A_81 = tpu.memref_slice %arg14[%add3A_4, %dma_wait3A_80] : memref<10240x128xf32, #tpu.memory_space<vmem_shared>> -> memref<128x128xf32, #tpu.memory_space<vmem_shared>>
      %dma_wait3A_82 = arith.constant 0 : i32
      %dma_wait3A_83 = tpu.memref_slice %arg14[%add3A_4, %dma_wait3A_82] : memref<10240x128xf32, #tpu.memory_space<vmem_shared>> -> memref<128x128xf32, #tpu.memory_space<vmem_shared>>
      %dma_wait3A_84 = arith.constant 0 : i32
      %dma_wait3A_85 = arith.constant 0 : i32
      %dma_wait3A_86 = tpu.memref_slice %arg13[%dma_wait3A_84, %dma_wait3A_85] : memref<128x128xf32, #tpu.memory_space<vmem>> -> memref<128x128xf32, #tpu.memory_space<vmem>>
      tpu.wait_dma2 semaphore(%run_scoped3A : memref<!tpu.dma_semaphore, #tpu.memory_space<semaphore_mem>>) src(%dma_wait3A_86 : memref<128x128xf32, #tpu.memory_space<vmem>>) dst(%dma_wait3A_83 : memref<128x128xf32, #tpu.memory_space<vmem_shared>>)
      tpu.yield
    }) : () -> ()
    %add3A_5 = arith.constant 128 : i32
    %add3A_6 = arith.addi %mul3A_2, %add3A_5 : i32
    "tpu.region"() ({
      %run_scoped3A = tpu.sem_alloc : memref<!tpu.dma_semaphore, #tpu.memory_space<semaphore_mem>>
      %dma_start3A_67 = arith.constant 0 : i32
      %dma_start3A_68 = arith.constant 0 : i32
      %dma_start3A_69 = tpu.memref_slice %arg13[%dma_start3A_67, %dma_start3A_68] : memref<128x128xf32, #tpu.memory_space<vmem>> -> memref<128x128xf32, #tpu.memory_space<vmem>>
      %dma_start3A_70 = arith.constant 0 : i32
      %dma_start3A_71 = tpu.memref_slice %arg14[%add3A_6, %dma_start3A_70] : memref<10240x128xf32, #tpu.memory_space<vmem_shared>> -> memref<128x128xf32, #tpu.memory_space<vmem_shared>>
      %dma_start3A_72 = arith.constant 0 : i32
      %dma_start3A_73 = tpu.memref_slice %arg14[%add3A_6, %dma_start3A_72] : memref<10240x128xf32, #tpu.memory_space<vmem_shared>> -> memref<128x128xf32, #tpu.memory_space<vmem_shared>>
      %dma_start3A_74 = arith.constant 0 : i32
      %dma_start3A_75 = arith.constant 0 : i32
      %dma_start3A_76 = tpu.memref_slice %arg13[%dma_start3A_74, %dma_start3A_75] : memref<128x128xf32, #tpu.memory_space<vmem>> -> memref<128x128xf32, #tpu.memory_space<vmem>>
      tpu.enqueue_dma source(%dma_start3A_76 : memref<128x128xf32, #tpu.memory_space<vmem>>) target(%dma_start3A_73 : memref<128x128xf32, #tpu.memory_space<vmem_shared>>) target_semaphore(%run_scoped3A : memref<!tpu.dma_semaphore, #tpu.memory_space<semaphore_mem>>)
      %dma_wait3A_77 = arith.constant 0 : i32
      %dma_wait3A_78 = arith.constant 0 : i32
      %dma_wait3A_79 = tpu.memref_slice %arg13[%dma_wait3A_77, %dma_wait3A_78] : memref<128x128xf32, #tpu.memory_space<vmem>> -> memref<128x128xf32, #tpu.memory_space<vmem>>
      %dma_wait3A_80 = arith.constant 0 : i32
      %dma_wait3A_81 = tpu.memref_slice %arg14[%add3A_6, %dma_wait3A_80] : memref<10240x128xf32, #tpu.memory_space<vmem_shared>> -> memref<128x128xf32, #tpu.memory_space<vmem_shared>>
      %dma_wait3A_82 = arith.constant 0 : i32
      %dma_wait3A_83 = tpu.memref_slice %arg14[%add3A_6, %dma_wait3A_82] : memref<10240x128xf32, #tpu.memory_space<vmem_shared>> -> memref<128x128xf32, #tpu.memory_space<vmem_shared>>
      %dma_wait3A_84 = arith.constant 0 : i32
      %dma_wait3A_85 = arith.constant 0 : i32
      %dma_wait3A_86 = tpu.memref_slice %arg13[%dma_wait3A_84, %dma_wait3A_85] : memref<128x128xf32, #tpu.memory_space<vmem>> -> memref<128x128xf32, #tpu.memory_space<vmem>>
      tpu.wait_dma2 semaphore(%run_scoped3A : memref<!tpu.dma_semaphore, #tpu.memory_space<semaphore_mem>>) src(%dma_wait3A_86 : memref<128x128xf32, #tpu.memory_space<vmem>>) dst(%dma_wait3A_83 : memref<128x128xf32, #tpu.memory_space<vmem_shared>>)
      tpu.yield
    }) : () -> ()
    %add3A_7 = arith.constant 256 : i32
    %add3A_8 = arith.addi %mul3A_2, %add3A_7 : i32
    "tpu.region"() ({
      %run_scoped3A = tpu.sem_alloc : memref<!tpu.dma_semaphore, #tpu.memory_space<semaphore_mem>>
      %dma_start3A_67 = arith.constant 0 : i32
      %dma_start3A_68 = arith.constant 0 : i32
      %dma_start3A_69 = tpu.memref_slice %arg13[%dma_start3A_67, %dma_start3A_68] : memref<128x128xf32, #tpu.memory_space<vmem>> -> memref<128x128xf32, #tpu.memory_space<vmem>>
      %dma_start3A_70 = arith.constant 0 : i32
      %dma_start3A_71 = tpu.memref_slice %arg14[%add3A_8, %dma_start3A_70] : memref<10240x128xf32, #tpu.memory_space<vmem_shared>> -> memref<128x128xf32, #tpu.memory_space<vmem_shared>>
      %dma_start3A_72 = arith.constant 0 : i32
      %dma_start3A_73 = tpu.memref_slice %arg14[%add3A_8, %dma_start3A_72] : memref<10240x128xf32, #tpu.memory_space<vmem_shared>> -> memref<128x128xf32, #tpu.memory_space<vmem_shared>>
      %dma_start3A_74 = arith.constant 0 : i32
      %dma_start3A_75 = arith.constant 0 : i32
      %dma_start3A_76 = tpu.memref_slice %arg13[%dma_start3A_74, %dma_start3A_75] : memref<128x128xf32, #tpu.memory_space<vmem>> -> memref<128x128xf32, #tpu.memory_space<vmem>>
      tpu.enqueue_dma source(%dma_start3A_76 : memref<128x128xf32, #tpu.memory_space<vmem>>) target(%dma_start3A_73 : memref<128x128xf32, #tpu.memory_space<vmem_shared>>) target_semaphore(%run_scoped3A : memref<!tpu.dma_semaphore, #tpu.memory_space<semaphore_mem>>)
      %dma_wait3A_77 = arith.constant 0 : i32
      %dma_wait3A_78 = arith.constant 0 : i32
      %dma_wait3A_79 = tpu.memref_slice %arg13[%dma_wait3A_77, %dma_wait3A_78] : memref<128x128xf32, #tpu.memory_space<vmem>> -> memref<128x128xf32, #tpu.memory_space<vmem>>
      %dma_wait3A_80 = arith.constant 0 : i32
      %dma_wait3A_81 = tpu.memref_slice %arg14[%add3A_8, %dma_wait3A_80] : memref<10240x128xf32, #tpu.memory_space<vmem_shared>> -> memref<128x128xf32, #tpu.memory_space<vmem_shared>>
      %dma_wait3A_82 = arith.constant 0 : i32
      %dma_wait3A_83 = tpu.memref_slice %arg14[%add3A_8, %dma_wait3A_82] : memref<10240x128xf32, #tpu.memory_space<vmem_shared>> -> memref<128x128xf32, #tpu.memory_space<vmem_shared>>
      %dma_wait3A_84 = arith.constant 0 : i32
      %dma_wait3A_85 = arith.constant 0 : i32
      %dma_wait3A_86 = tpu.memref_slice %arg13[%dma_wait3A_84, %dma_wait3A_85] : memref<128x128xf32, #tpu.memory_space<vmem>> -> memref<128x128xf32, #tpu.memory_space<vmem>>
      tpu.wait_dma2 semaphore(%run_scoped3A : memref<!tpu.dma_semaphore, #tpu.memory_space<semaphore_mem>>) src(%dma_wait3A_86 : memref<128x128xf32, #tpu.memory_space<vmem>>) dst(%dma_wait3A_83 : memref<128x128xf32, #tpu.memory_space<vmem_shared>>)
      tpu.yield
    }) : () -> ()
    %add3A_9 = arith.constant 384 : i32
    %add3A_10 = arith.addi %mul3A_2, %add3A_9 : i32
    "tpu.region"() ({
      %run_scoped3A = tpu.sem_alloc : memref<!tpu.dma_semaphore, #tpu.memory_space<semaphore_mem>>
      %dma_start3A_67 = arith.constant 0 : i32
      %dma_start3A_68 = arith.constant 0 : i32
      %dma_start3A_69 = tpu.memref_slice %arg13[%dma_start3A_67, %dma_start3A_68] : memref<128x128xf32, #tpu.memory_space<vmem>> -> memref<128x128xf32, #tpu.memory_space<vmem>>
      %dma_start3A_70 = arith.constant 0 : i32
      %dma_start3A_71 = tpu.memref_slice %arg14[%add3A_10, %dma_start3A_70] : memref<10240x128xf32, #tpu.memory_space<vmem_shared>> -> memref<128x128xf32, #tpu.memory_space<vmem_shared>>
      %dma_start3A_72 = arith.constant 0 : i32
      %dma_start3A_73 = tpu.memref_slice %arg14[%add3A_10, %dma_start3A_72] : memref<10240x128xf32, #tpu.memory_space<vmem_shared>> -> memref<128x128xf32, #tpu.memory_space<vmem_shared>>
      %dma_start3A_74 = arith.constant 0 : i32
      %dma_start3A_75 = arith.constant 0 : i32
      %dma_start3A_76 = tpu.memref_slice %arg13[%dma_start3A_74, %dma_start3A_75] : memref<128x128xf32, #tpu.memory_space<vmem>> -> memref<128x128xf32, #tpu.memory_space<vmem>>
      tpu.enqueue_dma source(%dma_start3A_76 : memref<128x128xf32, #tpu.memory_space<vmem>>) target(%dma_start3A_73 : memref<128x128xf32, #tpu.memory_space<vmem_shared>>) target_semaphore(%run_scoped3A : memref<!tpu.dma_semaphore, #tpu.memory_space<semaphore_mem>>)
      %dma_wait3A_77 = arith.constant 0 : i32
      %dma_wait3A_78 = arith.constant 0 : i32
      %dma_wait3A_79 = tpu.memref_slice %arg13[%dma_wait3A_77, %dma_wait3A_78] : memref<128x128xf32, #tpu.memory_space<vmem>> -> memref<128x128xf32, #tpu.memory_space<vmem>>
      %dma_wait3A_80 = arith.constant 0 : i32
      %dma_wait3A_81 = tpu.memref_slice %arg14[%add3A_10, %dma_wait3A_80] : memref<10240x128xf32, #tpu.memory_space<vmem_shared>> -> memref<128x128xf32, #tpu.memory_space<vmem_shared>>
      %dma_wait3A_82 = arith.constant 0 : i32
      %dma_wait3A_83 = tpu.memref_slice %arg14[%add3A_10, %dma_wait3A_82] : memref<10240x128xf32, #tpu.memory_space<vmem_shared>> -> memref<128x128xf32, #tpu.memory_space<vmem_shared>>
      %dma_wait3A_84 = arith.constant 0 : i32
      %dma_wait3A_85 = arith.constant 0 : i32
      %dma_wait3A_86 = tpu.memref_slice %arg13[%dma_wait3A_84, %dma_wait3A_85] : memref<128x128xf32, #tpu.memory_space<vmem>> -> memref<128x128xf32, #tpu.memory_space<vmem>>
      tpu.wait_dma2 semaphore(%run_scoped3A : memref<!tpu.dma_semaphore, #tpu.memory_space<semaphore_mem>>) src(%dma_wait3A_86 : memref<128x128xf32, #tpu.memory_space<vmem>>) dst(%dma_wait3A_83 : memref<128x128xf32, #tpu.memory_space<vmem_shared>>)
      tpu.yield
    }) : () -> ()
    %add3A_11 = arith.constant 512 : i32
    %add3A_12 = arith.addi %mul3A_2, %add3A_11 : i32
    "tpu.region"() ({
      %run_scoped3A = tpu.sem_alloc : memref<!tpu.dma_semaphore, #tpu.memory_space<semaphore_mem>>
      %dma_start3A_67 = arith.constant 0 : i32
      %dma_start3A_68 = arith.constant 0 : i32
      %dma_start3A_69 = tpu.memref_slice %arg13[%dma_start3A_67, %dma_start3A_68] : memref<128x128xf32, #tpu.memory_space<vmem>> -> memref<128x128xf32, #tpu.memory_space<vmem>>
      %dma_start3A_70 = arith.constant 0 : i32
      %dma_start3A_71 = tpu.memref_slice %arg14[%add3A_12, %dma_start3A_70] : memref<10240x128xf32, #tpu.memory_space<vmem_shared>> -> memref<128x128xf32, #tpu.memory_space<vmem_shared>>
      %dma_start3A_72 = arith.constant 0 : i32
      %dma_start3A_73 = tpu.memref_slice %arg14[%add3A_12, %dma_start3A_72] : memref<10240x128xf32, #tpu.memory_space<vmem_shared>> -> memref<128x128xf32, #tpu.memory_space<vmem_shared>>
      %dma_start3A_74 = arith.constant 0 : i32
      %dma_start3A_75 = arith.constant 0 : i32
      %dma_start3A_76 = tpu.memref_slice %arg13[%dma_start3A_74, %dma_start3A_75] : memref<128x128xf32, #tpu.memory_space<vmem>> -> memref<128x128xf32, #tpu.memory_space<vmem>>
      tpu.enqueue_dma source(%dma_start3A_76 : memref<128x128xf32, #tpu.memory_space<vmem>>) target(%dma_start3A_73 : memref<128x128xf32, #tpu.memory_space<vmem_shared>>) target_semaphore(%run_scoped3A : memref<!tpu.dma_semaphore, #tpu.memory_space<semaphore_mem>>)
      %dma_wait3A_77 = arith.constant 0 : i32
      %dma_wait3A_78 = arith.constant 0 : i32
      %dma_wait3A_79 = tpu.memref_slice %arg13[%dma_wait3A_77, %dma_wait3A_78] : memref<128x128xf32, #tpu.memory_space<vmem>> -> memref<128x128xf32, #tpu.memory_space<vmem>>
      %dma_wait3A_80 = arith.constant 0 : i32
      %dma_wait3A_81 = tpu.memref_slice %arg14[%add3A_12, %dma_wait3A_80] : memref<10240x128xf32, #tpu.memory_space<vmem_shared>> -> memref<128x128xf32, #tpu.memory_space<vmem_shared>>
      %dma_wait3A_82 = arith.constant 0 : i32
      %dma_wait3A_83 = tpu.memref_slice %arg14[%add3A_12, %dma_wait3A_82] : memref<10240x128xf32, #tpu.memory_space<vmem_shared>> -> memref<128x128xf32, #tpu.memory_space<vmem_shared>>
      %dma_wait3A_84 = arith.constant 0 : i32
      %dma_wait3A_85 = arith.constant 0 : i32
      %dma_wait3A_86 = tpu.memref_slice %arg13[%dma_wait3A_84, %dma_wait3A_85] : memref<128x128xf32, #tpu.memory_space<vmem>> -> memref<128x128xf32, #tpu.memory_space<vmem>>
      tpu.wait_dma2 semaphore(%run_scoped3A : memref<!tpu.dma_semaphore, #tpu.memory_space<semaphore_mem>>) src(%dma_wait3A_86 : memref<128x128xf32, #tpu.memory_space<vmem>>) dst(%dma_wait3A_83 : memref<128x128xf32, #tpu.memory_space<vmem_shared>>)
      tpu.yield
    }) : () -> ()
    %mul3A_13 = arith.constant 10000 : i32
    %mul3A_14 = arith.muli %add3A, %mul3A_13 : i32
    %add3A_15 = arith.constant 0 : i32
    %add3A_16 = arith.addi %mul3A_14, %add3A_15 : i32
    "tpu.region"() ({
      %run_scoped3A = tpu.sem_alloc : memref<!tpu.dma_semaphore, #tpu.memory_space<semaphore_mem>>
      %dma_start3A_67 = tpu.memref_slice %arg3[%add3A_16] : memref<320000xi32, #tpu.memory_space<hbm>> -> memref<80xi32, #tpu.memory_space<hbm>>
      %dma_start3A_68 = tpu.memref_slice %arg3[%add3A_16] : memref<320000xi32, #tpu.memory_space<hbm>> -> memref<80xi32, #tpu.memory_space<hbm>>
      tpu.enqueue_dma source(%dma_start3A_68 : memref<80xi32, #tpu.memory_space<hbm>>) target(%arg7 : memref<80xi32, #tpu.memory_space<vmem>>) target_semaphore(%run_scoped3A : memref<!tpu.dma_semaphore, #tpu.memory_space<semaphore_mem>>)
      %dma_wait3A_69 = tpu.memref_slice %arg3[%add3A_16] : memref<320000xi32, #tpu.memory_space<hbm>> -> memref<80xi32, #tpu.memory_space<hbm>>
      %dma_wait3A_70 = tpu.memref_slice %arg3[%add3A_16] : memref<320000xi32, #tpu.memory_space<hbm>> -> memref<80xi32, #tpu.memory_space<hbm>>
      tpu.wait_dma2 semaphore(%run_scoped3A : memref<!tpu.dma_semaphore, #tpu.memory_space<semaphore_mem>>) src(%dma_wait3A_70 : memref<80xi32, #tpu.memory_space<hbm>>) dst(%arg7 : memref<80xi32, #tpu.memory_space<vmem>>)
      tpu.yield
    }) : () -> ()
    "tpu.region"() ({
      %run_scoped3A = tpu.sem_alloc : memref<!tpu.dma_semaphore, #tpu.memory_space<semaphore_mem>>
      %dma_start3A_67 = tpu.memref_slice %arg4[%add3A_16] : memref<320000xi32, #tpu.memory_space<hbm>> -> memref<80xi32, #tpu.memory_space<hbm>>
      %dma_start3A_68 = tpu.memref_slice %arg4[%add3A_16] : memref<320000xi32, #tpu.memory_space<hbm>> -> memref<80xi32, #tpu.memory_space<hbm>>
      tpu.enqueue_dma source(%dma_start3A_68 : memref<80xi32, #tpu.memory_space<hbm>>) target(%arg9 : memref<80xi32, #tpu.memory_space<vmem>>) target_semaphore(%run_scoped3A : memref<!tpu.dma_semaphore, #tpu.memory_space<semaphore_mem>>)
      %dma_wait3A_69 = tpu.memref_slice %arg4[%add3A_16] : memref<320000xi32, #tpu.memory_space<hbm>> -> memref<80xi32, #tpu.memory_space<hbm>>
      %dma_wait3A_70 = tpu.memref_slice %arg4[%add3A_16] : memref<320000xi32, #tpu.memory_space<hbm>> -> memref<80xi32, #tpu.memory_space<hbm>>
      tpu.wait_dma2 semaphore(%run_scoped3A : memref<!tpu.dma_semaphore, #tpu.memory_space<semaphore_mem>>) src(%dma_wait3A_70 : memref<80xi32, #tpu.memory_space<hbm>>) dst(%arg9 : memref<80xi32, #tpu.memory_space<vmem>>)
      tpu.yield
    }) : () -> ()
    %mul3A_17 = arith.constant 10000 : i32
    %mul3A_18 = arith.muli %add3A, %mul3A_17 : i32
    %add3A_19 = arith.constant 80 : i32
    %add3A_20 = arith.addi %mul3A_18, %add3A_19 : i32
    "tpu.region"() ({
      %run_scoped3A = tpu.sem_alloc : memref<!tpu.dma_semaphore, #tpu.memory_space<semaphore_mem>>
      %dma_start3A_67 = tpu.memref_slice %arg3[%add3A_20] : memref<320000xi32, #tpu.memory_space<hbm>> -> memref<80xi32, #tpu.memory_space<hbm>>
      %dma_start3A_68 = tpu.memref_slice %arg3[%add3A_20] : memref<320000xi32, #tpu.memory_space<hbm>> -> memref<80xi32, #tpu.memory_space<hbm>>
      tpu.enqueue_dma source(%dma_start3A_68 : memref<80xi32, #tpu.memory_space<hbm>>) target(%arg8 : memref<80xi32, #tpu.memory_space<vmem>>) target_semaphore(%run_scoped3A : memref<!tpu.dma_semaphore, #tpu.memory_space<semaphore_mem>>)
      %dma_wait3A_69 = tpu.memref_slice %arg3[%add3A_20] : memref<320000xi32, #tpu.memory_space<hbm>> -> memref<80xi32, #tpu.memory_space<hbm>>
      %dma_wait3A_70 = tpu.memref_slice %arg3[%add3A_20] : memref<320000xi32, #tpu.memory_space<hbm>> -> memref<80xi32, #tpu.memory_space<hbm>>
      tpu.wait_dma2 semaphore(%run_scoped3A : memref<!tpu.dma_semaphore, #tpu.memory_space<semaphore_mem>>) src(%dma_wait3A_70 : memref<80xi32, #tpu.memory_space<hbm>>) dst(%arg8 : memref<80xi32, #tpu.memory_space<vmem>>)
      tpu.yield
    }) : () -> ()
    "tpu.region"() ({
      %run_scoped3A = tpu.sem_alloc : memref<!tpu.dma_semaphore, #tpu.memory_space<semaphore_mem>>
      %dma_start3A_67 = tpu.memref_slice %arg4[%add3A_20] : memref<320000xi32, #tpu.memory_space<hbm>> -> memref<80xi32, #tpu.memory_space<hbm>>
      %dma_start3A_68 = tpu.memref_slice %arg4[%add3A_20] : memref<320000xi32, #tpu.memory_space<hbm>> -> memref<80xi32, #tpu.memory_space<hbm>>
      tpu.enqueue_dma source(%dma_start3A_68 : memref<80xi32, #tpu.memory_space<hbm>>) target(%arg10 : memref<80xi32, #tpu.memory_space<vmem>>) target_semaphore(%run_scoped3A : memref<!tpu.dma_semaphore, #tpu.memory_space<semaphore_mem>>)
      %dma_wait3A_69 = tpu.memref_slice %arg4[%add3A_20] : memref<320000xi32, #tpu.memory_space<hbm>> -> memref<80xi32, #tpu.memory_space<hbm>>
      %dma_wait3A_70 = tpu.memref_slice %arg4[%add3A_20] : memref<320000xi32, #tpu.memory_space<hbm>> -> memref<80xi32, #tpu.memory_space<hbm>>
      tpu.wait_dma2 semaphore(%run_scoped3A : memref<!tpu.dma_semaphore, #tpu.memory_space<semaphore_mem>>) src(%dma_wait3A_70 : memref<80xi32, #tpu.memory_space<hbm>>) dst(%arg10 : memref<80xi32, #tpu.memory_space<vmem>>)
      tpu.yield
    }) : () -> ()
    %barrier3A = arith.constant 0 : index
    tpu.barrier barrier_id(%barrier3A)
    %dma_start3A = arith.constant 0 : i32
    %dma_start3A_21 = arith.constant 0 : i32
    %dma_start3A_22 = tpu.memref_slice %arg2[%dma_start3A, %dma_start3A_21] : memref<10000x128xf32, #tpu.memory_space<hbm>> -> memref<10000x128xf32, #tpu.memory_space<hbm>>
    tpu.enqueue_indirect_dma source(%dma_start3A_22 : memref<10000x128xf32, #tpu.memory_space<hbm>>) target(%arg11 : memref<80x128xf32, #tpu.memory_space<vmem>>) offsets(%arg7 : memref<80xi32, #tpu.memory_space<vmem>>) semaphore(%arg15 : memref<!tpu.dma_semaphore, #tpu.memory_space<semaphore_mem>>)
    %dma_start3A_23 = arith.constant 0 : i32
    %dma_start3A_24 = arith.constant 0 : i32
    %dma_start3A_25 = tpu.memref_slice %arg2[%dma_start3A_23, %dma_start3A_24] : memref<10000x128xf32, #tpu.memory_space<hbm>> -> memref<10000x128xf32, #tpu.memory_space<hbm>>
    tpu.enqueue_indirect_dma source(%dma_start3A_25 : memref<10000x128xf32, #tpu.memory_space<hbm>>) target(%arg12 : memref<80x128xf32, #tpu.memory_space<vmem>>) offsets(%arg8 : memref<80xi32, #tpu.memory_space<vmem>>) semaphore(%arg16 : memref<!tpu.dma_semaphore, #tpu.memory_space<semaphore_mem>>)
    %scan3A = arith.constant 0 : i32
    %scan3A_26 = arith.constant 0 : i32
    %scan3A_27 = arith.constant 61 : i32
    %scan3A_28 = arith.addi %scan3A_26, %scan3A_27 : i32
    %scan3A_29 = arith.constant 1 : i32
    scf.for %scan3A_67 = %scan3A_26 to %scan3A_28 step %scan3A_29  : i32 {
      %mul3A_68 = arith.constant 2 : i32
      %mul3A_69 = arith.muli %scan3A_67, %mul3A_68 : i32
      %add3A_70 = arith.constant 2 : i32
      %add3A_71 = arith.addi %mul3A_69, %add3A_70 : i32
      %dma_wait3A_72 = arith.constant 0 : i32
      %dma_wait3A_73 = arith.constant 0 : i32
      %dma_wait3A_74 = tpu.memref_slice %arg2[%dma_wait3A_72, %dma_wait3A_73] : memref<10000x128xf32, #tpu.memory_space<hbm>> -> memref<10000x128xf32, #tpu.memory_space<hbm>>
      tpu.wait_indirect_dma semaphore(%arg15 : memref<!tpu.dma_semaphore, #tpu.memory_space<semaphore_mem>>) src(%dma_wait3A_74 : memref<10000x128xf32, #tpu.memory_space<hbm>>) dst(%arg11 : memref<80x128xf32, #tpu.memory_space<vmem>>)
      "tpu.region"() ({
        %run_scoped3A = tpu.sem_alloc : memref<!tpu.dma_semaphore, #tpu.memory_space<semaphore_mem>>
        %dma_start3A_96 = arith.constant 0 : i32
        %dma_start3A_97 = arith.constant 0 : i32
        %dma_start3A_98 = tpu.memref_slice %arg14[%dma_start3A_96, %dma_start3A_97] : memref<10240x128xf32, #tpu.memory_space<vmem_shared>> -> memref<10240x128xf32, #tpu.memory_space<vmem_shared>>
        tpu.enqueue_indirect_dma source(%arg11 : memref<80x128xf32, #tpu.memory_space<vmem>>) target(%dma_start3A_98 : memref<10240x128xf32, #tpu.memory_space<vmem_shared>>) offsets(%arg9 : memref<80xi32, #tpu.memory_space<vmem>>) semaphore(%run_scoped3A : memref<!tpu.dma_semaphore, #tpu.memory_space<semaphore_mem>>) {add = true}
        %dma_wait3A_99 = arith.constant 0 : i32
        %dma_wait3A_100 = arith.constant 0 : i32
        %dma_wait3A_101 = tpu.memref_slice %arg14[%dma_wait3A_99, %dma_wait3A_100] : memref<10240x128xf32, #tpu.memory_space<vmem_shared>> -> memref<10240x128xf32, #tpu.memory_space<vmem_shared>>
        tpu.wait_indirect_dma semaphore(%run_scoped3A : memref<!tpu.dma_semaphore, #tpu.memory_space<semaphore_mem>>) src(%arg11 : memref<80x128xf32, #tpu.memory_space<vmem>>) dst(%dma_wait3A_101 : memref<10240x128xf32, #tpu.memory_space<vmem_shared>>)
        tpu.yield
      }) : () -> ()
      %mul3A_75 = arith.constant 10000 : i32
      %mul3A_76 = arith.muli %add3A, %mul3A_75 : i32
      %mul3A_77 = arith.constant 80 : i32
      %mul3A_78 = arith.muli %add3A_71, %mul3A_77 : i32
      %add3A_79 = arith.addi %mul3A_76, %mul3A_78 : i32
      "tpu.region"() ({
        %run_scoped3A = tpu.sem_alloc : memref<!tpu.dma_semaphore, #tpu.memory_space<semaphore_mem>>
        %dma_start3A_96 = tpu.memref_slice %arg3[%add3A_79] : memref<320000xi32, #tpu.memory_space<hbm>> -> memref<80xi32, #tpu.memory_space<hbm>>
        %dma_start3A_97 = tpu.memref_slice %arg3[%add3A_79] : memref<320000xi32, #tpu.memory_space<hbm>> -> memref<80xi32, #tpu.memory_space<hbm>>
        tpu.enqueue_dma source(%dma_start3A_97 : memref<80xi32, #tpu.memory_space<hbm>>) target(%arg7 : memref<80xi32, #tpu.memory_space<vmem>>) target_semaphore(%run_scoped3A : memref<!tpu.dma_semaphore, #tpu.memory_space<semaphore_mem>>)
        %dma_wait3A_98 = tpu.memref_slice %arg3[%add3A_79] : memref<320000xi32, #tpu.memory_space<hbm>> -> memref<80xi32, #tpu.memory_space<hbm>>
        %dma_wait3A_99 = tpu.memref_slice %arg3[%add3A_79] : memref<320000xi32, #tpu.memory_space<hbm>> -> memref<80xi32, #tpu.memory_space<hbm>>
        tpu.wait_dma2 semaphore(%run_scoped3A : memref<!tpu.dma_semaphore, #tpu.memory_space<semaphore_mem>>) src(%dma_wait3A_99 : memref<80xi32, #tpu.memory_space<hbm>>) dst(%arg7 : memref<80xi32, #tpu.memory_space<vmem>>)
        tpu.yield
      }) : () -> ()
      "tpu.region"() ({
        %run_scoped3A = tpu.sem_alloc : memref<!tpu.dma_semaphore, #tpu.memory_space<semaphore_mem>>
        %dma_start3A_96 = tpu.memref_slice %arg4[%add3A_79] : memref<320000xi32, #tpu.memory_space<hbm>> -> memref<80xi32, #tpu.memory_space<hbm>>
        %dma_start3A_97 = tpu.memref_slice %arg4[%add3A_79] : memref<320000xi32, #tpu.memory_space<hbm>> -> memref<80xi32, #tpu.memory_space<hbm>>
        tpu.enqueue_dma source(%dma_start3A_97 : memref<80xi32, #tpu.memory_space<hbm>>) target(%arg9 : memref<80xi32, #tpu.memory_space<vmem>>) target_semaphore(%run_scoped3A : memref<!tpu.dma_semaphore, #tpu.memory_space<semaphore_mem>>)
        %dma_wait3A_98 = tpu.memref_slice %arg4[%add3A_79] : memref<320000xi32, #tpu.memory_space<hbm>> -> memref<80xi32, #tpu.memory_space<hbm>>
        %dma_wait3A_99 = tpu.memref_slice %arg4[%add3A_79] : memref<320000xi32, #tpu.memory_space<hbm>> -> memref<80xi32, #tpu.memory_space<hbm>>
        tpu.wait_dma2 semaphore(%run_scoped3A : memref<!tpu.dma_semaphore, #tpu.memory_space<semaphore_mem>>) src(%dma_wait3A_99 : memref<80xi32, #tpu.memory_space<hbm>>) dst(%arg9 : memref<80xi32, #tpu.memory_space<vmem>>)
        tpu.yield
      }) : () -> ()
      %dma_start3A_80 = arith.constant 0 : i32
      %dma_start3A_81 = arith.constant 0 : i32
      %dma_start3A_82 = tpu.memref_slice %arg2[%dma_start3A_80, %dma_start3A_81] : memref<10000x128xf32, #tpu.memory_space<hbm>> -> memref<10000x128xf32, #tpu.memory_space<hbm>>
      tpu.enqueue_indirect_dma source(%dma_start3A_82 : memref<10000x128xf32, #tpu.memory_space<hbm>>) target(%arg11 : memref<80x128xf32, #tpu.memory_space<vmem>>) offsets(%arg7 : memref<80xi32, #tpu.memory_space<vmem>>) semaphore(%arg15 : memref<!tpu.dma_semaphore, #tpu.memory_space<semaphore_mem>>)
      %add3A_83 = arith.constant 3 : i32
      %add3A_84 = arith.addi %mul3A_69, %add3A_83 : i32
      %dma_wait3A_85 = arith.constant 0 : i32
      %dma_wait3A_86 = arith.constant 0 : i32
      %dma_wait3A_87 = tpu.memref_slice %arg2[%dma_wait3A_85, %dma_wait3A_86] : memref<10000x128xf32, #tpu.memory_space<hbm>> -> memref<10000x128xf32, #tpu.memory_space<hbm>>
      tpu.wait_indirect_dma semaphore(%arg16 : memref<!tpu.dma_semaphore, #tpu.memory_space<semaphore_mem>>) src(%dma_wait3A_87 : memref<10000x128xf32, #tpu.memory_space<hbm>>) dst(%arg12 : memref<80x128xf32, #tpu.memory_space<vmem>>)
      "tpu.region"() ({
        %run_scoped3A = tpu.sem_alloc : memref<!tpu.dma_semaphore, #tpu.memory_space<semaphore_mem>>
        %dma_start3A_96 = arith.constant 0 : i32
        %dma_start3A_97 = arith.constant 0 : i32
        %dma_start3A_98 = tpu.memref_slice %arg14[%dma_start3A_96, %dma_start3A_97] : memref<10240x128xf32, #tpu.memory_space<vmem_shared>> -> memref<10240x128xf32, #tpu.memory_space<vmem_shared>>
        tpu.enqueue_indirect_dma source(%arg12 : memref<80x128xf32, #tpu.memory_space<vmem>>) target(%dma_start3A_98 : memref<10240x128xf32, #tpu.memory_space<vmem_shared>>) offsets(%arg10 : memref<80xi32, #tpu.memory_space<vmem>>) semaphore(%run_scoped3A : memref<!tpu.dma_semaphore, #tpu.memory_space<semaphore_mem>>) {add = true}
        %dma_wait3A_99 = arith.constant 0 : i32
        %dma_wait3A_100 = arith.constant 0 : i32
        %dma_wait3A_101 = tpu.memref_slice %arg14[%dma_wait3A_99, %dma_wait3A_100] : memref<10240x128xf32, #tpu.memory_space<vmem_shared>> -> memref<10240x128xf32, #tpu.memory_space<vmem_shared>>
        tpu.wait_indirect_dma semaphore(%run_scoped3A : memref<!tpu.dma_semaphore, #tpu.memory_space<semaphore_mem>>) src(%arg12 : memref<80x128xf32, #tpu.memory_space<vmem>>) dst(%dma_wait3A_101 : memref<10240x128xf32, #tpu.memory_space<vmem_shared>>)
        tpu.yield
      }) : () -> ()
      %mul3A_88 = arith.constant 10000 : i32
      %mul3A_89 = arith.muli %add3A, %mul3A_88 : i32
      %mul3A_90 = arith.constant 80 : i32
      %mul3A_91 = arith.muli %add3A_84, %mul3A_90 : i32
      %add3A_92 = arith.addi %mul3A_89, %mul3A_91 : i32
      "tpu.region"() ({
        %run_scoped3A = tpu.sem_alloc : memref<!tpu.dma_semaphore, #tpu.memory_space<semaphore_mem>>
        %dma_start3A_96 = tpu.memref_slice %arg3[%add3A_92] : memref<320000xi32, #tpu.memory_space<hbm>> -> memref<80xi32, #tpu.memory_space<hbm>>
        %dma_start3A_97 = tpu.memref_slice %arg3[%add3A_92] : memref<320000xi32, #tpu.memory_space<hbm>> -> memref<80xi32, #tpu.memory_space<hbm>>
        tpu.enqueue_dma source(%dma_start3A_97 : memref<80xi32, #tpu.memory_space<hbm>>) target(%arg8 : memref<80xi32, #tpu.memory_space<vmem>>) target_semaphore(%run_scoped3A : memref<!tpu.dma_semaphore, #tpu.memory_space<semaphore_mem>>)
        %dma_wait3A_98 = tpu.memref_slice %arg3[%add3A_92] : memref<320000xi32, #tpu.memory_space<hbm>> -> memref<80xi32, #tpu.memory_space<hbm>>
        %dma_wait3A_99 = tpu.memref_slice %arg3[%add3A_92] : memref<320000xi32, #tpu.memory_space<hbm>> -> memref<80xi32, #tpu.memory_space<hbm>>
        tpu.wait_dma2 semaphore(%run_scoped3A : memref<!tpu.dma_semaphore, #tpu.memory_space<semaphore_mem>>) src(%dma_wait3A_99 : memref<80xi32, #tpu.memory_space<hbm>>) dst(%arg8 : memref<80xi32, #tpu.memory_space<vmem>>)
        tpu.yield
      }) : () -> ()
      "tpu.region"() ({
        %run_scoped3A = tpu.sem_alloc : memref<!tpu.dma_semaphore, #tpu.memory_space<semaphore_mem>>
        %dma_start3A_96 = tpu.memref_slice %arg4[%add3A_92] : memref<320000xi32, #tpu.memory_space<hbm>> -> memref<80xi32, #tpu.memory_space<hbm>>
        %dma_start3A_97 = tpu.memref_slice %arg4[%add3A_92] : memref<320000xi32, #tpu.memory_space<hbm>> -> memref<80xi32, #tpu.memory_space<hbm>>
        tpu.enqueue_dma source(%dma_start3A_97 : memref<80xi32, #tpu.memory_space<hbm>>) target(%arg10 : memref<80xi32, #tpu.memory_space<vmem>>) target_semaphore(%run_scoped3A : memref<!tpu.dma_semaphore, #tpu.memory_space<semaphore_mem>>)
        %dma_wait3A_98 = tpu.memref_slice %arg4[%add3A_92] : memref<320000xi32, #tpu.memory_space<hbm>> -> memref<80xi32, #tpu.memory_space<hbm>>
        %dma_wait3A_99 = tpu.memref_slice %arg4[%add3A_92] : memref<320000xi32, #tpu.memory_space<hbm>> -> memref<80xi32, #tpu.memory_space<hbm>>
        tpu.wait_dma2 semaphore(%run_scoped3A : memref<!tpu.dma_semaphore, #tpu.memory_space<semaphore_mem>>) src(%dma_wait3A_99 : memref<80xi32, #tpu.memory_space<hbm>>) dst(%arg10 : memref<80xi32, #tpu.memory_space<vmem>>)
        tpu.yield
      }) : () -> ()
      %dma_start3A_93 = arith.constant 0 : i32
      %dma_start3A_94 = arith.constant 0 : i32
      %dma_start3A_95 = tpu.memref_slice %arg2[%dma_start3A_93, %dma_start3A_94] : memref<10000x128xf32, #tpu.memory_space<hbm>> -> memref<10000x128xf32, #tpu.memory_space<hbm>>
      tpu.enqueue_indirect_dma source(%dma_start3A_95 : memref<10000x128xf32, #tpu.memory_space<hbm>>) target(%arg12 : memref<80x128xf32, #tpu.memory_space<vmem>>) offsets(%arg8 : memref<80xi32, #tpu.memory_space<vmem>>) semaphore(%arg16 : memref<!tpu.dma_semaphore, #tpu.memory_space<semaphore_mem>>)
    }
    %scan3A_30 = arith.constant 61 : i32
    %dma_wait3A = arith.constant 0 : i32
    %dma_wait3A_31 = arith.constant 0 : i32
    %dma_wait3A_32 = tpu.memref_slice %arg2[%dma_wait3A, %dma_wait3A_31] : memref<10000x128xf32, #tpu.memory_space<hbm>> -> memref<10000x128xf32, #tpu.memory_space<hbm>>
    tpu.wait_indirect_dma semaphore(%arg15 : memref<!tpu.dma_semaphore, #tpu.memory_space<semaphore_mem>>) src(%dma_wait3A_32 : memref<10000x128xf32, #tpu.memory_space<hbm>>) dst(%arg11 : memref<80x128xf32, #tpu.memory_space<vmem>>)
    "tpu.region"() ({
      %run_scoped3A = tpu.sem_alloc : memref<!tpu.dma_semaphore, #tpu.memory_space<semaphore_mem>>
      %dma_start3A_67 = arith.constant 0 : i32
      %dma_start3A_68 = arith.constant 0 : i32
      %dma_start3A_69 = tpu.memref_slice %arg14[%dma_start3A_67, %dma_start3A_68] : memref<10240x128xf32, #tpu.memory_space<vmem_shared>> -> memref<10240x128xf32, #tpu.memory_space<vmem_shared>>
      tpu.enqueue_indirect_dma source(%arg11 : memref<80x128xf32, #tpu.memory_space<vmem>>) target(%dma_start3A_69 : memref<10240x128xf32, #tpu.memory_space<vmem_shared>>) offsets(%arg9 : memref<80xi32, #tpu.memory_space<vmem>>) semaphore(%run_scoped3A : memref<!tpu.dma_semaphore, #tpu.memory_space<semaphore_mem>>) {add = true}
      %dma_wait3A_70 = arith.constant 0 : i32
      %dma_wait3A_71 = arith.constant 0 : i32
      %dma_wait3A_72 = tpu.memref_slice %arg14[%dma_wait3A_70, %dma_wait3A_71] : memref<10240x128xf32, #tpu.memory_space<vmem_shared>> -> memref<10240x128xf32, #tpu.memory_space<vmem_shared>>
      tpu.wait_indirect_dma semaphore(%run_scoped3A : memref<!tpu.dma_semaphore, #tpu.memory_space<semaphore_mem>>) src(%arg11 : memref<80x128xf32, #tpu.memory_space<vmem>>) dst(%dma_wait3A_72 : memref<10240x128xf32, #tpu.memory_space<vmem_shared>>)
      tpu.yield
    }) : () -> ()
    %mul3A_33 = arith.constant 10000 : i32
    %mul3A_34 = arith.muli %add3A, %mul3A_33 : i32
    %add3A_35 = arith.constant 9920 : i32
    %add3A_36 = arith.addi %mul3A_34, %add3A_35 : i32
    "tpu.region"() ({
      %run_scoped3A = tpu.sem_alloc : memref<!tpu.dma_semaphore, #tpu.memory_space<semaphore_mem>>
      %dma_start3A_67 = tpu.memref_slice %arg3[%add3A_36] : memref<320000xi32, #tpu.memory_space<hbm>> -> memref<80xi32, #tpu.memory_space<hbm>>
      %dma_start3A_68 = tpu.memref_slice %arg3[%add3A_36] : memref<320000xi32, #tpu.memory_space<hbm>> -> memref<80xi32, #tpu.memory_space<hbm>>
      tpu.enqueue_dma source(%dma_start3A_68 : memref<80xi32, #tpu.memory_space<hbm>>) target(%arg7 : memref<80xi32, #tpu.memory_space<vmem>>) target_semaphore(%run_scoped3A : memref<!tpu.dma_semaphore, #tpu.memory_space<semaphore_mem>>)
      %dma_wait3A_69 = tpu.memref_slice %arg3[%add3A_36] : memref<320000xi32, #tpu.memory_space<hbm>> -> memref<80xi32, #tpu.memory_space<hbm>>
      %dma_wait3A_70 = tpu.memref_slice %arg3[%add3A_36] : memref<320000xi32, #tpu.memory_space<hbm>> -> memref<80xi32, #tpu.memory_space<hbm>>
      tpu.wait_dma2 semaphore(%run_scoped3A : memref<!tpu.dma_semaphore, #tpu.memory_space<semaphore_mem>>) src(%dma_wait3A_70 : memref<80xi32, #tpu.memory_space<hbm>>) dst(%arg7 : memref<80xi32, #tpu.memory_space<vmem>>)
      tpu.yield
    }) : () -> ()
    "tpu.region"() ({
      %run_scoped3A = tpu.sem_alloc : memref<!tpu.dma_semaphore, #tpu.memory_space<semaphore_mem>>
      %dma_start3A_67 = tpu.memref_slice %arg4[%add3A_36] : memref<320000xi32, #tpu.memory_space<hbm>> -> memref<80xi32, #tpu.memory_space<hbm>>
      %dma_start3A_68 = tpu.memref_slice %arg4[%add3A_36] : memref<320000xi32, #tpu.memory_space<hbm>> -> memref<80xi32, #tpu.memory_space<hbm>>
      tpu.enqueue_dma source(%dma_start3A_68 : memref<80xi32, #tpu.memory_space<hbm>>) target(%arg9 : memref<80xi32, #tpu.memory_space<vmem>>) target_semaphore(%run_scoped3A : memref<!tpu.dma_semaphore, #tpu.memory_space<semaphore_mem>>)
      %dma_wait3A_69 = tpu.memref_slice %arg4[%add3A_36] : memref<320000xi32, #tpu.memory_space<hbm>> -> memref<80xi32, #tpu.memory_space<hbm>>
      %dma_wait3A_70 = tpu.memref_slice %arg4[%add3A_36] : memref<320000xi32, #tpu.memory_space<hbm>> -> memref<80xi32, #tpu.memory_space<hbm>>
      tpu.wait_dma2 semaphore(%run_scoped3A : memref<!tpu.dma_semaphore, #tpu.memory_space<semaphore_mem>>) src(%dma_wait3A_70 : memref<80xi32, #tpu.memory_space<hbm>>) dst(%arg9 : memref<80xi32, #tpu.memory_space<vmem>>)
      tpu.yield
    }) : () -> ()
    %dma_start3A_37 = arith.constant 0 : i32
    %dma_start3A_38 = arith.constant 0 : i32
    %dma_start3A_39 = tpu.memref_slice %arg2[%dma_start3A_37, %dma_start3A_38] : memref<10000x128xf32, #tpu.memory_space<hbm>> -> memref<10000x128xf32, #tpu.memory_space<hbm>>
    tpu.enqueue_indirect_dma source(%dma_start3A_39 : memref<10000x128xf32, #tpu.memory_space<hbm>>) target(%arg11 : memref<80x128xf32, #tpu.memory_space<vmem>>) offsets(%arg7 : memref<80xi32, #tpu.memory_space<vmem>>) semaphore(%arg15 : memref<!tpu.dma_semaphore, #tpu.memory_space<semaphore_mem>>)
    %dma_wait3A_40 = arith.constant 0 : i32
    %dma_wait3A_41 = arith.constant 0 : i32
    %dma_wait3A_42 = tpu.memref_slice %arg2[%dma_wait3A_40, %dma_wait3A_41] : memref<10000x128xf32, #tpu.memory_space<hbm>> -> memref<10000x128xf32, #tpu.memory_space<hbm>>
    tpu.wait_indirect_dma semaphore(%arg16 : memref<!tpu.dma_semaphore, #tpu.memory_space<semaphore_mem>>) src(%dma_wait3A_42 : memref<10000x128xf32, #tpu.memory_space<hbm>>) dst(%arg12 : memref<80x128xf32, #tpu.memory_space<vmem>>)
    "tpu.region"() ({
      %run_scoped3A = tpu.sem_alloc : memref<!tpu.dma_semaphore, #tpu.memory_space<semaphore_mem>>
      %dma_start3A_67 = arith.constant 0 : i32
      %dma_start3A_68 = arith.constant 0 : i32
      %dma_start3A_69 = tpu.memref_slice %arg14[%dma_start3A_67, %dma_start3A_68] : memref<10240x128xf32, #tpu.memory_space<vmem_shared>> -> memref<10240x128xf32, #tpu.memory_space<vmem_shared>>
      tpu.enqueue_indirect_dma source(%arg12 : memref<80x128xf32, #tpu.memory_space<vmem>>) target(%dma_start3A_69 : memref<10240x128xf32, #tpu.memory_space<vmem_shared>>) offsets(%arg10 : memref<80xi32, #tpu.memory_space<vmem>>) semaphore(%run_scoped3A : memref<!tpu.dma_semaphore, #tpu.memory_space<semaphore_mem>>) {add = true}
      %dma_wait3A_70 = arith.constant 0 : i32
      %dma_wait3A_71 = arith.constant 0 : i32
      %dma_wait3A_72 = tpu.memref_slice %arg14[%dma_wait3A_70, %dma_wait3A_71] : memref<10240x128xf32, #tpu.memory_space<vmem_shared>> -> memref<10240x128xf32, #tpu.memory_space<vmem_shared>>
      tpu.wait_indirect_dma semaphore(%run_scoped3A : memref<!tpu.dma_semaphore, #tpu.memory_space<semaphore_mem>>) src(%arg12 : memref<80x128xf32, #tpu.memory_space<vmem>>) dst(%dma_wait3A_72 : memref<10240x128xf32, #tpu.memory_space<vmem_shared>>)
      tpu.yield
    }) : () -> ()
    %dma_wait3A_43 = arith.constant 0 : i32
    %dma_wait3A_44 = arith.constant 0 : i32
    %dma_wait3A_45 = tpu.memref_slice %arg2[%dma_wait3A_43, %dma_wait3A_44] : memref<10000x128xf32, #tpu.memory_space<hbm>> -> memref<10000x128xf32, #tpu.memory_space<hbm>>
    tpu.wait_indirect_dma semaphore(%arg15 : memref<!tpu.dma_semaphore, #tpu.memory_space<semaphore_mem>>) src(%dma_wait3A_45 : memref<10000x128xf32, #tpu.memory_space<hbm>>) dst(%arg11 : memref<80x128xf32, #tpu.memory_space<vmem>>)
    "tpu.region"() ({
      %run_scoped3A = tpu.sem_alloc : memref<!tpu.dma_semaphore, #tpu.memory_space<semaphore_mem>>
      %dma_start3A_67 = arith.constant 0 : i32
      %dma_start3A_68 = arith.constant 0 : i32
      %dma_start3A_69 = tpu.memref_slice %arg14[%dma_start3A_67, %dma_start3A_68] : memref<10240x128xf32, #tpu.memory_space<vmem_shared>> -> memref<10240x128xf32, #tpu.memory_space<vmem_shared>>
      tpu.enqueue_indirect_dma source(%arg11 : memref<80x128xf32, #tpu.memory_space<vmem>>) target(%dma_start3A_69 : memref<10240x128xf32, #tpu.memory_space<vmem_shared>>) offsets(%arg9 : memref<80xi32, #tpu.memory_space<vmem>>) semaphore(%run_scoped3A : memref<!tpu.dma_semaphore, #tpu.memory_space<semaphore_mem>>) {add = true}
      %dma_wait3A_70 = arith.constant 0 : i32
      %dma_wait3A_71 = arith.constant 0 : i32
      %dma_wait3A_72 = tpu.memref_slice %arg14[%dma_wait3A_70, %dma_wait3A_71] : memref<10240x128xf32, #tpu.memory_space<vmem_shared>> -> memref<10240x128xf32, #tpu.memory_space<vmem_shared>>
      tpu.wait_indirect_dma semaphore(%run_scoped3A : memref<!tpu.dma_semaphore, #tpu.memory_space<semaphore_mem>>) src(%arg11 : memref<80x128xf32, #tpu.memory_space<vmem>>) dst(%dma_wait3A_72 : memref<10240x128xf32, #tpu.memory_space<vmem_shared>>)
      tpu.yield
    }) : () -> ()
    %barrier3A_46 = arith.constant 0 : index
    tpu.barrier barrier_id(%barrier3A_46)
    %add3A_47 = arith.constant 0 : i32
    %add3A_48 = arith.addi %mul3A_2, %add3A_47 : i32
    "tpu.region"() ({
      %run_scoped3A = tpu.sem_alloc : memref<!tpu.dma_semaphore, #tpu.memory_space<semaphore_mem>>
      %dma_start3A_67 = arith.constant 0 : i32
      %dma_start3A_68 = arith.constant 0 : i32
      %dma_start3A_69 = tpu.memref_slice %arg13[%dma_start3A_67, %dma_start3A_68] : memref<128x128xf32, #tpu.memory_space<vmem>> -> memref<128x128xf32, #tpu.memory_space<vmem>>
      %dma_start3A_70 = arith.constant 0 : i32
      %dma_start3A_71 = tpu.memref_slice %arg14[%add3A_48, %dma_start3A_70] : memref<10240x128xf32, #tpu.memory_space<vmem_shared>> -> memref<128x128xf32, #tpu.memory_space<vmem_shared>>
      %dma_start3A_72 = arith.constant 0 : i32
      %dma_start3A_73 = arith.constant 0 : i32
      %dma_start3A_74 = tpu.memref_slice %arg13[%dma_start3A_72, %dma_start3A_73] : memref<128x128xf32, #tpu.memory_space<vmem>> -> memref<128x128xf32, #tpu.memory_space<vmem>>
      %dma_start3A_75 = arith.constant 0 : i32
      %dma_start3A_76 = tpu.memref_slice %arg14[%add3A_48, %dma_start3A_75] : memref<10240x128xf32, #tpu.memory_space<vmem_shared>> -> memref<128x128xf32, #tpu.memory_space<vmem_shared>>
      tpu.enqueue_dma source(%dma_start3A_76 : memref<128x128xf32, #tpu.memory_space<vmem_shared>>) target(%dma_start3A_74 : memref<128x128xf32, #tpu.memory_space<vmem>>) target_semaphore(%run_scoped3A : memref<!tpu.dma_semaphore, #tpu.memory_space<semaphore_mem>>)
      %dma_wait3A_77 = arith.constant 0 : i32
      %dma_wait3A_78 = arith.constant 0 : i32
      %dma_wait3A_79 = tpu.memref_slice %arg13[%dma_wait3A_77, %dma_wait3A_78] : memref<128x128xf32, #tpu.memory_space<vmem>> -> memref<128x128xf32, #tpu.memory_space<vmem>>
      %dma_wait3A_80 = arith.constant 0 : i32
      %dma_wait3A_81 = tpu.memref_slice %arg14[%add3A_48, %dma_wait3A_80] : memref<10240x128xf32, #tpu.memory_space<vmem_shared>> -> memref<128x128xf32, #tpu.memory_space<vmem_shared>>
      %dma_wait3A_82 = arith.constant 0 : i32
      %dma_wait3A_83 = arith.constant 0 : i32
      %dma_wait3A_84 = tpu.memref_slice %arg13[%dma_wait3A_82, %dma_wait3A_83] : memref<128x128xf32, #tpu.memory_space<vmem>> -> memref<128x128xf32, #tpu.memory_space<vmem>>
      %dma_wait3A_85 = arith.constant 0 : i32
      %dma_wait3A_86 = tpu.memref_slice %arg14[%add3A_48, %dma_wait3A_85] : memref<10240x128xf32, #tpu.memory_space<vmem_shared>> -> memref<128x128xf32, #tpu.memory_space<vmem_shared>>
      tpu.wait_dma2 semaphore(%run_scoped3A : memref<!tpu.dma_semaphore, #tpu.memory_space<semaphore_mem>>) src(%dma_wait3A_86 : memref<128x128xf32, #tpu.memory_space<vmem_shared>>) dst(%dma_wait3A_84 : memref<128x128xf32, #tpu.memory_space<vmem>>)
      tpu.yield
    }) : () -> ()
    %add3A_49 = arith.constant 0 : i32
    %add3A_50 = arith.addi %mul3A_2, %add3A_49 : i32
    "tpu.region"() ({
      %run_scoped3A = tpu.sem_alloc : memref<!tpu.dma_semaphore, #tpu.memory_space<semaphore_mem>>
      %dma_start3A_67 = arith.constant 0 : i32
      %dma_start3A_68 = arith.constant 0 : i32
      %dma_start3A_69 = tpu.memref_slice %arg13[%dma_start3A_67, %dma_start3A_68] : memref<128x128xf32, #tpu.memory_space<vmem>> -> memref<128x128xf32, #tpu.memory_space<vmem>>
      %dma_start3A_70 = arith.constant 0 : i32
      %dma_start3A_71 = tpu.memref_slice %arg6[%arg0, %add3A_50, %dma_start3A_70] : memref<2x10240x128xf32, #tpu.memory_space<hbm>> -> memref<1x128x128xf32, #tpu.memory_space<hbm>>
      %dma_start3A_72 = tpu.memref_squeeze %dma_start3A_71 : memref<1x128x128xf32, #tpu.memory_space<hbm>> -> memref<128x128xf32, #tpu.memory_space<hbm>>
      %dma_start3A_73 = arith.constant 0 : i32
      %dma_start3A_74 = tpu.memref_slice %arg6[%arg0, %add3A_50, %dma_start3A_73] : memref<2x10240x128xf32, #tpu.memory_space<hbm>> -> memref<1x128x128xf32, #tpu.memory_space<hbm>>
      %dma_start3A_75 = tpu.memref_squeeze %dma_start3A_74 : memref<1x128x128xf32, #tpu.memory_space<hbm>> -> memref<128x128xf32, #tpu.memory_space<hbm>>
      %dma_start3A_76 = arith.constant 0 : i32
      %dma_start3A_77 = arith.constant 0 : i32
      %dma_start3A_78 = tpu.memref_slice %arg13[%dma_start3A_76, %dma_start3A_77] : memref<128x128xf32, #tpu.memory_space<vmem>> -> memref<128x128xf32, #tpu.memory_space<vmem>>
      tpu.enqueue_dma source(%dma_start3A_78 : memref<128x128xf32, #tpu.memory_space<vmem>>) target(%dma_start3A_75 : memref<128x128xf32, #tpu.memory_space<hbm>>) target_semaphore(%run_scoped3A : memref<!tpu.dma_semaphore, #tpu.memory_space<semaphore_mem>>)
      %dma_wait3A_79 = arith.constant 0 : i32
      %dma_wait3A_80 = arith.constant 0 : i32
      %dma_wait3A_81 = tpu.memref_slice %arg13[%dma_wait3A_79, %dma_wait3A_80] : memref<128x128xf32, #tpu.memory_space<vmem>> -> memref<128x128xf32, #tpu.memory_space<vmem>>
      %dma_wait3A_82 = arith.constant 0 : i32
      %dma_wait3A_83 = tpu.memref_slice %arg6[%arg0, %add3A_50, %dma_wait3A_82] : memref<2x10240x128xf32, #tpu.memory_space<hbm>> -> memref<1x128x128xf32, #tpu.memory_space<hbm>>
      %dma_wait3A_84 = tpu.memref_squeeze %dma_wait3A_83 : memref<1x128x128xf32, #tpu.memory_space<hbm>> -> memref<128x128xf32, #tpu.memory_space<hbm>>
      %dma_wait3A_85 = arith.constant 0 : i32
      %dma_wait3A_86 = tpu.memref_slice %arg6[%arg0, %add3A_50, %dma_wait3A_85] : memref<2x10240x128xf32, #tpu.memory_space<hbm>> -> memref<1x128x128xf32, #tpu.memory_space<hbm>>
      %dma_wait3A_87 = tpu.memref_squeeze %dma_wait3A_86 : memref<1x128x128xf32, #tpu.memory_space<hbm>> -> memref<128x128xf32, #tpu.memory_space<hbm>>
      %dma_wait3A_88 = arith.constant 0 : i32
      %dma_wait3A_89 = arith.constant 0 : i32
      %dma_wait3A_90 = tpu.memref_slice %arg13[%dma_wait3A_88, %dma_wait3A_89] : memref<128x128xf32, #tpu.memory_space<vmem>> -> memref<128x128xf32, #tpu.memory_space<vmem>>
      tpu.wait_dma2 semaphore(%run_scoped3A : memref<!tpu.dma_semaphore, #tpu.memory_space<semaphore_mem>>) src(%dma_wait3A_90 : memref<128x128xf32, #tpu.memory_space<vmem>>) dst(%dma_wait3A_87 : memref<128x128xf32, #tpu.memory_space<hbm>>)
      tpu.yield
    }) : () -> ()
    %add3A_51 = arith.constant 128 : i32
    %add3A_52 = arith.addi %mul3A_2, %add3A_51 : i32
    "tpu.region"() ({
      %run_scoped3A = tpu.sem_alloc : memref<!tpu.dma_semaphore, #tpu.memory_space<semaphore_mem>>
      %dma_start3A_67 = arith.constant 0 : i32
      %dma_start3A_68 = arith.constant 0 : i32
      %dma_start3A_69 = tpu.memref_slice %arg13[%dma_start3A_67, %dma_start3A_68] : memref<128x128xf32, #tpu.memory_space<vmem>> -> memref<128x128xf32, #tpu.memory_space<vmem>>
      %dma_start3A_70 = arith.constant 0 : i32
      %dma_start3A_71 = tpu.memref_slice %arg14[%add3A_52, %dma_start3A_70] : memref<10240x128xf32, #tpu.memory_space<vmem_shared>> -> memref<128x128xf32, #tpu.memory_space<vmem_shared>>
      %dma_start3A_72 = arith.constant 0 : i32
      %dma_start3A_73 = arith.constant 0 : i32
      %dma_start3A_74 = tpu.memref_slice %arg13[%dma_start3A_72, %dma_start3A_73] : memref<128x128xf32, #tpu.memory_space<vmem>> -> memref<128x128xf32, #tpu.memory_space<vmem>>
      %dma_start3A_75 = arith.constant 0 : i32
      %dma_start3A_76 = tpu.memref_slice %arg14[%add3A_52, %dma_start3A_75] : memref<10240x128xf32, #tpu.memory_space<vmem_shared>> -> memref<128x128xf32, #tpu.memory_space<vmem_shared>>
      tpu.enqueue_dma source(%dma_start3A_76 : memref<128x128xf32, #tpu.memory_space<vmem_shared>>) target(%dma_start3A_74 : memref<128x128xf32, #tpu.memory_space<vmem>>) target_semaphore(%run_scoped3A : memref<!tpu.dma_semaphore, #tpu.memory_space<semaphore_mem>>)
      %dma_wait3A_77 = arith.constant 0 : i32
      %dma_wait3A_78 = arith.constant 0 : i32
      %dma_wait3A_79 = tpu.memref_slice %arg13[%dma_wait3A_77, %dma_wait3A_78] : memref<128x128xf32, #tpu.memory_space<vmem>> -> memref<128x128xf32, #tpu.memory_space<vmem>>
      %dma_wait3A_80 = arith.constant 0 : i32
      %dma_wait3A_81 = tpu.memref_slice %arg14[%add3A_52, %dma_wait3A_80] : memref<10240x128xf32, #tpu.memory_space<vmem_shared>> -> memref<128x128xf32, #tpu.memory_space<vmem_shared>>
      %dma_wait3A_82 = arith.constant 0 : i32
      %dma_wait3A_83 = arith.constant 0 : i32
      %dma_wait3A_84 = tpu.memref_slice %arg13[%dma_wait3A_82, %dma_wait3A_83] : memref<128x128xf32, #tpu.memory_space<vmem>> -> memref<128x128xf32, #tpu.memory_space<vmem>>
      %dma_wait3A_85 = arith.constant 0 : i32
      %dma_wait3A_86 = tpu.memref_slice %arg14[%add3A_52, %dma_wait3A_85] : memref<10240x128xf32, #tpu.memory_space<vmem_shared>> -> memref<128x128xf32, #tpu.memory_space<vmem_shared>>
      tpu.wait_dma2 semaphore(%run_scoped3A : memref<!tpu.dma_semaphore, #tpu.memory_space<semaphore_mem>>) src(%dma_wait3A_86 : memref<128x128xf32, #tpu.memory_space<vmem_shared>>) dst(%dma_wait3A_84 : memref<128x128xf32, #tpu.memory_space<vmem>>)
      tpu.yield
    }) : () -> ()
    %add3A_53 = arith.constant 128 : i32
    %add3A_54 = arith.addi %mul3A_2, %add3A_53 : i32
    "tpu.region"() ({
      %run_scoped3A = tpu.sem_alloc : memref<!tpu.dma_semaphore, #tpu.memory_space<semaphore_mem>>
      %dma_start3A_67 = arith.constant 0 : i32
      %dma_start3A_68 = arith.constant 0 : i32
      %dma_start3A_69 = tpu.memref_slice %arg13[%dma_start3A_67, %dma_start3A_68] : memref<128x128xf32, #tpu.memory_space<vmem>> -> memref<128x128xf32, #tpu.memory_space<vmem>>
      %dma_start3A_70 = arith.constant 0 : i32
      %dma_start3A_71 = tpu.memref_slice %arg6[%arg0, %add3A_54, %dma_start3A_70] : memref<2x10240x128xf32, #tpu.memory_space<hbm>> -> memref<1x128x128xf32, #tpu.memory_space<hbm>>
      %dma_start3A_72 = tpu.memref_squeeze %dma_start3A_71 : memref<1x128x128xf32, #tpu.memory_space<hbm>> -> memref<128x128xf32, #tpu.memory_space<hbm>>
      %dma_start3A_73 = arith.constant 0 : i32
      %dma_start3A_74 = tpu.memref_slice %arg6[%arg0, %add3A_54, %dma_start3A_73] : memref<2x10240x128xf32, #tpu.memory_space<hbm>> -> memref<1x128x128xf32, #tpu.memory_space<hbm>>
      %dma_start3A_75 = tpu.memref_squeeze %dma_start3A_74 : memref<1x128x128xf32, #tpu.memory_space<hbm>> -> memref<128x128xf32, #tpu.memory_space<hbm>>
      %dma_start3A_76 = arith.constant 0 : i32
      %dma_start3A_77 = arith.constant 0 : i32
      %dma_start3A_78 = tpu.memref_slice %arg13[%dma_start3A_76, %dma_start3A_77] : memref<128x128xf32, #tpu.memory_space<vmem>> -> memref<128x128xf32, #tpu.memory_space<vmem>>
      tpu.enqueue_dma source(%dma_start3A_78 : memref<128x128xf32, #tpu.memory_space<vmem>>) target(%dma_start3A_75 : memref<128x128xf32, #tpu.memory_space<hbm>>) target_semaphore(%run_scoped3A : memref<!tpu.dma_semaphore, #tpu.memory_space<semaphore_mem>>)
      %dma_wait3A_79 = arith.constant 0 : i32
      %dma_wait3A_80 = arith.constant 0 : i32
      %dma_wait3A_81 = tpu.memref_slice %arg13[%dma_wait3A_79, %dma_wait3A_80] : memref<128x128xf32, #tpu.memory_space<vmem>> -> memref<128x128xf32, #tpu.memory_space<vmem>>
      %dma_wait3A_82 = arith.constant 0 : i32
      %dma_wait3A_83 = tpu.memref_slice %arg6[%arg0, %add3A_54, %dma_wait3A_82] : memref<2x10240x128xf32, #tpu.memory_space<hbm>> -> memref<1x128x128xf32, #tpu.memory_space<hbm>>
      %dma_wait3A_84 = tpu.memref_squeeze %dma_wait3A_83 : memref<1x128x128xf32, #tpu.memory_space<hbm>> -> memref<128x128xf32, #tpu.memory_space<hbm>>
      %dma_wait3A_85 = arith.constant 0 : i32
      %dma_wait3A_86 = tpu.memref_slice %arg6[%arg0, %add3A_54, %dma_wait3A_85] : memref<2x10240x128xf32, #tpu.memory_space<hbm>> -> memref<1x128x128xf32, #tpu.memory_space<hbm>>
      %dma_wait3A_87 = tpu.memref_squeeze %dma_wait3A_86 : memref<1x128x128xf32, #tpu.memory_space<hbm>> -> memref<128x128xf32, #tpu.memory_space<hbm>>
      %dma_wait3A_88 = arith.constant 0 : i32
      %dma_wait3A_89 = arith.constant 0 : i32
      %dma_wait3A_90 = tpu.memref_slice %arg13[%dma_wait3A_88, %dma_wait3A_89] : memref<128x128xf32, #tpu.memory_space<vmem>> -> memref<128x128xf32, #tpu.memory_space<vmem>>
      tpu.wait_dma2 semaphore(%run_scoped3A : memref<!tpu.dma_semaphore, #tpu.memory_space<semaphore_mem>>) src(%dma_wait3A_90 : memref<128x128xf32, #tpu.memory_space<vmem>>) dst(%dma_wait3A_87 : memref<128x128xf32, #tpu.memory_space<hbm>>)
      tpu.yield
    }) : () -> ()
    %add3A_55 = arith.constant 256 : i32
    %add3A_56 = arith.addi %mul3A_2, %add3A_55 : i32
    "tpu.region"() ({
      %run_scoped3A = tpu.sem_alloc : memref<!tpu.dma_semaphore, #tpu.memory_space<semaphore_mem>>
      %dma_start3A_67 = arith.constant 0 : i32
      %dma_start3A_68 = arith.constant 0 : i32
      %dma_start3A_69 = tpu.memref_slice %arg13[%dma_start3A_67, %dma_start3A_68] : memref<128x128xf32, #tpu.memory_space<vmem>> -> memref<128x128xf32, #tpu.memory_space<vmem>>
      %dma_start3A_70 = arith.constant 0 : i32
      %dma_start3A_71 = tpu.memref_slice %arg14[%add3A_56, %dma_start3A_70] : memref<10240x128xf32, #tpu.memory_space<vmem_shared>> -> memref<128x128xf32, #tpu.memory_space<vmem_shared>>
      %dma_start3A_72 = arith.constant 0 : i32
      %dma_start3A_73 = arith.constant 0 : i32
      %dma_start3A_74 = tpu.memref_slice %arg13[%dma_start3A_72, %dma_start3A_73] : memref<128x128xf32, #tpu.memory_space<vmem>> -> memref<128x128xf32, #tpu.memory_space<vmem>>
      %dma_start3A_75 = arith.constant 0 : i32
      %dma_start3A_76 = tpu.memref_slice %arg14[%add3A_56, %dma_start3A_75] : memref<10240x128xf32, #tpu.memory_space<vmem_shared>> -> memref<128x128xf32, #tpu.memory_space<vmem_shared>>
      tpu.enqueue_dma source(%dma_start3A_76 : memref<128x128xf32, #tpu.memory_space<vmem_shared>>) target(%dma_start3A_74 : memref<128x128xf32, #tpu.memory_space<vmem>>) target_semaphore(%run_scoped3A : memref<!tpu.dma_semaphore, #tpu.memory_space<semaphore_mem>>)
      %dma_wait3A_77 = arith.constant 0 : i32
      %dma_wait3A_78 = arith.constant 0 : i32
      %dma_wait3A_79 = tpu.memref_slice %arg13[%dma_wait3A_77, %dma_wait3A_78] : memref<128x128xf32, #tpu.memory_space<vmem>> -> memref<128x128xf32, #tpu.memory_space<vmem>>
      %dma_wait3A_80 = arith.constant 0 : i32
      %dma_wait3A_81 = tpu.memref_slice %arg14[%add3A_56, %dma_wait3A_80] : memref<10240x128xf32, #tpu.memory_space<vmem_shared>> -> memref<128x128xf32, #tpu.memory_space<vmem_shared>>
      %dma_wait3A_82 = arith.constant 0 : i32
      %dma_wait3A_83 = arith.constant 0 : i32
      %dma_wait3A_84 = tpu.memref_slice %arg13[%dma_wait3A_82, %dma_wait3A_83] : memref<128x128xf32, #tpu.memory_space<vmem>> -> memref<128x128xf32, #tpu.memory_space<vmem>>
      %dma_wait3A_85 = arith.constant 0 : i32
      %dma_wait3A_86 = tpu.memref_slice %arg14[%add3A_56, %dma_wait3A_85] : memref<10240x128xf32, #tpu.memory_space<vmem_shared>> -> memref<128x128xf32, #tpu.memory_space<vmem_shared>>
      tpu.wait_dma2 semaphore(%run_scoped3A : memref<!tpu.dma_semaphore, #tpu.memory_space<semaphore_mem>>) src(%dma_wait3A_86 : memref<128x128xf32, #tpu.memory_space<vmem_shared>>) dst(%dma_wait3A_84 : memref<128x128xf32, #tpu.memory_space<vmem>>)
      tpu.yield
    }) : () -> ()
    %add3A_57 = arith.constant 256 : i32
    %add3A_58 = arith.addi %mul3A_2, %add3A_57 : i32
    "tpu.region"() ({
      %run_scoped3A = tpu.sem_alloc : memref<!tpu.dma_semaphore, #tpu.memory_space<semaphore_mem>>
      %dma_start3A_67 = arith.constant 0 : i32
      %dma_start3A_68 = arith.constant 0 : i32
      %dma_start3A_69 = tpu.memref_slice %arg13[%dma_start3A_67, %dma_start3A_68] : memref<128x128xf32, #tpu.memory_space<vmem>> -> memref<128x128xf32, #tpu.memory_space<vmem>>
      %dma_start3A_70 = arith.constant 0 : i32
      %dma_start3A_71 = tpu.memref_slice %arg6[%arg0, %add3A_58, %dma_start3A_70] : memref<2x10240x128xf32, #tpu.memory_space<hbm>> -> memref<1x128x128xf32, #tpu.memory_space<hbm>>
      %dma_start3A_72 = tpu.memref_squeeze %dma_start3A_71 : memref<1x128x128xf32, #tpu.memory_space<hbm>> -> memref<128x128xf32, #tpu.memory_space<hbm>>
      %dma_start3A_73 = arith.constant 0 : i32
      %dma_start3A_74 = tpu.memref_slice %arg6[%arg0, %add3A_58, %dma_start3A_73] : memref<2x10240x128xf32, #tpu.memory_space<hbm>> -> memref<1x128x128xf32, #tpu.memory_space<hbm>>
      %dma_start3A_75 = tpu.memref_squeeze %dma_start3A_74 : memref<1x128x128xf32, #tpu.memory_space<hbm>> -> memref<128x128xf32, #tpu.memory_space<hbm>>
      %dma_start3A_76 = arith.constant 0 : i32
      %dma_start3A_77 = arith.constant 0 : i32
      %dma_start3A_78 = tpu.memref_slice %arg13[%dma_start3A_76, %dma_start3A_77] : memref<128x128xf32, #tpu.memory_space<vmem>> -> memref<128x128xf32, #tpu.memory_space<vmem>>
      tpu.enqueue_dma source(%dma_start3A_78 : memref<128x128xf32, #tpu.memory_space<vmem>>) target(%dma_start3A_75 : memref<128x128xf32, #tpu.memory_space<hbm>>) target_semaphore(%run_scoped3A : memref<!tpu.dma_semaphore, #tpu.memory_space<semaphore_mem>>)
      %dma_wait3A_79 = arith.constant 0 : i32
      %dma_wait3A_80 = arith.constant 0 : i32
      %dma_wait3A_81 = tpu.memref_slice %arg13[%dma_wait3A_79, %dma_wait3A_80] : memref<128x128xf32, #tpu.memory_space<vmem>> -> memref<128x128xf32, #tpu.memory_space<vmem>>
      %dma_wait3A_82 = arith.constant 0 : i32
      %dma_wait3A_83 = tpu.memref_slice %arg6[%arg0, %add3A_58, %dma_wait3A_82] : memref<2x10240x128xf32, #tpu.memory_space<hbm>> -> memref<1x128x128xf32, #tpu.memory_space<hbm>>
      %dma_wait3A_84 = tpu.memref_squeeze %dma_wait3A_83 : memref<1x128x128xf32, #tpu.memory_space<hbm>> -> memref<128x128xf32, #tpu.memory_space<hbm>>
      %dma_wait3A_85 = arith.constant 0 : i32
      %dma_wait3A_86 = tpu.memref_slice %arg6[%arg0, %add3A_58, %dma_wait3A_85] : memref<2x10240x128xf32, #tpu.memory_space<hbm>> -> memref<1x128x128xf32, #tpu.memory_space<hbm>>
      %dma_wait3A_87 = tpu.memref_squeeze %dma_wait3A_86 : memref<1x128x128xf32, #tpu.memory_space<hbm>> -> memref<128x128xf32, #tpu.memory_space<hbm>>
      %dma_wait3A_88 = arith.constant 0 : i32
      %dma_wait3A_89 = arith.constant 0 : i32
      %dma_wait3A_90 = tpu.memref_slice %arg13[%dma_wait3A_88, %dma_wait3A_89] : memref<128x128xf32, #tpu.memory_space<vmem>> -> memref<128x128xf32, #tpu.memory_space<vmem>>
      tpu.wait_dma2 semaphore(%run_scoped3A : memref<!tpu.dma_semaphore, #tpu.memory_space<semaphore_mem>>) src(%dma_wait3A_90 : memref<128x128xf32, #tpu.memory_space<vmem>>) dst(%dma_wait3A_87 : memref<128x128xf32, #tpu.memory_space<hbm>>)
      tpu.yield
    }) : () -> ()
    %add3A_59 = arith.constant 384 : i32
    %add3A_60 = arith.addi %mul3A_2, %add3A_59 : i32
    "tpu.region"() ({
      %run_scoped3A = tpu.sem_alloc : memref<!tpu.dma_semaphore, #tpu.memory_space<semaphore_mem>>
      %dma_start3A_67 = arith.constant 0 : i32
      %dma_start3A_68 = arith.constant 0 : i32
      %dma_start3A_69 = tpu.memref_slice %arg13[%dma_start3A_67, %dma_start3A_68] : memref<128x128xf32, #tpu.memory_space<vmem>> -> memref<128x128xf32, #tpu.memory_space<vmem>>
      %dma_start3A_70 = arith.constant 0 : i32
      %dma_start3A_71 = tpu.memref_slice %arg14[%add3A_60, %dma_start3A_70] : memref<10240x128xf32, #tpu.memory_space<vmem_shared>> -> memref<128x128xf32, #tpu.memory_space<vmem_shared>>
      %dma_start3A_72 = arith.constant 0 : i32
      %dma_start3A_73 = arith.constant 0 : i32
      %dma_start3A_74 = tpu.memref_slice %arg13[%dma_start3A_72, %dma_start3A_73] : memref<128x128xf32, #tpu.memory_space<vmem>> -> memref<128x128xf32, #tpu.memory_space<vmem>>
      %dma_start3A_75 = arith.constant 0 : i32
      %dma_start3A_76 = tpu.memref_slice %arg14[%add3A_60, %dma_start3A_75] : memref<10240x128xf32, #tpu.memory_space<vmem_shared>> -> memref<128x128xf32, #tpu.memory_space<vmem_shared>>
      tpu.enqueue_dma source(%dma_start3A_76 : memref<128x128xf32, #tpu.memory_space<vmem_shared>>) target(%dma_start3A_74 : memref<128x128xf32, #tpu.memory_space<vmem>>) target_semaphore(%run_scoped3A : memref<!tpu.dma_semaphore, #tpu.memory_space<semaphore_mem>>)
      %dma_wait3A_77 = arith.constant 0 : i32
      %dma_wait3A_78 = arith.constant 0 : i32
      %dma_wait3A_79 = tpu.memref_slice %arg13[%dma_wait3A_77, %dma_wait3A_78] : memref<128x128xf32, #tpu.memory_space<vmem>> -> memref<128x128xf32, #tpu.memory_space<vmem>>
      %dma_wait3A_80 = arith.constant 0 : i32
      %dma_wait3A_81 = tpu.memref_slice %arg14[%add3A_60, %dma_wait3A_80] : memref<10240x128xf32, #tpu.memory_space<vmem_shared>> -> memref<128x128xf32, #tpu.memory_space<vmem_shared>>
      %dma_wait3A_82 = arith.constant 0 : i32
      %dma_wait3A_83 = arith.constant 0 : i32
      %dma_wait3A_84 = tpu.memref_slice %arg13[%dma_wait3A_82, %dma_wait3A_83] : memref<128x128xf32, #tpu.memory_space<vmem>> -> memref<128x128xf32, #tpu.memory_space<vmem>>
      %dma_wait3A_85 = arith.constant 0 : i32
      %dma_wait3A_86 = tpu.memref_slice %arg14[%add3A_60, %dma_wait3A_85] : memref<10240x128xf32, #tpu.memory_space<vmem_shared>> -> memref<128x128xf32, #tpu.memory_space<vmem_shared>>
      tpu.wait_dma2 semaphore(%run_scoped3A : memref<!tpu.dma_semaphore, #tpu.memory_space<semaphore_mem>>) src(%dma_wait3A_86 : memref<128x128xf32, #tpu.memory_space<vmem_shared>>) dst(%dma_wait3A_84 : memref<128x128xf32, #tpu.memory_space<vmem>>)
      tpu.yield
    }) : () -> ()
    %add3A_61 = arith.constant 384 : i32
    %add3A_62 = arith.addi %mul3A_2, %add3A_61 : i32
    "tpu.region"() ({
      %run_scoped3A = tpu.sem_alloc : memref<!tpu.dma_semaphore, #tpu.memory_space<semaphore_mem>>
      %dma_start3A_67 = arith.constant 0 : i32
      %dma_start3A_68 = arith.constant 0 : i32
      %dma_start3A_69 = tpu.memref_slice %arg13[%dma_start3A_67, %dma_start3A_68] : memref<128x128xf32, #tpu.memory_space<vmem>> -> memref<128x128xf32, #tpu.memory_space<vmem>>
      %dma_start3A_70 = arith.constant 0 : i32
      %dma_start3A_71 = tpu.memref_slice %arg6[%arg0, %add3A_62, %dma_start3A_70] : memref<2x10240x128xf32, #tpu.memory_space<hbm>> -> memref<1x128x128xf32, #tpu.memory_space<hbm>>
      %dma_start3A_72 = tpu.memref_squeeze %dma_start3A_71 : memref<1x128x128xf32, #tpu.memory_space<hbm>> -> memref<128x128xf32, #tpu.memory_space<hbm>>
      %dma_start3A_73 = arith.constant 0 : i32
      %dma_start3A_74 = tpu.memref_slice %arg6[%arg0, %add3A_62, %dma_start3A_73] : memref<2x10240x128xf32, #tpu.memory_space<hbm>> -> memref<1x128x128xf32, #tpu.memory_space<hbm>>
      %dma_start3A_75 = tpu.memref_squeeze %dma_start3A_74 : memref<1x128x128xf32, #tpu.memory_space<hbm>> -> memref<128x128xf32, #tpu.memory_space<hbm>>
      %dma_start3A_76 = arith.constant 0 : i32
      %dma_start3A_77 = arith.constant 0 : i32
      %dma_start3A_78 = tpu.memref_slice %arg13[%dma_start3A_76, %dma_start3A_77] : memref<128x128xf32, #tpu.memory_space<vmem>> -> memref<128x128xf32, #tpu.memory_space<vmem>>
      tpu.enqueue_dma source(%dma_start3A_78 : memref<128x128xf32, #tpu.memory_space<vmem>>) target(%dma_start3A_75 : memref<128x128xf32, #tpu.memory_space<hbm>>) target_semaphore(%run_scoped3A : memref<!tpu.dma_semaphore, #tpu.memory_space<semaphore_mem>>)
      %dma_wait3A_79 = arith.constant 0 : i32
      %dma_wait3A_80 = arith.constant 0 : i32
      %dma_wait3A_81 = tpu.memref_slice %arg13[%dma_wait3A_79, %dma_wait3A_80] : memref<128x128xf32, #tpu.memory_space<vmem>> -> memref<128x128xf32, #tpu.memory_space<vmem>>
      %dma_wait3A_82 = arith.constant 0 : i32
      %dma_wait3A_83 = tpu.memref_slice %arg6[%arg0, %add3A_62, %dma_wait3A_82] : memref<2x10240x128xf32, #tpu.memory_space<hbm>> -> memref<1x128x128xf32, #tpu.memory_space<hbm>>
      %dma_wait3A_84 = tpu.memref_squeeze %dma_wait3A_83 : memref<1x128x128xf32, #tpu.memory_space<hbm>> -> memref<128x128xf32, #tpu.memory_space<hbm>>
      %dma_wait3A_85 = arith.constant 0 : i32
      %dma_wait3A_86 = tpu.memref_slice %arg6[%arg0, %add3A_62, %dma_wait3A_85] : memref<2x10240x128xf32, #tpu.memory_space<hbm>> -> memref<1x128x128xf32, #tpu.memory_space<hbm>>
      %dma_wait3A_87 = tpu.memref_squeeze %dma_wait3A_86 : memref<1x128x128xf32, #tpu.memory_space<hbm>> -> memref<128x128xf32, #tpu.memory_space<hbm>>
      %dma_wait3A_88 = arith.constant 0 : i32
      %dma_wait3A_89 = arith.constant 0 : i32
      %dma_wait3A_90 = tpu.memref_slice %arg13[%dma_wait3A_88, %dma_wait3A_89] : memref<128x128xf32, #tpu.memory_space<vmem>> -> memref<128x128xf32, #tpu.memory_space<vmem>>
      tpu.wait_dma2 semaphore(%run_scoped3A : memref<!tpu.dma_semaphore, #tpu.memory_space<semaphore_mem>>) src(%dma_wait3A_90 : memref<128x128xf32, #tpu.memory_space<vmem>>) dst(%dma_wait3A_87 : memref<128x128xf32, #tpu.memory_space<hbm>>)
      tpu.yield
    }) : () -> ()
    %add3A_63 = arith.constant 512 : i32
    %add3A_64 = arith.addi %mul3A_2, %add3A_63 : i32
    "tpu.region"() ({
      %run_scoped3A = tpu.sem_alloc : memref<!tpu.dma_semaphore, #tpu.memory_space<semaphore_mem>>
      %dma_start3A_67 = arith.constant 0 : i32
      %dma_start3A_68 = arith.constant 0 : i32
      %dma_start3A_69 = tpu.memref_slice %arg13[%dma_start3A_67, %dma_start3A_68] : memref<128x128xf32, #tpu.memory_space<vmem>> -> memref<128x128xf32, #tpu.memory_space<vmem>>
      %dma_start3A_70 = arith.constant 0 : i32
      %dma_start3A_71 = tpu.memref_slice %arg14[%add3A_64, %dma_start3A_70] : memref<10240x128xf32, #tpu.memory_space<vmem_shared>> -> memref<128x128xf32, #tpu.memory_space<vmem_shared>>
      %dma_start3A_72 = arith.constant 0 : i32
      %dma_start3A_73 = arith.constant 0 : i32
      %dma_start3A_74 = tpu.memref_slice %arg13[%dma_start3A_72, %dma_start3A_73] : memref<128x128xf32, #tpu.memory_space<vmem>> -> memref<128x128xf32, #tpu.memory_space<vmem>>
      %dma_start3A_75 = arith.constant 0 : i32
      %dma_start3A_76 = tpu.memref_slice %arg14[%add3A_64, %dma_start3A_75] : memref<10240x128xf32, #tpu.memory_space<vmem_shared>> -> memref<128x128xf32, #tpu.memory_space<vmem_shared>>
      tpu.enqueue_dma source(%dma_start3A_76 : memref<128x128xf32, #tpu.memory_space<vmem_shared>>) target(%dma_start3A_74 : memref<128x128xf32, #tpu.memory_space<vmem>>) target_semaphore(%run_scoped3A : memref<!tpu.dma_semaphore, #tpu.memory_space<semaphore_mem>>)
      %dma_wait3A_77 = arith.constant 0 : i32
      %dma_wait3A_78 = arith.constant 0 : i32
      %dma_wait3A_79 = tpu.memref_slice %arg13[%dma_wait3A_77, %dma_wait3A_78] : memref<128x128xf32, #tpu.memory_space<vmem>> -> memref<128x128xf32, #tpu.memory_space<vmem>>
      %dma_wait3A_80 = arith.constant 0 : i32
      %dma_wait3A_81 = tpu.memref_slice %arg14[%add3A_64, %dma_wait3A_80] : memref<10240x128xf32, #tpu.memory_space<vmem_shared>> -> memref<128x128xf32, #tpu.memory_space<vmem_shared>>
      %dma_wait3A_82 = arith.constant 0 : i32
      %dma_wait3A_83 = arith.constant 0 : i32
      %dma_wait3A_84 = tpu.memref_slice %arg13[%dma_wait3A_82, %dma_wait3A_83] : memref<128x128xf32, #tpu.memory_space<vmem>> -> memref<128x128xf32, #tpu.memory_space<vmem>>
      %dma_wait3A_85 = arith.constant 0 : i32
      %dma_wait3A_86 = tpu.memref_slice %arg14[%add3A_64, %dma_wait3A_85] : memref<10240x128xf32, #tpu.memory_space<vmem_shared>> -> memref<128x128xf32, #tpu.memory_space<vmem_shared>>
      tpu.wait_dma2 semaphore(%run_scoped3A : memref<!tpu.dma_semaphore, #tpu.memory_space<semaphore_mem>>) src(%dma_wait3A_86 : memref<128x128xf32, #tpu.memory_space<vmem_shared>>) dst(%dma_wait3A_84 : memref<128x128xf32, #tpu.memory_space<vmem>>)
      tpu.yield
    }) : () -> ()
    %add3A_65 = arith.constant 512 : i32
    %add3A_66 = arith.addi %mul3A_2, %add3A_65 : i32
    "tpu.region"() ({
      %run_scoped3A = tpu.sem_alloc : memref<!tpu.dma_semaphore, #tpu.memory_space<semaphore_mem>>
      %dma_start3A_67 = arith.constant 0 : i32
      %dma_start3A_68 = arith.constant 0 : i32
      %dma_start3A_69 = tpu.memref_slice %arg13[%dma_start3A_67, %dma_start3A_68] : memref<128x128xf32, #tpu.memory_space<vmem>> -> memref<128x128xf32, #tpu.memory_space<vmem>>
      %dma_start3A_70 = arith.constant 0 : i32
      %dma_start3A_71 = tpu.memref_slice %arg6[%arg0, %add3A_66, %dma_start3A_70] : memref<2x10240x128xf32, #tpu.memory_space<hbm>> -> memref<1x128x128xf32, #tpu.memory_space<hbm>>
      %dma_start3A_72 = tpu.memref_squeeze %dma_start3A_71 : memref<1x128x128xf32, #tpu.memory_space<hbm>> -> memref<128x128xf32, #tpu.memory_space<hbm>>
      %dma_start3A_73 = arith.constant 0 : i32
      %dma_start3A_74 = tpu.memref_slice %arg6[%arg0, %add3A_66, %dma_start3A_73] : memref<2x10240x128xf32, #tpu.memory_space<hbm>> -> memref<1x128x128xf32, #tpu.memory_space<hbm>>
      %dma_start3A_75 = tpu.memref_squeeze %dma_start3A_74 : memref<1x128x128xf32, #tpu.memory_space<hbm>> -> memref<128x128xf32, #tpu.memory_space<hbm>>
      %dma_start3A_76 = arith.constant 0 : i32
      %dma_start3A_77 = arith.constant 0 : i32
      %dma_start3A_78 = tpu.memref_slice %arg13[%dma_start3A_76, %dma_start3A_77] : memref<128x128xf32, #tpu.memory_space<vmem>> -> memref<128x128xf32, #tpu.memory_space<vmem>>
      tpu.enqueue_dma source(%dma_start3A_78 : memref<128x128xf32, #tpu.memory_space<vmem>>) target(%dma_start3A_75 : memref<128x128xf32, #tpu.memory_space<hbm>>) target_semaphore(%run_scoped3A : memref<!tpu.dma_semaphore, #tpu.memory_space<semaphore_mem>>)
      %dma_wait3A_79 = arith.constant 0 : i32
      %dma_wait3A_80 = arith.constant 0 : i32
      %dma_wait3A_81 = tpu.memref_slice %arg13[%dma_wait3A_79, %dma_wait3A_80] : memref<128x128xf32, #tpu.memory_space<vmem>> -> memref<128x128xf32, #tpu.memory_space<vmem>>
      %dma_wait3A_82 = arith.constant 0 : i32
      %dma_wait3A_83 = tpu.memref_slice %arg6[%arg0, %add3A_66, %dma_wait3A_82] : memref<2x10240x128xf32, #tpu.memory_space<hbm>> -> memref<1x128x128xf32, #tpu.memory_space<hbm>>
      %dma_wait3A_84 = tpu.memref_squeeze %dma_wait3A_83 : memref<1x128x128xf32, #tpu.memory_space<hbm>> -> memref<128x128xf32, #tpu.memory_space<hbm>>
      %dma_wait3A_85 = arith.constant 0 : i32
      %dma_wait3A_86 = tpu.memref_slice %arg6[%arg0, %add3A_66, %dma_wait3A_85] : memref<2x10240x128xf32, #tpu.memory_space<hbm>> -> memref<1x128x128xf32, #tpu.memory_space<hbm>>
      %dma_wait3A_87 = tpu.memref_squeeze %dma_wait3A_86 : memref<1x128x128xf32, #tpu.memory_space<hbm>> -> memref<128x128xf32, #tpu.memory_space<hbm>>
      %dma_wait3A_88 = arith.constant 0 : i32
      %dma_wait3A_89 = arith.constant 0 : i32
      %dma_wait3A_90 = tpu.memref_slice %arg13[%dma_wait3A_88, %dma_wait3A_89] : memref<128x128xf32, #tpu.memory_space<vmem>> -> memref<128x128xf32, #tpu.memory_space<vmem>>
      tpu.wait_dma2 semaphore(%run_scoped3A : memref<!tpu.dma_semaphore, #tpu.memory_space<semaphore_mem>>) src(%dma_wait3A_90 : memref<128x128xf32, #tpu.memory_space<vmem>>) dst(%dma_wait3A_87 : memref<128x128xf32, #tpu.memory_space<hbm>>)
      tpu.yield
    }) : () -> ()
    return
  }
}

module attributes {stable_mosaic.version = 14 : i64} {
  func.func @_tc_prep_body(%arg0: memref<2x10240x16xf32, #tpu.memory_space<vmem>>, %arg1: memref<10000x4xf32, #tpu.memory_space<vmem>>, %arg2: memref<4x128xf32, #tpu.memory_space<vmem>>, %arg3: memref<10000x1xf32, #tpu.memory_space<vmem>>, %arg4: memref<10000x128xf32, #tpu.memory_space<vmem>>) attributes {dimension_semantics = [], scalar_prefetch = 0 : i64, scratch_operands = 0 : i64, tpu.core_type = #tpu.core_type<tc>} {
    %get3A = arith.constant 0 : index
    %get3A_0 = arith.constant 0 : index
    %get3A_1 = arith.constant 0 : index
    %get3A_2 = vector.load %arg0[%get3A, %get3A_0, %get3A_1] : memref<2x10240x16xf32, #tpu.memory_space<vmem>>, vector<1x10000x1xf32>
    %get3A_3 = vector.shape_cast %get3A_2 : vector<1x10000x1xf32> to vector<10000x1xf32>
    %get3A_4 = arith.constant 1 : index
    %get3A_5 = arith.constant 0 : index
    %get3A_6 = arith.constant 0 : index
    %get3A_7 = vector.load %arg0[%get3A_4, %get3A_5, %get3A_6] : memref<2x10240x16xf32, #tpu.memory_space<vmem>>, vector<1x10000x1xf32>
    %get3A_8 = vector.shape_cast %get3A_7 : vector<1x10000x1xf32> to vector<10000x1xf32>
    %add3A = arith.addf %get3A_3, %get3A_8 : vector<10000x1xf32>
    %add3A_9 = arith.constant 1.000000e+00 : f32
    %add3A_10 = vector.broadcast %add3A_9 : f32 to vector<10000x1xf32>
    %add3A_11 = arith.addf %add3A, %add3A_10 : vector<10000x1xf32>
    %rsqrt3A = math.rsqrt %add3A_11 : vector<10000x1xf32>
    %swap3A = arith.constant 0 : index
    %swap3A_12 = arith.constant 0 : index
    %swap3A_13 = vector.load %arg3[%swap3A, %swap3A_12] : memref<10000x1xf32, #tpu.memory_space<vmem>>, vector<10000x1xf32>
    tpu.vector_store %arg3[%swap3A, %swap3A_12], %rsqrt3A {strides = array<i32>} : memref<10000x1xf32, #tpu.memory_space<vmem>>, vector<10000x1xf32>,
    %get3A_14 = arith.constant 0 : index
    %get3A_15 = arith.constant 0 : index
    %get3A_16 = vector.load %arg1[%get3A_14, %get3A_15] : memref<10000x4xf32, #tpu.memory_space<vmem>>, vector<10000x4xf32>
    %get3A_17 = arith.constant 0 : index
    %get3A_18 = arith.constant 0 : index
    %get3A_19 = vector.load %arg2[%get3A_17, %get3A_18] : memref<4x128xf32, #tpu.memory_space<vmem>>, vector<4x128xf32>
    %dot_general3A = arith.constant dense<0.000000e+00> : vector<10000x128xf32>
    %dot_general3A_20 = tpu.matmul %get3A_16, %get3A_19, %dot_general3A {dimension_numbers = #tpu.dot_dimension_numbers<[1], [0], [0], [1], [0, 0, 1, 1], [], []>, transpose_lhs_hint = false} : vector<10000x4xf32>, vector<4x128xf32>, vector<10000x128xf32> -> vector<10000x128xf32>
    %mul3A = vector.broadcast %rsqrt3A : vector<10000x1xf32> to vector<10000x128xf32>
    %mul3A_21 = arith.mulf %dot_general3A_20, %mul3A : vector<10000x128xf32>
    %swap3A_22 = arith.constant 0 : index
    %swap3A_23 = arith.constant 0 : index
    %swap3A_24 = vector.load %arg4[%swap3A_22, %swap3A_23] : memref<10000x128xf32, #tpu.memory_space<vmem>>, vector<10000x128xf32>
    tpu.vector_store %arg4[%swap3A_22, %swap3A_23], %mul3A_21 {strides = array<i32>} : memref<10000x128xf32, #tpu.memory_space<vmem>>, vector<10000x128xf32>,
    return
  }
}

module attributes {stable_mosaic.version = 14 : i64} {
  func.func @_tc_mid_body(%arg0: memref<2x10240x128xf32, #tpu.memory_space<vmem>>, %arg1: memref<10000x128xf32, #tpu.memory_space<vmem>>, %arg2: memref<10000x1xf32, #tpu.memory_space<vmem>>, %arg3: memref<1x128xf32, #tpu.memory_space<vmem>>, %arg4: memref<128x128xf32, #tpu.memory_space<vmem>>, %arg5: memref<10000x128xf32, #tpu.memory_space<vmem>>) attributes {dimension_semantics = [], scalar_prefetch = 0 : i64, scratch_operands = 0 : i64, tpu.core_type = #tpu.core_type<tc>} {
    %get3A = arith.constant 0 : index
    %get3A_0 = arith.constant 0 : index
    %get3A_1 = vector.load %arg2[%get3A, %get3A_0] : memref<10000x1xf32, #tpu.memory_space<vmem>>, vector<10000x1xf32>
    %get3A_2 = arith.constant 0 : index
    %get3A_3 = arith.constant 0 : index
    %get3A_4 = arith.constant 0 : index
    %get3A_5 = vector.load %arg0[%get3A_2, %get3A_3, %get3A_4] : memref<2x10240x128xf32, #tpu.memory_space<vmem>>, vector<1x10000x128xf32>
    %get3A_6 = vector.shape_cast %get3A_5 : vector<1x10000x128xf32> to vector<10000x128xf32>
    %get3A_7 = arith.constant 1 : index
    %get3A_8 = arith.constant 0 : index
    %get3A_9 = arith.constant 0 : index
    %get3A_10 = vector.load %arg0[%get3A_7, %get3A_8, %get3A_9] : memref<2x10240x128xf32, #tpu.memory_space<vmem>>, vector<1x10000x128xf32>
    %get3A_11 = vector.shape_cast %get3A_10 : vector<1x10000x128xf32> to vector<10000x128xf32>
    %add3A = arith.addf %get3A_6, %get3A_11 : vector<10000x128xf32>
    %get3A_12 = arith.constant 0 : index
    %get3A_13 = arith.constant 0 : index
    %get3A_14 = vector.load %arg1[%get3A_12, %get3A_13] : memref<10000x128xf32, #tpu.memory_space<vmem>>, vector<10000x128xf32>
    %add3A_15 = arith.addf %add3A, %get3A_14 : vector<10000x128xf32>
    %mul3A = vector.broadcast %get3A_1 : vector<10000x1xf32> to vector<10000x128xf32>
    %mul3A_16 = arith.mulf %mul3A, %add3A_15 : vector<10000x128xf32>
    %get3A_17 = arith.constant 0 : index
    %get3A_18 = arith.constant 0 : index
    %get3A_19 = vector.load %arg3[%get3A_17, %get3A_18] : memref<1x128xf32, #tpu.memory_space<vmem>>, vector<1x128xf32>
    %add3A_20 = vector.broadcast %get3A_19 : vector<1x128xf32> to vector<10000x128xf32>
    %add3A_21 = arith.addf %mul3A_16, %add3A_20 : vector<10000x128xf32>
    %max3A = arith.constant 0.000000e+00 : f32
    %max3A_22 = vector.broadcast %max3A : f32 to vector<10000x128xf32>
    %max3A_23 = arith.maximumf %add3A_21, %max3A_22 : vector<10000x128xf32>
    %get3A_24 = arith.constant 0 : index
    %get3A_25 = arith.constant 0 : index
    %get3A_26 = vector.load %arg4[%get3A_24, %get3A_25] : memref<128x128xf32, #tpu.memory_space<vmem>>, vector<128x128xf32>
    %dot_general3A = arith.constant dense<0.000000e+00> : vector<10000x128xf32>
    %dot_general3A_27 = tpu.matmul %max3A_23, %get3A_26, %dot_general3A {dimension_numbers = #tpu.dot_dimension_numbers<[1], [0], [0], [1], [0, 0, 1, 1], [], []>, transpose_lhs_hint = false} : vector<10000x128xf32>, vector<128x128xf32>, vector<10000x128xf32> -> vector<10000x128xf32>
    %mul3A_28 = vector.broadcast %get3A_1 : vector<10000x1xf32> to vector<10000x128xf32>
    %mul3A_29 = arith.mulf %dot_general3A_27, %mul3A_28 : vector<10000x128xf32>
    %swap3A = arith.constant 0 : index
    %swap3A_30 = arith.constant 0 : index
    %swap3A_31 = vector.load %arg5[%swap3A, %swap3A_30] : memref<10000x128xf32, #tpu.memory_space<vmem>>, vector<10000x128xf32>
    tpu.vector_store %arg5[%swap3A, %swap3A_30], %mul3A_29 {strides = array<i32>} : memref<10000x128xf32, #tpu.memory_space<vmem>>, vector<10000x128xf32>,
    return
  }
}

module attributes {stable_mosaic.version = 14 : i64} {
  func.func @_tc_out_body(%arg0: memref<2x10240x128xf32, #tpu.memory_space<vmem>>, %arg1: memref<10000x128xf32, #tpu.memory_space<vmem>>, %arg2: memref<10000x1xf32, #tpu.memory_space<vmem>>, %arg3: memref<1x128xf32, #tpu.memory_space<vmem>>, %arg4: memref<10000x128xf32, #tpu.memory_space<vmem>>) attributes {dimension_semantics = [], scalar_prefetch = 0 : i64, scratch_operands = 0 : i64, tpu.core_type = #tpu.core_type<tc>} {
    %get3A = arith.constant 0 : index
    %get3A_0 = arith.constant 0 : index
    %get3A_1 = vector.load %arg2[%get3A, %get3A_0] : memref<10000x1xf32, #tpu.memory_space<vmem>>, vector<10000x1xf32>
    %get3A_2 = arith.constant 0 : index
    %get3A_3 = arith.constant 0 : index
    %get3A_4 = arith.constant 0 : index
    %get3A_5 = vector.load %arg0[%get3A_2, %get3A_3, %get3A_4] : memref<2x10240x128xf32, #tpu.memory_space<vmem>>, vector<1x10000x128xf32>
    %get3A_6 = vector.shape_cast %get3A_5 : vector<1x10000x128xf32> to vector<10000x128xf32>
    %get3A_7 = arith.constant 1 : index
    %get3A_8 = arith.constant 0 : index
    %get3A_9 = arith.constant 0 : index
    %get3A_10 = vector.load %arg0[%get3A_7, %get3A_8, %get3A_9] : memref<2x10240x128xf32, #tpu.memory_space<vmem>>, vector<1x10000x128xf32>
    %get3A_11 = vector.shape_cast %get3A_10 : vector<1x10000x128xf32> to vector<10000x128xf32>
    %add3A = arith.addf %get3A_6, %get3A_11 : vector<10000x128xf32>
    %get3A_12 = arith.constant 0 : index
    %get3A_13 = arith.constant 0 : index
    %get3A_14 = vector.load %arg1[%get3A_12, %get3A_13] : memref<10000x128xf32, #tpu.memory_space<vmem>>, vector<10000x128xf32>
    %add3A_15 = arith.addf %add3A, %get3A_14 : vector<10000x128xf32>
    %mul3A = vector.broadcast %get3A_1 : vector<10000x1xf32> to vector<10000x128xf32>
    %mul3A_16 = arith.mulf %mul3A, %add3A_15 : vector<10000x128xf32>
    %get3A_17 = arith.constant 0 : index
    %get3A_18 = arith.constant 0 : index
    %get3A_19 = vector.load %arg3[%get3A_17, %get3A_18] : memref<1x128xf32, #tpu.memory_space<vmem>>, vector<1x128xf32>
    %add3A_20 = vector.broadcast %get3A_19 : vector<1x128xf32> to vector<10000x128xf32>
    %add3A_21 = arith.addf %mul3A_16, %add3A_20 : vector<10000x128xf32>
    %max3A = arith.constant 0.000000e+00 : f32
    %max3A_22 = vector.broadcast %max3A : f32 to vector<10000x128xf32>
    %max3A_23 = arith.maximumf %add3A_21, %max3A_22 : vector<10000x128xf32>
    %swap3A = arith.constant 0 : index
    %swap3A_24 = arith.constant 0 : index
    %swap3A_25 = vector.load %arg4[%swap3A, %swap3A_24] : memref<10000x128xf32, #tpu.memory_space<vmem>>, vector<10000x128xf32>
    tpu.vector_store %arg4[%swap3A, %swap3A_24], %max3A_23 {strides = array<i32>} : memref<10000x128xf32, #tpu.memory_space<vmem>>, vector<10000x128xf32>,
    return
  }
}

</mosaic_0001>

<sc_bundles>
// kernel: _run.11.cloned.1.call-start
scs
__scs_entry_jumppad:
0x0: {  	(pc) =	sbr.rel $0x88, $3  }
0x1: {  	(tag) =	ssettag $0x0;
	lr =	simm.s32 $0x1  }
0x2: {  	[smem:$0x3F9B] =	sst lr;
	_ =	strace $0xD0000000  }
0x3: {  	_ = 	snop  }
0x4: {  	_ = 	snop  }
0x5: {  	_ = 	snop  }
0x6: {  	_ = 	snop  }
0x7: {  	_ = 	snop  }
__scs_overlays_trampoline_lowered:
0x8: {  	[smem:$0x3FAA] =	sst s0  }
0x9: {  	[smem:$0x3FAB] =	sst s1  }
0xa: {  	[smem:$0x3FAC] =	sst s2  }
0xb: {  	[smem:$0x3FAD] =	sst s3  }
0xc: {  	[smem:$0x3FAE] =	sst s4  }
0xd: {  	[smem:$0x3FAF] =	sst s5  }
0xe: {  	[smem:$0x3FB0] =	sst s6  }
0xf: {  	[smem:$0x3FB1] =	sst s7  }
0x10: {  	[smem:$0x3FB2] =	sst s8  }
0x11: {  	[smem:$0x3FB3] =	sst s9;
	s0 =	simm.s32 @!p0 $0x0  }
0x12: {  	s1 =	sld [smem:$0x3F99];
	s0 =	simm.s32 @p0 $0x1  }
0x13: {  	[smem:$0x3FB4] =	sst s0;
	s0 =	simm.s32 @!p1 $0x0  }
0x14: {  	s2 =	sld [smem:$0x3F98];
	s0 =	simm.s32 @p1 $0x1  }
0x15: {  	[smem:$0x3FB5] =	sst s0;
	s0 =	simm.s32 @!p2 $0x0  }
0x16: {  	s3 =	sld [smem:$0x3FDB];
	s0 =	simm.s32 @p2 $0x1  }
0x17: {  	s4 =	simm.s32 $0x1BF5;
	[smem:$0x3FB7] =	sst s0  }
0x18: {  	s0 =	sld [smem:$0x3F9A];
	_ =	swait.ge [sflag:s4], $0x0  }
0x19: {  	s7 =	sld [smem:$0x3F9B]  }
0x1a: {  	s8 =	sadd.s32 $0xFFFFE003, lr  }
0x1b: {  	s9 =	sadd.s32 $0xFFFFFEF7, lr;
	s5 =	simm.s32 $0xFFFFFFFF;
	p2 =	slt.u32 s8, $0xFFFFF086  }
0x1c: {  	p1 =	slt.u32 s9, $0xF7A;
	s5 =	simm.s32 @!p2 $0x0  }
0x1d: {  	s5 =	simm.s32 @p1 $0x1;
	p0 =	seq.s32 s7, s2  }
0x1e: {  	s7 =	smul.u32 @!p0 $0xF7A, s2;
	p2 =	seq.s32 @!p0 s5, $0x0  }
0x1f: {  	s9 =	smul.u32 $0xF7A, s1;
	s8 =	simm.s32 @!p0 $0x1BF5;
	p2 =	por !p2, p0  }
0x20: {  	[sflag:s8] =	ssyncset.s32 @!p0 $0xFFFFF086;
	s6 =	sadd.s32 @!p0 s3, s7;
	s7 =	simm.s32 @!p0 $0x108  }
0x21: {  	s3 =	sadd.s32 s3, s9;
	s6 =	sadd.s32 @!p0 $0x88, s6;
	s7 =	simm.s32 @p2 $0x1082  }
0x22: {  	[simem:s7], [sflag:s8] =	dma.local @!p0 [hbm:s6], $0xF7A  }
0x23: {  	s9 =	sor.u32 $0xD0000000, s2;
	s6 =	simm.s32 $0x108;
	_ =	swait.ge @!p0 [sflag:s8], $0x0  }
0x24: {  	s3 =	sadd.s32 $0x88, s3;
	s6 =	simm.s32 @!p1 $0x1082;
	[sflag:s4] =	ssyncset.s32 $0xFFFFF086  }
0x25: {  	[simem:s6], [sflag:s4] =	dma.local [hbm:s3], $0xF7A  }
0x26: {  	[smem:$0x3F9B] =	sst s1;
	(tag) =	ssettag s2;
	_ =	strace s9  }
0x27: {  	s1 =	sld [smem:$0x3FAB]  }
0x28: {  	s2 =	sld [smem:$0x3FAC]  }
0x29: {  	s4 =	sld [smem:$0x3FAE]  }
0x2a: {  	p0 =	seq.s32 s5, $0x0;
	s5 =	sld [smem:$0x3FAF]  }
0x2b: {  	s6 =	sld [smem:$0x3FB0]  }
0x2c: {  	s7 =	sld [smem:$0x3FB1]  }
0x2d: {  	s3 =	simm.s32 $0x108;
	s8 =	sld [smem:$0x3FB2]  }
0x2e: {  	s3 =	simm.s32 @!p0 $0x1082;
	s9 =	sld [smem:$0x3FB3]  }
0x2f: {  	lr =	sadd.s32 s0, s3;
	s0 =	sld [smem:$0x3FAA]  }
0x30: {  	s3 =	sld [smem:$0x3FAD]  }
0x31: {  	[smem:$0x3FB6] =	sst s10  }
0x32: {  	s10 =	sld [smem:$0x3FB4];
	_ =	sdelay $0x3  }
0x33: {  	p0 =	seq.s32 s10, $0x1;
	s10 =	sld [smem:$0x3FB6];
	_ =	sdelay $0x3  }
0x34: {  	[smem:$0x3FB6] =	sst s10  }
0x35: {  	s10 =	sld [smem:$0x3FB5];
	_ =	sdelay $0x3  }
0x36: {  	p1 =	seq.s32 s10, $0x1;
	s10 =	sld [smem:$0x3FB6];
	_ =	sdelay $0x3  }
0x37: {  	[smem:$0x3FB6] =	sst s10  }
0x38: {  	s10 =	sld [smem:$0x3FB7]  }
0x39: {  	_ = 	snop;
	(pc) =	sbr.ind lr, $3  }
0x3a: {  	_ = 	snop  }
0x3b: {  	_ = 	snop  }
0x3c: {  	p2 =	seq.s32 s10, $0x1;
	s10 =	sld [smem:$0x3FB6]  }
0x3d: {  	_ =	shalt  }
0x3e: {  	_ =	shalt  }
0x3f: {  	_ =	shalt  }
0x40: {  	_ =	shalt  }
0x41: {  	_ =	shalt  }
0x42: {  	_ =	shalt  }
0x43: {  	_ =	shalt  }
0x44: {  	_ =	shalt  }
0x45: {  	_ =	shalt  }
0x46: {  	_ =	shalt  }
0x47: {  	_ =	shalt  }
0x48: {  	_ =	shalt  }
0x49: {  	_ =	shalt  }
0x4a: {  	_ =	shalt  }
0x4b: {  	_ =	shalt  }
0x4c: {  	_ =	shalt  }
0x4d: {  	_ =	shalt  }
0x4e: {  	_ =	shalt  }
0x4f: {  	_ =	shalt  }
0x50: {  	_ =	shalt  }
0x51: {  	_ =	shalt  }
0x52: {  	_ =	shalt  }
0x53: {  	_ =	shalt  }
0x54: {  	_ =	shalt  }
0x55: {  	_ =	shalt  }
0x56: {  	_ =	shalt  }
0x57: {  	_ =	shalt  }
0x58: {  	_ =	shalt  }
0x59: {  	_ =	shalt  }
0x5a: {  	_ =	shalt  }
0x5b: {  	_ =	shalt  }
0x5c: {  	_ =	shalt  }
0x5d: {  	_ =	shalt  }
0x5e: {  	_ =	shalt  }
0x5f: {  	_ =	shalt  }
0x60: {  	_ =	shalt  }
0x61: {  	_ =	shalt  }
0x62: {  	_ =	shalt  }
0x63: {  	_ =	shalt  }
0x64: {  	_ =	shalt  }
0x65: {  	_ =	shalt  }
0x66: {  	_ =	shalt  }
0x67: {  	_ =	shalt  }
0x68: {  	_ =	shalt  }
0x69: {  	_ =	shalt  }
0x6a: {  	_ =	shalt  }
0x6b: {  	_ =	shalt  }
0x6c: {  	_ =	shalt  }
0x6d: {  	_ =	shalt  }
0x6e: {  	_ =	shalt  }
0x6f: {  	_ =	shalt  }
0x70: {  	_ =	shalt  }
0x71: {  	_ =	shalt  }
0x72: {  	_ =	shalt  }
0x73: {  	_ =	shalt  }
0x74: {  	_ =	shalt  }
0x75: {  	_ =	shalt  }
0x76: {  	_ =	shalt  }
0x77: {  	_ =	shalt  }
0x78: {  	_ =	shalt  }
0x79: {  	_ =	shalt  }
0x7a: {  	_ =	shalt  }
0x7b: {  	_ =	shalt  }
0x7c: {  	_ =	shalt  }
0x7d: {  	_ =	shalt  }
0x7e: {  	_ =	shalt  }
0x7f: {  	_ =	shalt  }
0x80: {  	_ =	shalt  }
0x81: {  	_ =	shalt  }
0x82: {  	_ =	shalt  }
0x83: {  	_ =	shalt  }
0x84: {  	_ =	shalt  }
0x85: {  	_ =	shalt  }
0x86: {  	_ =	shalt  }
0x87: {  	_ =	shalt  }
.Lfunc_end0:
.L_simem_size_0:
called_computation.1_lowered:
.L_overlay_start_0:
0x88: {  	s2 =	sld [smem:$0x3FD9]  }
0x89: {  	s3 =	sld [smem:$0x3FFE];
	_ =	sdelay $0x1  }
0x8a: {  	s1 =	srdreg.scid  }
0x8b: {  	s0 =	sand.u32 $0x1, s1  }
0x8c: {  	s17 =	sshll.u32 s0, $0xA;
	s2 =	sadd.s32 s3, s2  }
0x8d: {  	s2 =	sadd.s32 s2, s17  }
0x8e: {  	[smem:$0x3FC2] =	sst s2  }
0x8f: {  	_ = 	snop  }
0x90: {  	s2 =	sld [smem:$0x3FD0];
	(tm) =	ssettm $0x1  }
0x91: {  	s18 =	sld [smem:$0x3FFB];
	_ =	sdelay $0x3  }
0x92: {  	_ =	strace s18  }
0x93: {  	s3 =	sld [smem:$0x3FFC];
	_ =	sdelay $0x3  }
0x94: {  	_ =	strace s3  }
0x95: {  	s3 =	sld [smem:$0x3FFD];
	_ =	sdelay $0x3  }
0x96: {  	_ =	strace s3  }
0x97: {  	_ =	strace $0x8FFFFFFF  }
0x98: {  	s19 =	sld [smem:$0x3FDB];
	_ =	sdelay $0x1  }
0x99: {  	s4 =	simm.s32 $_scs_section_size  }
0x9a: {  	s5 =	simm.s32 $_size__tile_overlayer_lowered;
	s6 =	simm.s32 $_tile_overlayer_lowered  }
0x9b: {  	s22 =	simm.s32 $0x1BFF;
	s21 =	sshll.u32 s6, $0x1;
	s3 =	sadd.s32 s4, s19  }
0x9c: {  	s7 =	simm.s32 $0x0;
	s20 =	sshll.u32 s5, $0x1;
	s5 =	sadd.s32 s21, s3  }
0x9d: {  	[timem:s7], [sflag:s22] =	dma.local [hbm:s5], s20  }
0x9e: {  	_ =	swait.ge [sflag:s22], s20  }
0x9f: {  	s4 =	ssub.s32 $0x0, s20;
	[sflag:s22] =	ssyncset.done $0x0  }
0xa0: {  	[sflag:s22] =	ssyncadd.s32 s4;
	_ =	sdelay $0x1  }
0xa1: {  	s23 =	simm.s32 $0x1B8B  }
0xa2: {  	_ =	swait.ge [sflag:s23], $0x1  }
0xa3: {  	[sflag:s23] =	ssyncset.done $0x0  }
0xa4: {  	s25 =	simm.s32 $0x1B8E;
	s24 =	sld [smem:$0x3FFE];
	[sflag:s23] =	ssyncadd.s32 $0xFFFFFFFF  }
0xa5: {  	s26 =	simm.s32 $execute0_lowered;
	[smem:$0x3FD2] =	sst s25  }
0xa6: {  	s5 =	sshll.u32 s26, $0x1;
	_ =	strace $0x80000049;
	[dreg:$0x1] =	wrdreg $0xFFFFFFFF  }
0xa7: {  	s28 =	simm.s32 $_size_execute0_lowered;
	s3 =	sadd.s32 s3, s5;
	[dreg:$0x0] =	wrdreg $0x0  }
0xa8: {  	s5 =	sshll.u32 s28, $0x1;
	[dreg:$0x2] =	wrdreg s3  }
0xa9: {  	[dreg:$0x3] =	wrdreg s5  }
0xaa: {  	[dreg:$0x4] =	wrdreg $0xC0  }
0xab: {  	_ =	task [dreg:s7], $0x5FFFF  }
0xac: {  	[dreg:$0x1] =	wrdreg $0xFFFFFFFF  }
0xad: {  	[dreg:$0x0] =	wrdreg $0x60  }
0xae: {  	[dreg:$0x2] =	wrdreg s2  }
0xaf: {  	[dreg:$0x3] =	wrdreg s24  }
0xb0: {  	[dreg:$0x4] =	wrdreg $0x92000  }
0xb1: {  	[dreg:$0x5] =	wrdreg $0x9  }
0xb2: {  	_ =	task.clear_ibuf [dreg:s7], $0x6FFFF;
	_ =	strace $0x90000049  }
0xb3: {  	s29 =	simm.s32 $0x9;
	_ =	strace $0x8000004B  }
0xb4: {  	_ =	swait.ge [sflag:s29], $0x1  }
0xb5: {  	[sflag:s29] =	ssyncadd.s32 $0xFFFFFFFF  }
0xb6: {  	_ =	strace $0x9000004B  }
0xb7: {  	_ =	sfence  }
0xb8: {  	s30 =	sld [smem:$0x0];
	_ =	sdelay $0x2  }
0xb9: {  	s31 =	sshll.u32 s1, $0xD;
	s1 =	sshrl.u32 s1, $0x2  }
0xba: {  	s3 =	sand.u32 $0x4000, s31;
	s1 =	sadd.s32 s1, s30  }
0xbb: {  	s0 =	sor.u32 s3, s0;
	s1 =	sshll.u32 s1, $0x11  }
0xbc: {  	s0 =	sor.u32 s1, s0  }
0xbd: {  	s0 =	sadd.s32 $0x8F2B, s0  }
0xbe: {  	[sflag:s0] =	ssyncadd.remote.s32 $0x1  }
0xbf: {  	_ =	sfence.sel $0xFFFF  }
0xc0: {  	[dreg:$0x0] =	wrdreg $0xFFFFFFFF;
	(pc) =	sbr.abs _section_cstart, $3  }
0xc1: {  	[dreg:$0x1] =	wrdreg $0xFFFFFFFF  }
0xc2: {  	_ =	task.clear_ibuf [dreg:s7], $0x2FFFF;
	_ =	strace $0x9FFFFFFF  }
0xc3: {  	(tm) =	ssettm $0x7FFFFFFF  }
tec
execute0_lowered:
.L_overlay_start_1:
0x0: {  	(tag) =	ssettag $0x1  }
0x1: {  	s1 =	rddreg [dreg:$0x0]  }
0x2: {  	s0 =	rddreg [dreg:$0x1]  }
0x3: {  	s2 =	rddreg [dreg:$0x2]  }
0x4: {  	s3 =	simm.s32 $0x0;
	s4 =	srdreg.scid;
	s20 =	stileid.u32  }
0x5: {  	s29 =	simm.s32 $0x5200;
	s30 =	simm.s32 $0x3;
	s31 =	simm.s32 $0x100  }
0x6: {  	[smem:$0x7FF] =	sst s3;
	s5 =	sadd.s32 $0x1A00, s0;
	s4 =	sand.u32 $0x1, s4  }
0x7: {  	s6 =	sadd.s32 $0xB800, s0;
	s8 =	smul.u32 $0x50000, s20;
	s9 =	sadd.s32 $0x15600, s0  }
0x8: {  	s0 =	sadd.s32 $0x15E00, s0;
	s13 =	smul.u32 $0x14000, s20;
	_ =	strace $0x8000004A  }
0x9: {  	s7 =	ssub.s32 $0x2, s4;
	[dreg:$0x4] =	wrdreg s9;
	s19 =	smul.u32 $0x140000, s4  }
0xa: {  	s10 =	sshll.u32 s4, $0x4;
	s4 =	smul.u32 $0x27100, s4;
	s22 =	sshrl.u32 s7, $0x1  }
0xb: {  	s8 =	sshrl.u32 s8, $0x2;
	s23 =	sor.u32 s20, s10;
	s14 =	sadd.s32 $0x4000, s13  }
0xc: {  	s15 =	sadd.s32 $0x8000, s13;
	s16 =	sadd.s32 $0xC000, s13;
	s17 =	sadd.s32 $0x10000, s13  }
0xd: {  	s20 =	smul.u32 $0x2710, s20;
	s7 =	ssub.s32 s7, s22;
	s8 =	sadd.s32 s8, s2  }
0xe: {  	s11 =	smul.u32 $0x2710, s23;
	s9 =	sadd.s32 s14, s2;
	s10 =	sadd.s32 s15, s2  }
0xf: {  	s12 =	sadd.s32 s17, s2;
	s13 =	sadd.s32 s13, s19;
	s14 =	sadd.s32 s19, s14  }
0x10: {  	s15 =	sadd.s32 s19, s15;
	s17 =	sadd.s32 s19, s17;
	s4 =	sadd.s32 s20, s4  }
0x11: {  	s13 =	sshrl.u32 s13, $0x3;
	s14 =	sshrl.u32 s14, $0x3;
	s22 =	sshrl.u32 s15, $0x3  }
0x12: {  	s15 =	simm.s32 $0x1;
	s18 =	sshrl.u32 s11, $0x3;
	s11 =	sadd.s32 s16, s2  }
0x13: {  	s16 =	sadd.s32 s19, s16;
	s13 =	sadd.s32 s0, s13;
	s28 =	sadd.s32 $0xA0, s4  }
0x14: {  	s21 =	sadd.s32 s5, s18;
	s24 =	sadd.s32 s6, s18;
	s25 =	sadd.s32 $0xA, s18  }
0x15: {  	s18 =	sadd.s32 $0x4D8, s18;
	[dreg:$0x9] =	wrdreg s13;
	s13 =	sadd.s32 s0, s22  }
0x16: {  	s23 =	sshrl.u32 s16, $0x3;
	s16 =	simm.s32 $0x2;
	[dreg:$0x5] =	wrdreg s21  }
0x17: {  	[dreg:$0x6] =	wrdreg s24;
	s26 =	sadd.s32 s5, s25;
	s19 =	sadd.s32 s6, s25  }
0x18: {  	s21 =	sadd.s32 s0, s14;
	[dreg:$0xb] =	wrdreg s13;
	s24 =	sshrl.u32 s17, $0x3  }
0x19: {  	s13 =	sadd.s32 s0, s23;
	s25 =	sadd.s32 $0xF0, s4;
	[dreg:$0x7] =	wrdreg s26  }
0x1a: {  	s23 =	sadd.s32 s6, s18;
	s4 =	simm.s32 $0x180;
	[dreg:$0x8] =	wrdreg s19  }
0x1b: {  	s14 =	simm.s32 $0x2A00;
	s17 =	simm.s32 $0x0;
	[dreg:$0xa] =	wrdreg s21  }
0x1c: {  	[dreg:$0xc] =	wrdreg s13;
	s0 =	sadd.s32 s0, s24;
	s26 =	sadd.s32 s5, s18  }
0x1d: {  	s24 =	smax.u32 s7, $0x1;
	s7 =	simm.s32 $0x50;
	[dreg:$0xd] =	wrdreg s0  }
0x1e: {  	s13 =	simm.s32 $0x200;
	[dreg:$0xe] =	wrdreg s26;
	s0 =	sshrl.u32 s25, $0x3  }
0x1f: {  	s25 =	sadd.s32 s0, s6;
	s26 =	sadd.s32 s0, s5;
	s0 =	simm.s32 $0x80  }
.LBB2_1:
0x20: {  	s18 =	rddreg [dreg:$0x4]  }
0x21: {  	[tilespmem:s29], [sflag:$0x3] =	stream.linear.gather [hbm4b:s18+s3], $0x4000, $0x38;
	[tilespmem:$0x1D200] =	vst v63  }
0x22: {  	_ =	swait.ge [sflag:s30], $0x4000  }
0x23: {  	[sflag:s30] =	ssyncset.done $0x0  }
0x24: {  	[sflag:s30] =	ssyncadd.s32 $0xFFFFC000  }
0x25: {  	[spmem:s8] =	stream.linear.scatter [tilespmem:s29], [sflag:$0x3], $0x4000, $0x38;
	[tilespmem:$0x1D200] =	vst v63  }
0x26: {  	_ =	swait.ge [sflag:s30], $0x4000  }
0x27: {  	[sflag:s30] =	ssyncset.done $0x0  }
0x28: {  	[sflag:s30] =	ssyncadd.s32 $0xFFFFC000  }
0x29: {  	[spmem:s9] =	stream.linear.scatter [tilespmem:s29], [sflag:$0x3], $0x4000, $0x38;
	[tilespmem:$0x1D200] =	vst v63  }
0x2a: {  	_ =	swait.ge [sflag:s30], $0x4000  }
0x2b: {  	[sflag:s30] =	ssyncset.done $0x0  }
0x2c: {  	[sflag:s30] =	ssyncadd.s32 $0xFFFFC000  }
0x2d: {  	[spmem:s10] =	stream.linear.scatter [tilespmem:s29], [sflag:$0x3], $0x4000, $0x38;
	[tilespmem:$0x1D200] =	vst v63  }
0x2e: {  	_ =	swait.ge [sflag:s30], $0x4000  }
0x2f: {  	[sflag:s30] =	ssyncset.done $0x0  }
0x30: {  	[sflag:s30] =	ssyncadd.s32 $0xFFFFC000  }
0x31: {  	[spmem:s11] =	stream.linear.scatter [tilespmem:s29], [sflag:$0x3], $0x4000, $0x38;
	[tilespmem:$0x1D200] =	vst v63  }
0x32: {  	_ =	swait.ge [sflag:s30], $0x4000  }
0x33: {  	[sflag:s30] =	ssyncset.done $0x0  }
0x34: {  	[sflag:s30] =	ssyncadd.s32 $0xFFFFC000  }
0x35: {  	[spmem:s12] =	stream.linear.scatter [tilespmem:s29], [sflag:$0x3], $0x4000, $0x38;
	[tilespmem:$0x1D200] =	vst v63  }
0x36: {  	_ =	swait.ge [sflag:s30], $0x4000  }
0x37: {  	[sflag:s30] =	ssyncset.done $0x0  }
0x38: {  	s20 =	rddreg [dreg:$0x5];
	[sflag:s30] =	ssyncadd.s32 $0xFFFFC000  }
0x39: {  	[tilespmem:s3], [sflag:$0x3] =	stream.linear.gather [hbm4b:s20+s3], $0x50, $0x38;
	[tilespmem:$0x1D200] =	vst v63  }
0x3a: {  	_ =	swait.ge [sflag:s30], $0x50  }
0x3b: {  	[sflag:s30] =	ssyncset.done $0x0  }
0x3c: {  	s21 =	rddreg [dreg:$0x6];
	[sflag:s30] =	ssyncadd.s32 $0xFFFFFFB0  }
0x3d: {  	[tilespmem:s31], [sflag:$0x3] =	stream.linear.gather [hbm4b:s21+s3], $0x50, $0x38;
	[tilespmem:$0x1D200] =	vst v63  }
0x3e: {  	_ =	swait.ge [sflag:s30], $0x50  }
0x3f: {  	[sflag:s30] =	ssyncset.done $0x0  }
0x40: {  	s22 =	rddreg [dreg:$0x7];
	[sflag:s30] =	ssyncadd.s32 $0xFFFFFFB0  }
0x41: {  	[tilespmem:s0], [sflag:$0x3] =	stream.linear.gather [hbm4b:s22+s3], $0x50, $0x38;
	[tilespmem:$0x1D200] =	vst v63  }
0x42: {  	_ =	swait.ge [sflag:s30], $0x50  }
0x43: {  	[sflag:s30] =	ssyncset.done $0x0  }
0x44: {  	s19 =	rddreg [dreg:$0x8];
	[sflag:s30] =	ssyncadd.s32 $0xFFFFFFB0  }
0x45: {  	[tilespmem:s4], [sflag:$0x3] =	stream.linear.gather [hbm4b:s19+s3], $0x50, $0x38;
	[tilespmem:$0x1D200] =	vst v63  }
0x46: {  	_ =	swait.ge [sflag:s30], $0x50  }
0x47: {  	[sflag:s30] =	ssyncset.done $0x0  }
0x48: {  	[sflag:s30] =	ssyncadd.s32 $0xFFFFFFB0  }
0x49: {  	[bflag:$0x0] =	sbarrier.arrive $0xFFFF  }
0x4a: {  	[tilespmem:s13], [sflag:$0x1] =	stream.indirect.gather [hbm4b:s1+s7], $0x80, s3, s7, $0xb8;
	[tilespmem:$0x1D200] =	vst v63  }
0x4b: {  	_ = 	snop  }
0x4c: {  	[tilespmem:s14], [sflag:$0x2] =	stream.indirect.gather [hbm4b:s1+s7], $0x80, s0, s7, $0xb8;
	[tilespmem:$0x1D200] =	vst v63  }
0x4d: {  	_ =	swait.ge [sflag:s15], $0x2800  }
0x4e: {  	[sflag:s15] =	ssyncset.done $0x0  }
0x4f: {  	[sflag:s15] =	ssyncadd.s32 $0xFFFFD800  }
0x50: {  	[spmem:s2] =	stream.indirect.scatter.add.f32 [tilespmem:s13], [sflag:$0x3], $0x80, s31, s7, $0xb8;
	[tilespmem:$0x1D200] =	vst v63  }
0x51: {  	_ =	swait.ge [sflag:s30], $0x2800  }
0x52: {  	s20 =	sshrl.u32 s28, $0x3;
	[sflag:s30] =	ssyncset.done $0x0  }
0x53: {  	s19 =	sadd.s32 s5, s20;
	[sflag:s30] =	ssyncadd.s32 $0xFFFFD800  }
0x54: {  	[tilespmem:s3], [sflag:$0x3] =	stream.linear.gather [hbm4b:s19+s3], $0x50, $0x38;
	[tilespmem:$0x1D200] =	vst v63  }
0x55: {  	_ =	swait.ge [sflag:s30], $0x50  }
0x56: {  	[sflag:s30] =	ssyncset.done $0x0  }
0x57: {  	s18 =	sadd.s32 s6, s20;
	[sflag:s30] =	ssyncadd.s32 $0xFFFFFFB0  }
0x58: {  	[tilespmem:s31], [sflag:$0x3] =	stream.linear.gather [hbm4b:s18+s3], $0x50, $0x38;
	[tilespmem:$0x1D200] =	vst v63  }
0x59: {  	_ =	swait.ge [sflag:s30], $0x50  }
0x5a: {  	[sflag:s30] =	ssyncset.done $0x0  }
0x5b: {  	[sflag:s30] =	ssyncadd.s32 $0xFFFFFFB0  }
0x5c: {  	[tilespmem:s13], [sflag:$0x1] =	stream.indirect.gather [hbm4b:s1+s7], $0x80, s3, s7, $0xb8;
	[tilespmem:$0x1D200] =	vst v63  }
0x5d: {  	_ =	swait.ge [sflag:s16], $0x2800  }
0x5e: {  	[sflag:s16] =	ssyncset.done $0x0  }
0x5f: {  	[sflag:s16] =	ssyncadd.s32 $0xFFFFD800  }
0x60: {  	[spmem:s2] =	stream.indirect.scatter.add.f32 [tilespmem:s14], [sflag:$0x3], $0x80, s4, s7, $0xb8;
	[tilespmem:$0x1D200] =	vst v63  }
0x61: {  	_ =	swait.ge [sflag:s30], $0x2800  }
0x62: {  	[sflag:s30] =	ssyncset.done $0x0  }
0x63: {  	s21 =	sadd.s32 $0x0, s26;
	[sflag:s30] =	ssyncadd.s32 $0xFFFFD800  }
0x64: {  	[tilespmem:s0], [sflag:$0x3] =	stream.linear.gather [hbm4b:s21+s3], $0x50, $0x38;
	[tilespmem:$0x1D200] =	vst v63  }
0x65: {  	_ =	swait.ge [sflag:s30], $0x50  }
0x66: {  	[sflag:s30] =	ssyncset.done $0x0  }
0x67: {  	s22 =	sadd.s32 $0x0, s25;
	[sflag:s30] =	ssyncadd.s32 $0xFFFFFFB0  }
0x68: {  	[tilespmem:s4], [sflag:$0x3] =	stream.linear.gather [hbm4b:s22+s3], $0x50, $0x38;
	[tilespmem:$0x1D200] =	vst v63  }
0x69: {  	_ =	swait.ge [sflag:s30], $0x50  }
0x6a: {  	[sflag:s30] =	ssyncset.done $0x0  }
0x6b: {  	s19 =	sadd.s32 $0xA0, s28;
	s18 =	simm.s32 $0x14;
	[sflag:s30] =	ssyncadd.s32 $0xFFFFFFB0  }
.LBB2_2:
0x6c: {  	[tilespmem:s14], [sflag:$0x2] =	stream.indirect.gather [hbm4b:s1+s7], $0x80, s0, s7, $0xb8;
	[tilespmem:$0x1D200] =	vst v63  }
0x6d: {  	s20 =	smov.u32 s18  }
0x6e: {  	p0 =	sne.s32 s18, $0x4B0;
	s18 =	sadd.s32 $0x14, s18;
	_ =	swait.ge [sflag:s15], $0x2800  }
0x6f: {  	[sflag:s15] =	ssyncset.done $0x0  }
0x70: {  	[sflag:s15] =	ssyncadd.s32 $0xFFFFD800  }
0x71: {  	[spmem:s2] =	stream.indirect.scatter.add.f32 [tilespmem:s13], [sflag:$0x3], $0x80, s31, s7, $0xb8;
	[tilespmem:$0x1D200] =	vst v63  }
0x72: {  	_ =	swait.ge [sflag:s30], $0x2800  }
0x73: {  	s21 =	sshrl.u32 s19, $0x3;
	[sflag:s30] =	ssyncset.done $0x0  }
0x74: {  	s22 =	sadd.s32 s5, s21;
	[sflag:s30] =	ssyncadd.s32 $0xFFFFD800  }
0x75: {  	[tilespmem:s3], [sflag:$0x3] =	stream.linear.gather [hbm4b:s22+s3], $0x50, $0x38;
	[tilespmem:$0x1D200] =	vst v63  }
0x76: {  	_ =	swait.ge [sflag:s30], $0x50  }
0x77: {  	[sflag:s30] =	ssyncset.done $0x0  }
0x78: {  	s21 =	sadd.s32 s6, s21;
	[sflag:s30] =	ssyncadd.s32 $0xFFFFFFB0  }
0x79: {  	[tilespmem:s31], [sflag:$0x3] =	stream.linear.gather [hbm4b:s21+s3], $0x50, $0x38;
	[tilespmem:$0x1D200] =	vst v63  }
0x7a: {  	_ =	swait.ge [sflag:s30], $0x50  }
0x7b: {  	[sflag:s30] =	ssyncset.done $0x0  }
0x7c: {  	[sflag:s30] =	ssyncadd.s32 $0xFFFFFFB0  }
0x7d: {  	[tilespmem:s13], [sflag:$0x1] =	stream.indirect.gather [hbm4b:s1+s7], $0x80, s3, s7, $0xb8;
	[tilespmem:$0x1D200] =	vst v63  }
0x7e: {  	_ =	swait.ge [sflag:s16], $0x2800  }
0x7f: {  	[sflag:s16] =	ssyncset.done $0x0  }
0x80: {  	[sflag:s16] =	ssyncadd.s32 $0xFFFFD800  }
0x81: {  	[spmem:s2] =	stream.indirect.scatter.add.f32 [tilespmem:s14], [sflag:$0x3], $0x80, s4, s7, $0xb8;
	[tilespmem:$0x1D200] =	vst v63  }
0x82: {  	_ =	swait.ge [sflag:s30], $0x2800  }
0x83: {  	[sflag:s30] =	ssyncset.done $0x0  }
0x84: {  	s21 =	sadd.s32 s20, s26;
	[sflag:s30] =	ssyncadd.s32 $0xFFFFD800  }
0x85: {  	[tilespmem:s0], [sflag:$0x3] =	stream.linear.gather [hbm4b:s21+s3], $0x50, $0x38;
	[tilespmem:$0x1D200] =	vst v63  }
0x86: {  	_ =	swait.ge [sflag:s30], $0x50  }
0x87: {  	[sflag:s30] =	ssyncset.done $0x0  }
.Ltmp0:
0x88: {  	s20 =	sadd.s32 s20, s25;
	[sflag:s30] =	ssyncadd.s32 $0xFFFFFFB0;
	(pc) =	sbr.rel @p0 .LBB2_2-.Ltmp0, $4  }
0x89: {  	[tilespmem:s4], [sflag:$0x3] =	stream.linear.gather [hbm4b:s20+s3], $0x50, $0x38;
	[tilespmem:$0x1D200] =	vst v63  }
0x8a: {  	_ =	swait.ge [sflag:s30], $0x50  }
0x8b: {  	[sflag:s30] =	ssyncset.done $0x0  }
0x8c: {  	s19 =	sadd.s32 $0xA0, s19;
	[sflag:s30] =	ssyncadd.s32 $0xFFFFFFB0  }
0x8d: {  	[tilespmem:s14], [sflag:$0x2] =	stream.indirect.gather [hbm4b:s1+s7], $0x80, s0, s7, $0xb8;
	[tilespmem:$0x1D200] =	vst v63  }
0x8e: {  	_ =	swait.ge [sflag:s15], $0x2800  }
0x8f: {  	[sflag:s15] =	ssyncset.done $0x0  }
0x90: {  	[sflag:s15] =	ssyncadd.s32 $0xFFFFD800  }
0x91: {  	[spmem:s2] =	stream.indirect.scatter.add.f32 [tilespmem:s13], [sflag:$0x3], $0x80, s31, s7, $0xb8;
	[tilespmem:$0x1D200] =	vst v63  }
0x92: {  	_ =	swait.ge [sflag:s30], $0x2800  }
0x93: {  	[sflag:s30] =	ssyncset.done $0x0  }
0x94: {  	s18 =	rddreg [dreg:$0xe];
	[sflag:s30] =	ssyncadd.s32 $0xFFFFD800  }
0x95: {  	[tilespmem:s3], [sflag:$0x3] =	stream.linear.gather [hbm4b:s18+s3], $0x50, $0x38;
	[tilespmem:$0x1D200] =	vst v63  }
0x96: {  	_ =	swait.ge [sflag:s30], $0x50  }
0x97: {  	[sflag:s30] =	ssyncset.done $0x0  }
0x98: {  	[sflag:s30] =	ssyncadd.s32 $0xFFFFFFB0  }
0x99: {  	[tilespmem:s31], [sflag:$0x3] =	stream.linear.gather [hbm4b:s23+s3], $0x50, $0x38;
	[tilespmem:$0x1D200] =	vst v63  }
0x9a: {  	_ =	swait.ge [sflag:s30], $0x50  }
0x9b: {  	[sflag:s30] =	ssyncset.done $0x0  }
0x9c: {  	[sflag:s30] =	ssyncadd.s32 $0xFFFFFFB0  }
0x9d: {  	[tilespmem:s13], [sflag:$0x1] =	stream.indirect.gather [hbm4b:s1+s7], $0x80, s3, s7, $0xb8;
	[tilespmem:$0x1D200] =	vst v63  }
0x9e: {  	_ =	swait.ge [sflag:s16], $0x2800  }
0x9f: {  	[sflag:s16] =	ssyncset.done $0x0  }
0xa0: {  	[sflag:s16] =	ssyncadd.s32 $0xFFFFD800  }
0xa1: {  	[spmem:s2] =	stream.indirect.scatter.add.f32 [tilespmem:s14], [sflag:$0x3], $0x80, s4, s7, $0xb8;
	[tilespmem:$0x1D200] =	vst v63  }
0xa2: {  	_ =	swait.ge [sflag:s30], $0x2800  }
0xa3: {  	[sflag:s30] =	ssyncset.done $0x0  }
0xa4: {  	[sflag:s30] =	ssyncadd.s32 $0xFFFFD800  }
0xa5: {  	_ =	swait.ge [sflag:s15], $0x2800  }
0xa6: {  	[sflag:s15] =	ssyncset.done $0x0  }
0xa7: {  	[sflag:s15] =	ssyncadd.s32 $0xFFFFD800  }
0xa8: {  	[spmem:s2] =	stream.indirect.scatter.add.f32 [tilespmem:s13], [sflag:$0x3], $0x80, s31, s7, $0xb8;
	[tilespmem:$0x1D200] =	vst v63  }
0xa9: {  	_ =	swait.ge [sflag:s30], $0x2800  }
0xaa: {  	[sflag:s30] =	ssyncset.done $0x0  }
0xab: {  	[sflag:s30] =	ssyncadd.s32 $0xFFFFD800  }
0xac: {  	[bflag:$0x0] =	sbarrier.arrive $0xFFFF  }
0xad: {  	[tilespmem:s29], [sflag:$0x3] =	stream.linear.gather [spmem:s8], $0x4000, $0x38;
	[tilespmem:$0x1D200] =	vst v63  }
0xae: {  	_ =	swait.ge [sflag:s30], $0x4000  }
0xaf: {  	[sflag:s30] =	ssyncset.done $0x0  }
0xb0: {  	s22 =	rddreg [dreg:$0x9];
	[sflag:s30] =	ssyncadd.s32 $0xFFFFC000  }
0xb1: {  	[hbm4b:s22+s3] =	stream.linear.scatter [tilespmem:s29], [sflag:$0x3], $0x4000, $0x38;
	[tilespmem:$0x1D200] =	vst v63  }
0xb2: {  	_ =	swait.ge [sflag:s30], $0x4000  }
0xb3: {  	[sflag:s30] =	ssyncset.done $0x0  }
0xb4: {  	[sflag:s30] =	ssyncadd.s32 $0xFFFFC000  }
0xb5: {  	[tilespmem:s29], [sflag:$0x3] =	stream.linear.gather [spmem:s9], $0x4000, $0x38;
	[tilespmem:$0x1D200] =	vst v63  }
0xb6: {  	_ =	swait.ge [sflag:s30], $0x4000  }
0xb7: {  	[sflag:s30] =	ssyncset.done $0x0  }
0xb8: {  	s19 =	rddreg [dreg:$0xa];
	[sflag:s30] =	ssyncadd.s32 $0xFFFFC000  }
0xb9: {  	[hbm4b:s19+s3] =	stream.linear.scatter [tilespmem:s29], [sflag:$0x3], $0x4000, $0x38;
	[tilespmem:$0x1D200] =	vst v63  }
0xba: {  	_ =	swait.ge [sflag:s30], $0x4000  }
0xbb: {  	[sflag:s30] =	ssyncset.done $0x0  }
0xbc: {  	[sflag:s30] =	ssyncadd.s32 $0xFFFFC000  }
0xbd: {  	[tilespmem:s29], [sflag:$0x3] =	stream.linear.gather [spmem:s10], $0x4000, $0x38;
	[tilespmem:$0x1D200] =	vst v63  }
0xbe: {  	_ =	swait.ge [sflag:s30], $0x4000  }
0xbf: {  	[sflag:s30] =	ssyncset.done $0x0  }
0xc0: {  	s20 =	rddreg [dreg:$0xb];
	[sflag:s30] =	ssyncadd.s32 $0xFFFFC000  }
0xc1: {  	[hbm4b:s20+s3] =	stream.linear.scatter [tilespmem:s29], [sflag:$0x3], $0x4000, $0x38;
	[tilespmem:$0x1D200] =	vst v63  }
0xc2: {  	_ =	swait.ge [sflag:s30], $0x4000  }
0xc3: {  	[sflag:s30] =	ssyncset.done $0x0  }
0xc4: {  	[sflag:s30] =	ssyncadd.s32 $0xFFFFC000  }
0xc5: {  	[tilespmem:s29], [sflag:$0x3] =	stream.linear.gather [spmem:s11], $0x4000, $0x38;
	[tilespmem:$0x1D200] =	vst v63  }
0xc6: {  	_ =	swait.ge [sflag:s30], $0x4000  }
0xc7: {  	[sflag:s30] =	ssyncset.done $0x0  }
0xc8: {  	s21 =	rddreg [dreg:$0xc];
	[sflag:s30] =	ssyncadd.s32 $0xFFFFC000  }
0xc9: {  	[hbm4b:s21+s3] =	stream.linear.scatter [tilespmem:s29], [sflag:$0x3], $0x4000, $0x38;
	[tilespmem:$0x1D200] =	vst v63  }
0xca: {  	_ =	swait.ge [sflag:s30], $0x4000  }
0xcb: {  	[sflag:s30] =	ssyncset.done $0x0  }
0xcc: {  	[sflag:s30] =	ssyncadd.s32 $0xFFFFC000  }
0xcd: {  	[tilespmem:s29], [sflag:$0x3] =	stream.linear.gather [spmem:s12], $0x4000, $0x38;
	[tilespmem:$0x1D200] =	vst v63  }
0xce: {  	s17 =	sadd.s32 $0x1, s17;
	_ =	swait.ge [sflag:s30], $0x4000  }
0xcf: {  	p0 =	sne.s32 s17, s24;
	[sflag:s30] =	ssyncset.done $0x0  }
.Ltmp1:
0xd0: {  	s22 =	rddreg [dreg:$0xd];
	[sflag:s30] =	ssyncadd.s32 $0xFFFFC000;
	(pc) =	sbr.rel @p0 .LBB2_1-.Ltmp1, $4  }
0xd1: {  	[hbm4b:s22+s3] =	stream.linear.scatter [tilespmem:s29], [sflag:$0x3], $0x4000, $0x38;
	[tilespmem:$0x1D200] =	vst v63  }
0xd2: {  	_ =	swait.ge [sflag:s30], $0x4000  }
0xd3: {  	[sflag:s30] =	ssyncset.done $0x0  }
0xd4: {  	[sflag:s30] =	ssyncadd.s32 $0xFFFFC000  }
0xd5: {  	_ =	sfence.sel $0x180000  }
0xd6: {  	[bflag:$0x0] =	sbarrier.arrive $0xFFFF  }
0xd7: {  	_ =	strace $0x9000004A  }
0xd8: {  	s0 =	stileid.u32;
	[bflag:$0x2] =	sbarrier.arrive $0xFFFF  }
0xd9: {  	p0 =	sne.s32 s0, $0x0;
	s0 =	rddreg [dreg:$0x3]  }
0xda: {  	s0 =	sadd.s32 @!p0 $0x100000, s0  }
0xdb: {  	[sflag:s0] =	ssyncadd.tile.s32 @!p0 $0x1;
	_ =	shalt  }
.Lfunc_end2:
_tile_overlayer_lowered:
.L_overlay_start_2:
0xdc: {  	(tag) =	ssettag $0x2  }
0xdd: {  	s0 =	rddreg [dreg:$0x0];
	s2 =	stileid.u32  }
0xde: {  	s1 =	rddreg [dreg:$0x1];
	p0 =	sne.s32 s2, $0x0  }
0xdf: {  	s3 =	rddreg [dreg:$0x2];
	[bflag:$0x3] =	sbarrier.arrive $0xFFFF;
	s2 =	simm.s32 @!p0 $0x1C03  }
0xe0: {  	[timem:s3], [sflag:s2] =	dma.local @!p0 [hbm:s0], s1  }
0xe1: {  	s0 =	simm.s32 @!p0 $0x3  }
0xe2: {  	_ =	swait.ge @!p0 [sflag:s0], s1  }
0xe3: {  	s1 =	ssub.s32 @!p0 $0x0, s1;
	[sflag:s0] =	ssyncset.done @!p0 $0x0  }
0xe4: {  	[sflag:s0] =	ssyncadd.s32 @!p0 s1  }
0xe5: {  	[bflag:$0x3] =	sbarrier.arrive $0xFFFF  }
0xe6: {  	_ =	shalt  }

// kernel: _run.14.cloned.1.call-start
scs
__scs_entry_jumppad:
0x0: {  	(pc) =	sbr.rel $0x88, $3  }
0x1: {  	(tag) =	ssettag $0x0;
	lr =	simm.s32 $0x1  }
0x2: {  	[smem:$0x3F9B] =	sst lr;
	_ =	strace $0xD0000000  }
0x3: {  	_ = 	snop  }
0x4: {  	_ = 	snop  }
0x5: {  	_ = 	snop  }
0x6: {  	_ = 	snop  }
0x7: {  	_ = 	snop  }
__scs_overlays_trampoline_lowered:
0x8: {  	[smem:$0x3FAA] =	sst s0  }
0x9: {  	[smem:$0x3FAB] =	sst s1  }
0xa: {  	[smem:$0x3FAC] =	sst s2  }
0xb: {  	[smem:$0x3FAD] =	sst s3  }
0xc: {  	[smem:$0x3FAE] =	sst s4  }
0xd: {  	[smem:$0x3FAF] =	sst s5  }
0xe: {  	[smem:$0x3FB0] =	sst s6  }
0xf: {  	[smem:$0x3FB1] =	sst s7  }
0x10: {  	[smem:$0x3FB2] =	sst s8  }
0x11: {  	[smem:$0x3FB3] =	sst s9;
	s0 =	simm.s32 @!p0 $0x0  }
0x12: {  	s1 =	sld [smem:$0x3F99];
	s0 =	simm.s32 @p0 $0x1  }
0x13: {  	[smem:$0x3FB4] =	sst s0;
	s0 =	simm.s32 @!p1 $0x0  }
0x14: {  	s2 =	sld [smem:$0x3F98];
	s0 =	simm.s32 @p1 $0x1  }
0x15: {  	[smem:$0x3FB5] =	sst s0;
	s0 =	simm.s32 @!p2 $0x0  }
0x16: {  	s3 =	sld [smem:$0x3FDB];
	s0 =	simm.s32 @p2 $0x1  }
0x17: {  	s4 =	simm.s32 $0x1BF5;
	[smem:$0x3FB7] =	sst s0  }
0x18: {  	s0 =	sld [smem:$0x3F9A];
	_ =	swait.ge [sflag:s4], $0x0  }
0x19: {  	s7 =	sld [smem:$0x3F9B]  }
0x1a: {  	s8 =	sadd.s32 $0xFFFFE003, lr  }
0x1b: {  	s9 =	sadd.s32 $0xFFFFFEF7, lr;
	s5 =	simm.s32 $0xFFFFFFFF;
	p2 =	slt.u32 s8, $0xFFFFF086  }
0x1c: {  	p1 =	slt.u32 s9, $0xF7A;
	s5 =	simm.s32 @!p2 $0x0  }
0x1d: {  	s5 =	simm.s32 @p1 $0x1;
	p0 =	seq.s32 s7, s2  }
0x1e: {  	s7 =	smul.u32 @!p0 $0xF7A, s2;
	p2 =	seq.s32 @!p0 s5, $0x0  }
0x1f: {  	s9 =	smul.u32 $0xF7A, s1;
	s8 =	simm.s32 @!p0 $0x1BF5;
	p2 =	por !p2, p0  }
0x20: {  	[sflag:s8] =	ssyncset.s32 @!p0 $0xFFFFF086;
	s6 =	sadd.s32 @!p0 s3, s7;
	s7 =	simm.s32 @!p0 $0x108  }
0x21: {  	s3 =	sadd.s32 s3, s9;
	s6 =	sadd.s32 @!p0 $0x88, s6;
	s7 =	simm.s32 @p2 $0x1082  }
0x22: {  	[simem:s7], [sflag:s8] =	dma.local @!p0 [hbm:s6], $0xF7A  }
0x23: {  	s9 =	sor.u32 $0xD0000000, s2;
	s6 =	simm.s32 $0x108;
	_ =	swait.ge @!p0 [sflag:s8], $0x0  }
0x24: {  	s3 =	sadd.s32 $0x88, s3;
	s6 =	simm.s32 @!p1 $0x1082;
	[sflag:s4] =	ssyncset.s32 $0xFFFFF086  }
0x25: {  	[simem:s6], [sflag:s4] =	dma.local [hbm:s3], $0xF7A  }
0x26: {  	[smem:$0x3F9B] =	sst s1;
	(tag) =	ssettag s2;
	_ =	strace s9  }
0x27: {  	s1 =	sld [smem:$0x3FAB]  }
0x28: {  	s2 =	sld [smem:$0x3FAC]  }
0x29: {  	s4 =	sld [smem:$0x3FAE]  }
0x2a: {  	p0 =	seq.s32 s5, $0x0;
	s5 =	sld [smem:$0x3FAF]  }
0x2b: {  	s6 =	sld [smem:$0x3FB0]  }
0x2c: {  	s7 =	sld [smem:$0x3FB1]  }
0x2d: {  	s3 =	simm.s32 $0x108;
	s8 =	sld [smem:$0x3FB2]  }
0x2e: {  	s3 =	simm.s32 @!p0 $0x1082;
	s9 =	sld [smem:$0x3FB3]  }
0x2f: {  	lr =	sadd.s32 s0, s3;
	s0 =	sld [smem:$0x3FAA]  }
0x30: {  	s3 =	sld [smem:$0x3FAD]  }
0x31: {  	[smem:$0x3FB6] =	sst s10  }
0x32: {  	s10 =	sld [smem:$0x3FB4];
	_ =	sdelay $0x3  }
0x33: {  	p0 =	seq.s32 s10, $0x1;
	s10 =	sld [smem:$0x3FB6];
	_ =	sdelay $0x3  }
0x34: {  	[smem:$0x3FB6] =	sst s10  }
0x35: {  	s10 =	sld [smem:$0x3FB5];
	_ =	sdelay $0x3  }
0x36: {  	p1 =	seq.s32 s10, $0x1;
	s10 =	sld [smem:$0x3FB6];
	_ =	sdelay $0x3  }
0x37: {  	[smem:$0x3FB6] =	sst s10  }
0x38: {  	s10 =	sld [smem:$0x3FB7]  }
0x39: {  	_ = 	snop;
	(pc) =	sbr.ind lr, $3  }
0x3a: {  	_ = 	snop  }
0x3b: {  	_ = 	snop  }
0x3c: {  	p2 =	seq.s32 s10, $0x1;
	s10 =	sld [smem:$0x3FB6]  }
0x3d: {  	_ =	shalt  }
0x3e: {  	_ =	shalt  }
0x3f: {  	_ =	shalt  }
0x40: {  	_ =	shalt  }
0x41: {  	_ =	shalt  }
0x42: {  	_ =	shalt  }
0x43: {  	_ =	shalt  }
0x44: {  	_ =	shalt  }
0x45: {  	_ =	shalt  }
0x46: {  	_ =	shalt  }
0x47: {  	_ =	shalt  }
0x48: {  	_ =	shalt  }
0x49: {  	_ =	shalt  }
0x4a: {  	_ =	shalt  }
0x4b: {  	_ =	shalt  }
0x4c: {  	_ =	shalt  }
0x4d: {  	_ =	shalt  }
0x4e: {  	_ =	shalt  }
0x4f: {  	_ =	shalt  }
0x50: {  	_ =	shalt  }
0x51: {  	_ =	shalt  }
0x52: {  	_ =	shalt  }
0x53: {  	_ =	shalt  }
0x54: {  	_ =	shalt  }
0x55: {  	_ =	shalt  }
0x56: {  	_ =	shalt  }
0x57: {  	_ =	shalt  }
0x58: {  	_ =	shalt  }
0x59: {  	_ =	shalt  }
0x5a: {  	_ =	shalt  }
0x5b: {  	_ =	shalt  }
0x5c: {  	_ =	shalt  }
0x5d: {  	_ =	shalt  }
0x5e: {  	_ =	shalt  }
0x5f: {  	_ =	shalt  }
0x60: {  	_ =	shalt  }
0x61: {  	_ =	shalt  }
0x62: {  	_ =	shalt  }
0x63: {  	_ =	shalt  }
0x64: {  	_ =	shalt  }
0x65: {  	_ =	shalt  }
0x66: {  	_ =	shalt  }
0x67: {  	_ =	shalt  }
0x68: {  	_ =	shalt  }
0x69: {  	_ =	shalt  }
0x6a: {  	_ =	shalt  }
0x6b: {  	_ =	shalt  }
0x6c: {  	_ =	shalt  }
0x6d: {  	_ =	shalt  }
0x6e: {  	_ =	shalt  }
0x6f: {  	_ =	shalt  }
0x70: {  	_ =	shalt  }
0x71: {  	_ =	shalt  }
0x72: {  	_ =	shalt  }
0x73: {  	_ =	shalt  }
0x74: {  	_ =	shalt  }
0x75: {  	_ =	shalt  }
0x76: {  	_ =	shalt  }
0x77: {  	_ =	shalt  }
0x78: {  	_ =	shalt  }
0x79: {  	_ =	shalt  }
0x7a: {  	_ =	shalt  }
0x7b: {  	_ =	shalt  }
0x7c: {  	_ =	shalt  }
0x7d: {  	_ =	shalt  }
0x7e: {  	_ =	shalt  }
0x7f: {  	_ =	shalt  }
0x80: {  	_ =	shalt  }
0x81: {  	_ =	shalt  }
0x82: {  	_ =	shalt  }
0x83: {  	_ =	shalt  }
0x84: {  	_ =	shalt  }
0x85: {  	_ =	shalt  }
0x86: {  	_ =	shalt  }
0x87: {  	_ =	shalt  }
.Lfunc_end0:
.L_simem_size_0:
called_computation.2_lowered:
.L_overlay_start_0:
0x88: {  	s2 =	sld [smem:$0x3FD9]  }
0x89: {  	s3 =	sld [smem:$0x3FFE];
	_ =	sdelay $0x1  }
0x8a: {  	s1 =	srdreg.scid  }
0x8b: {  	s0 =	sand.u32 $0x1, s1  }
0x8c: {  	s17 =	sshll.u32 s0, $0xA;
	s2 =	sadd.s32 s3, s2  }
0x8d: {  	s2 =	sadd.s32 s2, s17  }
0x8e: {  	[smem:$0x3FC2] =	sst s2  }
0x8f: {  	_ = 	snop  }
0x90: {  	s2 =	sld [smem:$0x3FD0];
	(tm) =	ssettm $0x1  }
0x91: {  	s18 =	sld [smem:$0x3FFB];
	_ =	sdelay $0x3  }
0x92: {  	_ =	strace s18  }
0x93: {  	s3 =	sld [smem:$0x3FFC];
	_ =	sdelay $0x3  }
0x94: {  	_ =	strace s3  }
0x95: {  	s3 =	sld [smem:$0x3FFD];
	_ =	sdelay $0x3  }
0x96: {  	_ =	strace s3  }
0x97: {  	_ =	strace $0x8FFFFFFF  }
0x98: {  	s19 =	sld [smem:$0x3FDB];
	_ =	sdelay $0x1  }
0x99: {  	s4 =	simm.s32 $_scs_section_size  }
0x9a: {  	s5 =	simm.s32 $_size__tile_overlayer_lowered;
	s6 =	simm.s32 $_tile_overlayer_lowered  }
0x9b: {  	s22 =	simm.s32 $0x1BFF;
	s21 =	sshll.u32 s6, $0x1;
	s3 =	sadd.s32 s4, s19  }
0x9c: {  	s7 =	simm.s32 $0x0;
	s20 =	sshll.u32 s5, $0x1;
	s5 =	sadd.s32 s21, s3  }
0x9d: {  	[timem:s7], [sflag:s22] =	dma.local [hbm:s5], s20  }
0x9e: {  	_ =	swait.ge [sflag:s22], s20  }
0x9f: {  	s4 =	ssub.s32 $0x0, s20;
	[sflag:s22] =	ssyncset.done $0x0  }
0xa0: {  	[sflag:s22] =	ssyncadd.s32 s4;
	_ =	sdelay $0x1  }
0xa1: {  	s23 =	simm.s32 $0x1B8B  }
0xa2: {  	_ =	swait.ge [sflag:s23], $0x1  }
0xa3: {  	[sflag:s23] =	ssyncset.done $0x0  }
0xa4: {  	s25 =	simm.s32 $0x1B8E;
	s24 =	sld [smem:$0x3FFE];
	[sflag:s23] =	ssyncadd.s32 $0xFFFFFFFF  }
0xa5: {  	s26 =	simm.s32 $execute0_lowered;
	[smem:$0x3FD2] =	sst s25  }
0xa6: {  	s5 =	sshll.u32 s26, $0x1;
	_ =	strace $0x8000004C;
	[dreg:$0x1] =	wrdreg $0xFFFFFFFF  }
0xa7: {  	s28 =	simm.s32 $_size_execute0_lowered;
	s3 =	sadd.s32 s3, s5;
	[dreg:$0x0] =	wrdreg $0x0  }
0xa8: {  	s5 =	sshll.u32 s28, $0x1;
	[dreg:$0x2] =	wrdreg s3  }
0xa9: {  	[dreg:$0x3] =	wrdreg s5  }
0xaa: {  	[dreg:$0x4] =	wrdreg $0xC0  }
0xab: {  	_ =	task [dreg:s7], $0x5FFFF  }
0xac: {  	[dreg:$0x1] =	wrdreg $0xFFFFFFFF  }
0xad: {  	[dreg:$0x0] =	wrdreg $0x60  }
0xae: {  	[dreg:$0x2] =	wrdreg s2  }
0xaf: {  	[dreg:$0x3] =	wrdreg s24  }
0xb0: {  	[dreg:$0x4] =	wrdreg $0x92000  }
0xb1: {  	[dreg:$0x5] =	wrdreg $0x9  }
0xb2: {  	_ =	task.clear_ibuf [dreg:s7], $0x6FFFF;
	_ =	strace $0x9000004C  }
0xb3: {  	s29 =	simm.s32 $0x9;
	_ =	strace $0x8000004E  }
0xb4: {  	_ =	swait.ge [sflag:s29], $0x1  }
0xb5: {  	[sflag:s29] =	ssyncadd.s32 $0xFFFFFFFF  }
0xb6: {  	_ =	strace $0x9000004E  }
0xb7: {  	_ =	sfence  }
0xb8: {  	s30 =	sld [smem:$0x0];
	_ =	sdelay $0x2  }
0xb9: {  	s31 =	sshll.u32 s1, $0xD;
	s1 =	sshrl.u32 s1, $0x2  }
0xba: {  	s3 =	sand.u32 $0x4000, s31;
	s1 =	sadd.s32 s1, s30  }
0xbb: {  	s0 =	sor.u32 s3, s0;
	s1 =	sshll.u32 s1, $0x11  }
0xbc: {  	s0 =	sor.u32 s1, s0  }
0xbd: {  	s0 =	sadd.s32 $0x8F2B, s0  }
0xbe: {  	[sflag:s0] =	ssyncadd.remote.s32 $0x1  }
0xbf: {  	_ =	sfence.sel $0xFFFF  }
0xc0: {  	[dreg:$0x0] =	wrdreg $0xFFFFFFFF;
	(pc) =	sbr.abs _section_cstart, $3  }
0xc1: {  	[dreg:$0x1] =	wrdreg $0xFFFFFFFF  }
0xc2: {  	_ =	task.clear_ibuf [dreg:s7], $0x2FFFF;
	_ =	strace $0x9FFFFFFF  }
0xc3: {  	(tm) =	ssettm $0x7FFFFFFF  }
tec
execute0_lowered:
.L_overlay_start_1:
0x0: {  	(tag) =	ssettag $0x1  }
0x1: {  	s1 =	rddreg [dreg:$0x0]  }
0x2: {  	s0 =	rddreg [dreg:$0x1]  }
0x3: {  	s2 =	rddreg [dreg:$0x2]  }
0x4: {  	s3 =	simm.s32 $0x0;
	s4 =	srdreg.scid;
	s20 =	stileid.u32  }
0x5: {  	s29 =	simm.s32 $0x5200;
	s30 =	simm.s32 $0x3;
	s31 =	simm.s32 $0x100  }
0x6: {  	[smem:$0x7FF] =	sst s3;
	s5 =	sadd.s32 $0x1A00, s0;
	s4 =	sand.u32 $0x1, s4  }
0x7: {  	s6 =	sadd.s32 $0xB800, s0;
	s8 =	smul.u32 $0x50000, s20;
	s9 =	sadd.s32 $0x15600, s0  }
0x8: {  	s0 =	sadd.s32 $0x15E00, s0;
	s13 =	smul.u32 $0x14000, s20;
	_ =	strace $0x8000004D  }
0x9: {  	s7 =	ssub.s32 $0x2, s4;
	[dreg:$0x4] =	wrdreg s9;
	s19 =	smul.u32 $0x140000, s4  }
0xa: {  	s10 =	sshll.u32 s4, $0x4;
	s4 =	smul.u32 $0x27100, s4;
	s22 =	sshrl.u32 s7, $0x1  }
0xb: {  	s8 =	sshrl.u32 s8, $0x2;
	s23 =	sor.u32 s20, s10;
	s14 =	sadd.s32 $0x4000, s13  }
0xc: {  	s15 =	sadd.s32 $0x8000, s13;
	s16 =	sadd.s32 $0xC000, s13;
	s17 =	sadd.s32 $0x10000, s13  }
0xd: {  	s20 =	smul.u32 $0x2710, s20;
	s7 =	ssub.s32 s7, s22;
	s8 =	sadd.s32 s8, s2  }
0xe: {  	s11 =	smul.u32 $0x2710, s23;
	s9 =	sadd.s32 s14, s2;
	s10 =	sadd.s32 s15, s2  }
0xf: {  	s12 =	sadd.s32 s17, s2;
	s13 =	sadd.s32 s13, s19;
	s14 =	sadd.s32 s19, s14  }
0x10: {  	s15 =	sadd.s32 s19, s15;
	s17 =	sadd.s32 s19, s17;
	s4 =	sadd.s32 s20, s4  }
0x11: {  	s13 =	sshrl.u32 s13, $0x3;
	s14 =	sshrl.u32 s14, $0x3;
	s22 =	sshrl.u32 s15, $0x3  }
0x12: {  	s15 =	simm.s32 $0x1;
	s18 =	sshrl.u32 s11, $0x3;
	s11 =	sadd.s32 s16, s2  }
0x13: {  	s16 =	sadd.s32 s19, s16;
	s13 =	sadd.s32 s0, s13;
	s28 =	sadd.s32 $0xA0, s4  }
0x14: {  	s21 =	sadd.s32 s5, s18;
	s24 =	sadd.s32 s6, s18;
	s25 =	sadd.s32 $0xA, s18  }
0x15: {  	s18 =	sadd.s32 $0x4D8, s18;
	[dreg:$0x9] =	wrdreg s13;
	s13 =	sadd.s32 s0, s22  }
0x16: {  	s23 =	sshrl.u32 s16, $0x3;
	s16 =	simm.s32 $0x2;
	[dreg:$0x5] =	wrdreg s21  }
0x17: {  	[dreg:$0x6] =	wrdreg s24;
	s26 =	sadd.s32 s5, s25;
	s19 =	sadd.s32 s6, s25  }
0x18: {  	s21 =	sadd.s32 s0, s14;
	[dreg:$0xb] =	wrdreg s13;
	s24 =	sshrl.u32 s17, $0x3  }
0x19: {  	s13 =	sadd.s32 s0, s23;
	s25 =	sadd.s32 $0xF0, s4;
	[dreg:$0x7] =	wrdreg s26  }
0x1a: {  	s23 =	sadd.s32 s6, s18;
	s4 =	simm.s32 $0x180;
	[dreg:$0x8] =	wrdreg s19  }
0x1b: {  	s14 =	simm.s32 $0x2A00;
	s17 =	simm.s32 $0x0;
	[dreg:$0xa] =	wrdreg s21  }
0x1c: {  	[dreg:$0xc] =	wrdreg s13;
	s0 =	sadd.s32 s0, s24;
	s26 =	sadd.s32 s5, s18  }
0x1d: {  	s24 =	smax.u32 s7, $0x1;
	s7 =	simm.s32 $0x50;
	[dreg:$0xd] =	wrdreg s0  }
0x1e: {  	s13 =	simm.s32 $0x200;
	[dreg:$0xe] =	wrdreg s26;
	s0 =	sshrl.u32 s25, $0x3  }
0x1f: {  	s25 =	sadd.s32 s0, s6;
	s26 =	sadd.s32 s0, s5;
	s0 =	simm.s32 $0x80  }
.LBB2_1:
0x20: {  	s18 =	rddreg [dreg:$0x4]  }
0x21: {  	[tilespmem:s29], [sflag:$0x3] =	stream.linear.gather [hbm4b:s18+s3], $0x4000, $0x38;
	[tilespmem:$0x1D200] =	vst v63  }
0x22: {  	_ =	swait.ge [sflag:s30], $0x4000  }
0x23: {  	[sflag:s30] =	ssyncset.done $0x0  }
0x24: {  	[sflag:s30] =	ssyncadd.s32 $0xFFFFC000  }
0x25: {  	[spmem:s8] =	stream.linear.scatter [tilespmem:s29], [sflag:$0x3], $0x4000, $0x38;
	[tilespmem:$0x1D200] =	vst v63  }
0x26: {  	_ =	swait.ge [sflag:s30], $0x4000  }
0x27: {  	[sflag:s30] =	ssyncset.done $0x0  }
0x28: {  	[sflag:s30] =	ssyncadd.s32 $0xFFFFC000  }
0x29: {  	[spmem:s9] =	stream.linear.scatter [tilespmem:s29], [sflag:$0x3], $0x4000, $0x38;
	[tilespmem:$0x1D200] =	vst v63  }
0x2a: {  	_ =	swait.ge [sflag:s30], $0x4000  }
0x2b: {  	[sflag:s30] =	ssyncset.done $0x0  }
0x2c: {  	[sflag:s30] =	ssyncadd.s32 $0xFFFFC000  }
0x2d: {  	[spmem:s10] =	stream.linear.scatter [tilespmem:s29], [sflag:$0x3], $0x4000, $0x38;
	[tilespmem:$0x1D200] =	vst v63  }
0x2e: {  	_ =	swait.ge [sflag:s30], $0x4000  }
0x2f: {  	[sflag:s30] =	ssyncset.done $0x0  }
0x30: {  	[sflag:s30] =	ssyncadd.s32 $0xFFFFC000  }
0x31: {  	[spmem:s11] =	stream.linear.scatter [tilespmem:s29], [sflag:$0x3], $0x4000, $0x38;
	[tilespmem:$0x1D200] =	vst v63  }
0x32: {  	_ =	swait.ge [sflag:s30], $0x4000  }
0x33: {  	[sflag:s30] =	ssyncset.done $0x0  }
0x34: {  	[sflag:s30] =	ssyncadd.s32 $0xFFFFC000  }
0x35: {  	[spmem:s12] =	stream.linear.scatter [tilespmem:s29], [sflag:$0x3], $0x4000, $0x38;
	[tilespmem:$0x1D200] =	vst v63  }
0x36: {  	_ =	swait.ge [sflag:s30], $0x4000  }
0x37: {  	[sflag:s30] =	ssyncset.done $0x0  }
0x38: {  	s20 =	rddreg [dreg:$0x5];
	[sflag:s30] =	ssyncadd.s32 $0xFFFFC000  }
0x39: {  	[tilespmem:s3], [sflag:$0x3] =	stream.linear.gather [hbm4b:s20+s3], $0x50, $0x38;
	[tilespmem:$0x1D200] =	vst v63  }
0x3a: {  	_ =	swait.ge [sflag:s30], $0x50  }
0x3b: {  	[sflag:s30] =	ssyncset.done $0x0  }
0x3c: {  	s21 =	rddreg [dreg:$0x6];
	[sflag:s30] =	ssyncadd.s32 $0xFFFFFFB0  }
0x3d: {  	[tilespmem:s31], [sflag:$0x3] =	stream.linear.gather [hbm4b:s21+s3], $0x50, $0x38;
	[tilespmem:$0x1D200] =	vst v63  }
0x3e: {  	_ =	swait.ge [sflag:s30], $0x50  }
0x3f: {  	[sflag:s30] =	ssyncset.done $0x0  }
0x40: {  	s22 =	rddreg [dreg:$0x7];
	[sflag:s30] =	ssyncadd.s32 $0xFFFFFFB0  }
0x41: {  	[tilespmem:s0], [sflag:$0x3] =	stream.linear.gather [hbm4b:s22+s3], $0x50, $0x38;
	[tilespmem:$0x1D200] =	vst v63  }
0x42: {  	_ =	swait.ge [sflag:s30], $0x50  }
0x43: {  	[sflag:s30] =	ssyncset.done $0x0  }
0x44: {  	s19 =	rddreg [dreg:$0x8];
	[sflag:s30] =	ssyncadd.s32 $0xFFFFFFB0  }
0x45: {  	[tilespmem:s4], [sflag:$0x3] =	stream.linear.gather [hbm4b:s19+s3], $0x50, $0x38;
	[tilespmem:$0x1D200] =	vst v63  }
0x46: {  	_ =	swait.ge [sflag:s30], $0x50  }
0x47: {  	[sflag:s30] =	ssyncset.done $0x0  }
0x48: {  	[sflag:s30] =	ssyncadd.s32 $0xFFFFFFB0  }
0x49: {  	[bflag:$0x0] =	sbarrier.arrive $0xFFFF  }
0x4a: {  	[tilespmem:s13], [sflag:$0x1] =	stream.indirect.gather [hbm4b:s1+s7], $0x80, s3, s7, $0xb8;
	[tilespmem:$0x1D200] =	vst v63  }
0x4b: {  	_ = 	snop  }
0x4c: {  	[tilespmem:s14], [sflag:$0x2] =	stream.indirect.gather [hbm4b:s1+s7], $0x80, s0, s7, $0xb8;
	[tilespmem:$0x1D200] =	vst v63  }
0x4d: {  	_ =	swait.ge [sflag:s15], $0x2800  }
0x4e: {  	[sflag:s15] =	ssyncset.done $0x0  }
0x4f: {  	[sflag:s15] =	ssyncadd.s32 $0xFFFFD800  }
0x50: {  	[spmem:s2] =	stream.indirect.scatter.add.f32 [tilespmem:s13], [sflag:$0x3], $0x80, s31, s7, $0xb8;
	[tilespmem:$0x1D200] =	vst v63  }
0x51: {  	_ =	swait.ge [sflag:s30], $0x2800  }
0x52: {  	s20 =	sshrl.u32 s28, $0x3;
	[sflag:s30] =	ssyncset.done $0x0  }
0x53: {  	s19 =	sadd.s32 s5, s20;
	[sflag:s30] =	ssyncadd.s32 $0xFFFFD800  }
0x54: {  	[tilespmem:s3], [sflag:$0x3] =	stream.linear.gather [hbm4b:s19+s3], $0x50, $0x38;
	[tilespmem:$0x1D200] =	vst v63  }
0x55: {  	_ =	swait.ge [sflag:s30], $0x50  }
0x56: {  	[sflag:s30] =	ssyncset.done $0x0  }
0x57: {  	s18 =	sadd.s32 s6, s20;
	[sflag:s30] =	ssyncadd.s32 $0xFFFFFFB0  }
0x58: {  	[tilespmem:s31], [sflag:$0x3] =	stream.linear.gather [hbm4b:s18+s3], $0x50, $0x38;
	[tilespmem:$0x1D200] =	vst v63  }
0x59: {  	_ =	swait.ge [sflag:s30], $0x50  }
0x5a: {  	[sflag:s30] =	ssyncset.done $0x0  }
0x5b: {  	[sflag:s30] =	ssyncadd.s32 $0xFFFFFFB0  }
0x5c: {  	[tilespmem:s13], [sflag:$0x1] =	stream.indirect.gather [hbm4b:s1+s7], $0x80, s3, s7, $0xb8;
	[tilespmem:$0x1D200] =	vst v63  }
0x5d: {  	_ =	swait.ge [sflag:s16], $0x2800  }
0x5e: {  	[sflag:s16] =	ssyncset.done $0x0  }
0x5f: {  	[sflag:s16] =	ssyncadd.s32 $0xFFFFD800  }
0x60: {  	[spmem:s2] =	stream.indirect.scatter.add.f32 [tilespmem:s14], [sflag:$0x3], $0x80, s4, s7, $0xb8;
	[tilespmem:$0x1D200] =	vst v63  }
0x61: {  	_ =	swait.ge [sflag:s30], $0x2800  }
0x62: {  	[sflag:s30] =	ssyncset.done $0x0  }
0x63: {  	s21 =	sadd.s32 $0x0, s26;
	[sflag:s30] =	ssyncadd.s32 $0xFFFFD800  }
0x64: {  	[tilespmem:s0], [sflag:$0x3] =	stream.linear.gather [hbm4b:s21+s3], $0x50, $0x38;
	[tilespmem:$0x1D200] =	vst v63  }
0x65: {  	_ =	swait.ge [sflag:s30], $0x50  }
0x66: {  	[sflag:s30] =	ssyncset.done $0x0  }
0x67: {  	s22 =	sadd.s32 $0x0, s25;
	[sflag:s30] =	ssyncadd.s32 $0xFFFFFFB0  }
0x68: {  	[tilespmem:s4], [sflag:$0x3] =	stream.linear.gather [hbm4b:s22+s3], $0x50, $0x38;
	[tilespmem:$0x1D200] =	vst v63  }
0x69: {  	_ =	swait.ge [sflag:s30], $0x50  }
0x6a: {  	[sflag:s30] =	ssyncset.done $0x0  }
0x6b: {  	s19 =	sadd.s32 $0xA0, s28;
	s18 =	simm.s32 $0x14;
	[sflag:s30] =	ssyncadd.s32 $0xFFFFFFB0  }
.LBB2_2:
0x6c: {  	[tilespmem:s14], [sflag:$0x2] =	stream.indirect.gather [hbm4b:s1+s7], $0x80, s0, s7, $0xb8;
	[tilespmem:$0x1D200] =	vst v63  }
0x6d: {  	s20 =	smov.u32 s18  }
0x6e: {  	p0 =	sne.s32 s18, $0x4B0;
	s18 =	sadd.s32 $0x14, s18;
	_ =	swait.ge [sflag:s15], $0x2800  }
0x6f: {  	[sflag:s15] =	ssyncset.done $0x0  }
0x70: {  	[sflag:s15] =	ssyncadd.s32 $0xFFFFD800  }
0x71: {  	[spmem:s2] =	stream.indirect.scatter.add.f32 [tilespmem:s13], [sflag:$0x3], $0x80, s31, s7, $0xb8;
	[tilespmem:$0x1D200] =	vst v63  }
0x72: {  	_ =	swait.ge [sflag:s30], $0x2800  }
0x73: {  	s21 =	sshrl.u32 s19, $0x3;
	[sflag:s30] =	ssyncset.done $0x0  }
0x74: {  	s22 =	sadd.s32 s5, s21;
	[sflag:s30] =	ssyncadd.s32 $0xFFFFD800  }
0x75: {  	[tilespmem:s3], [sflag:$0x3] =	stream.linear.gather [hbm4b:s22+s3], $0x50, $0x38;
	[tilespmem:$0x1D200] =	vst v63  }
0x76: {  	_ =	swait.ge [sflag:s30], $0x50  }
0x77: {  	[sflag:s30] =	ssyncset.done $0x0  }
0x78: {  	s21 =	sadd.s32 s6, s21;
	[sflag:s30] =	ssyncadd.s32 $0xFFFFFFB0  }
0x79: {  	[tilespmem:s31], [sflag:$0x3] =	stream.linear.gather [hbm4b:s21+s3], $0x50, $0x38;
	[tilespmem:$0x1D200] =	vst v63  }
0x7a: {  	_ =	swait.ge [sflag:s30], $0x50  }
0x7b: {  	[sflag:s30] =	ssyncset.done $0x0  }
0x7c: {  	[sflag:s30] =	ssyncadd.s32 $0xFFFFFFB0  }
0x7d: {  	[tilespmem:s13], [sflag:$0x1] =	stream.indirect.gather [hbm4b:s1+s7], $0x80, s3, s7, $0xb8;
	[tilespmem:$0x1D200] =	vst v63  }
0x7e: {  	_ =	swait.ge [sflag:s16], $0x2800  }
0x7f: {  	[sflag:s16] =	ssyncset.done $0x0  }
0x80: {  	[sflag:s16] =	ssyncadd.s32 $0xFFFFD800  }
0x81: {  	[spmem:s2] =	stream.indirect.scatter.add.f32 [tilespmem:s14], [sflag:$0x3], $0x80, s4, s7, $0xb8;
	[tilespmem:$0x1D200] =	vst v63  }
0x82: {  	_ =	swait.ge [sflag:s30], $0x2800  }
0x83: {  	[sflag:s30] =	ssyncset.done $0x0  }
0x84: {  	s21 =	sadd.s32 s20, s26;
	[sflag:s30] =	ssyncadd.s32 $0xFFFFD800  }
0x85: {  	[tilespmem:s0], [sflag:$0x3] =	stream.linear.gather [hbm4b:s21+s3], $0x50, $0x38;
	[tilespmem:$0x1D200] =	vst v63  }
0x86: {  	_ =	swait.ge [sflag:s30], $0x50  }
0x87: {  	[sflag:s30] =	ssyncset.done $0x0  }
.Ltmp0:
0x88: {  	s20 =	sadd.s32 s20, s25;
	[sflag:s30] =	ssyncadd.s32 $0xFFFFFFB0;
	(pc) =	sbr.rel @p0 .LBB2_2-.Ltmp0, $4  }
0x89: {  	[tilespmem:s4], [sflag:$0x3] =	stream.linear.gather [hbm4b:s20+s3], $0x50, $0x38;
	[tilespmem:$0x1D200] =	vst v63  }
0x8a: {  	_ =	swait.ge [sflag:s30], $0x50  }
0x8b: {  	[sflag:s30] =	ssyncset.done $0x0  }
0x8c: {  	s19 =	sadd.s32 $0xA0, s19;
	[sflag:s30] =	ssyncadd.s32 $0xFFFFFFB0  }
0x8d: {  	[tilespmem:s14], [sflag:$0x2] =	stream.indirect.gather [hbm4b:s1+s7], $0x80, s0, s7, $0xb8;
	[tilespmem:$0x1D200] =	vst v63  }
0x8e: {  	_ =	swait.ge [sflag:s15], $0x2800  }
0x8f: {  	[sflag:s15] =	ssyncset.done $0x0  }
0x90: {  	[sflag:s15] =	ssyncadd.s32 $0xFFFFD800  }
0x91: {  	[spmem:s2] =	stream.indirect.scatter.add.f32 [tilespmem:s13], [sflag:$0x3], $0x80, s31, s7, $0xb8;
	[tilespmem:$0x1D200] =	vst v63  }
0x92: {  	_ =	swait.ge [sflag:s30], $0x2800  }
0x93: {  	[sflag:s30] =	ssyncset.done $0x0  }
0x94: {  	s18 =	rddreg [dreg:$0xe];
	[sflag:s30] =	ssyncadd.s32 $0xFFFFD800  }
0x95: {  	[tilespmem:s3], [sflag:$0x3] =	stream.linear.gather [hbm4b:s18+s3], $0x50, $0x38;
	[tilespmem:$0x1D200] =	vst v63  }
0x96: {  	_ =	swait.ge [sflag:s30], $0x50  }
0x97: {  	[sflag:s30] =	ssyncset.done $0x0  }
0x98: {  	[sflag:s30] =	ssyncadd.s32 $0xFFFFFFB0  }
0x99: {  	[tilespmem:s31], [sflag:$0x3] =	stream.linear.gather [hbm4b:s23+s3], $0x50, $0x38;
	[tilespmem:$0x1D200] =	vst v63  }
0x9a: {  	_ =	swait.ge [sflag:s30], $0x50  }
0x9b: {  	[sflag:s30] =	ssyncset.done $0x0  }
0x9c: {  	[sflag:s30] =	ssyncadd.s32 $0xFFFFFFB0  }
0x9d: {  	[tilespmem:s13], [sflag:$0x1] =	stream.indirect.gather [hbm4b:s1+s7], $0x80, s3, s7, $0xb8;
	[tilespmem:$0x1D200] =	vst v63  }
0x9e: {  	_ =	swait.ge [sflag:s16], $0x2800  }
0x9f: {  	[sflag:s16] =	ssyncset.done $0x0  }
0xa0: {  	[sflag:s16] =	ssyncadd.s32 $0xFFFFD800  }
0xa1: {  	[spmem:s2] =	stream.indirect.scatter.add.f32 [tilespmem:s14], [sflag:$0x3], $0x80, s4, s7, $0xb8;
	[tilespmem:$0x1D200] =	vst v63  }
0xa2: {  	_ =	swait.ge [sflag:s30], $0x2800  }
0xa3: {  	[sflag:s30] =	ssyncset.done $0x0  }
0xa4: {  	[sflag:s30] =	ssyncadd.s32 $0xFFFFD800  }
0xa5: {  	_ =	swait.ge [sflag:s15], $0x2800  }
0xa6: {  	[sflag:s15] =	ssyncset.done $0x0  }
0xa7: {  	[sflag:s15] =	ssyncadd.s32 $0xFFFFD800  }
0xa8: {  	[spmem:s2] =	stream.indirect.scatter.add.f32 [tilespmem:s13], [sflag:$0x3], $0x80, s31, s7, $0xb8;
	[tilespmem:$0x1D200] =	vst v63  }
0xa9: {  	_ =	swait.ge [sflag:s30], $0x2800  }
0xaa: {  	[sflag:s30] =	ssyncset.done $0x0  }
0xab: {  	[sflag:s30] =	ssyncadd.s32 $0xFFFFD800  }
0xac: {  	[bflag:$0x0] =	sbarrier.arrive $0xFFFF  }
0xad: {  	[tilespmem:s29], [sflag:$0x3] =	stream.linear.gather [spmem:s8], $0x4000, $0x38;
	[tilespmem:$0x1D200] =	vst v63  }
0xae: {  	_ =	swait.ge [sflag:s30], $0x4000  }
0xaf: {  	[sflag:s30] =	ssyncset.done $0x0  }
0xb0: {  	s22 =	rddreg [dreg:$0x9];
	[sflag:s30] =	ssyncadd.s32 $0xFFFFC000  }
0xb1: {  	[hbm4b:s22+s3] =	stream.linear.scatter [tilespmem:s29], [sflag:$0x3], $0x4000, $0x38;
	[tilespmem:$0x1D200] =	vst v63  }
0xb2: {  	_ =	swait.ge [sflag:s30], $0x4000  }
0xb3: {  	[sflag:s30] =	ssyncset.done $0x0  }
0xb4: {  	[sflag:s30] =	ssyncadd.s32 $0xFFFFC000  }
0xb5: {  	[tilespmem:s29], [sflag:$0x3] =	stream.linear.gather [spmem:s9], $0x4000, $0x38;
	[tilespmem:$0x1D200] =	vst v63  }
0xb6: {  	_ =	swait.ge [sflag:s30], $0x4000  }
0xb7: {  	[sflag:s30] =	ssyncset.done $0x0  }
0xb8: {  	s19 =	rddreg [dreg:$0xa];
	[sflag:s30] =	ssyncadd.s32 $0xFFFFC000  }
0xb9: {  	[hbm4b:s19+s3] =	stream.linear.scatter [tilespmem:s29], [sflag:$0x3], $0x4000, $0x38;
	[tilespmem:$0x1D200] =	vst v63  }
0xba: {  	_ =	swait.ge [sflag:s30], $0x4000  }
0xbb: {  	[sflag:s30] =	ssyncset.done $0x0  }
0xbc: {  	[sflag:s30] =	ssyncadd.s32 $0xFFFFC000  }
0xbd: {  	[tilespmem:s29], [sflag:$0x3] =	stream.linear.gather [spmem:s10], $0x4000, $0x38;
	[tilespmem:$0x1D200] =	vst v63  }
0xbe: {  	_ =	swait.ge [sflag:s30], $0x4000  }
0xbf: {  	[sflag:s30] =	ssyncset.done $0x0  }
0xc0: {  	s20 =	rddreg [dreg:$0xb];
	[sflag:s30] =	ssyncadd.s32 $0xFFFFC000  }
0xc1: {  	[hbm4b:s20+s3] =	stream.linear.scatter [tilespmem:s29], [sflag:$0x3], $0x4000, $0x38;
	[tilespmem:$0x1D200] =	vst v63  }
0xc2: {  	_ =	swait.ge [sflag:s30], $0x4000  }
0xc3: {  	[sflag:s30] =	ssyncset.done $0x0  }
0xc4: {  	[sflag:s30] =	ssyncadd.s32 $0xFFFFC000  }
0xc5: {  	[tilespmem:s29], [sflag:$0x3] =	stream.linear.gather [spmem:s11], $0x4000, $0x38;
	[tilespmem:$0x1D200] =	vst v63  }
0xc6: {  	_ =	swait.ge [sflag:s30], $0x4000  }
0xc7: {  	[sflag:s30] =	ssyncset.done $0x0  }
0xc8: {  	s21 =	rddreg [dreg:$0xc];
	[sflag:s30] =	ssyncadd.s32 $0xFFFFC000  }
0xc9: {  	[hbm4b:s21+s3] =	stream.linear.scatter [tilespmem:s29], [sflag:$0x3], $0x4000, $0x38;
	[tilespmem:$0x1D200] =	vst v63  }
0xca: {  	_ =	swait.ge [sflag:s30], $0x4000  }
0xcb: {  	[sflag:s30] =	ssyncset.done $0x0  }
0xcc: {  	[sflag:s30] =	ssyncadd.s32 $0xFFFFC000  }
0xcd: {  	[tilespmem:s29], [sflag:$0x3] =	stream.linear.gather [spmem:s12], $0x4000, $0x38;
	[tilespmem:$0x1D200] =	vst v63  }
0xce: {  	s17 =	sadd.s32 $0x1, s17;
	_ =	swait.ge [sflag:s30], $0x4000  }
0xcf: {  	p0 =	sne.s32 s17, s24;
	[sflag:s30] =	ssyncset.done $0x0  }
.Ltmp1:
0xd0: {  	s22 =	rddreg [dreg:$0xd];
	[sflag:s30] =	ssyncadd.s32 $0xFFFFC000;
	(pc) =	sbr.rel @p0 .LBB2_1-.Ltmp1, $4  }
0xd1: {  	[hbm4b:s22+s3] =	stream.linear.scatter [tilespmem:s29], [sflag:$0x3], $0x4000, $0x38;
	[tilespmem:$0x1D200] =	vst v63  }
0xd2: {  	_ =	swait.ge [sflag:s30], $0x4000  }
0xd3: {  	[sflag:s30] =	ssyncset.done $0x0  }
0xd4: {  	[sflag:s30] =	ssyncadd.s32 $0xFFFFC000  }
0xd5: {  	_ =	sfence.sel $0x180000  }
0xd6: {  	[bflag:$0x0] =	sbarrier.arrive $0xFFFF  }
0xd7: {  	_ =	strace $0x9000004D  }
0xd8: {  	s0 =	stileid.u32;
	[bflag:$0x2] =	sbarrier.arrive $0xFFFF  }
0xd9: {  	p0 =	sne.s32 s0, $0x0;
	s0 =	rddreg [dreg:$0x3]  }
0xda: {  	s0 =	sadd.s32 @!p0 $0x100000, s0  }
0xdb: {  	[sflag:s0] =	ssyncadd.tile.s32 @!p0 $0x1;
	_ =	shalt  }
.Lfunc_end2:
_tile_overlayer_lowered:
.L_overlay_start_2:
0xdc: {  	(tag) =	ssettag $0x2  }
0xdd: {  	s0 =	rddreg [dreg:$0x0];
	s2 =	stileid.u32  }
0xde: {  	s1 =	rddreg [dreg:$0x1];
	p0 =	sne.s32 s2, $0x0  }
0xdf: {  	s3 =	rddreg [dreg:$0x2];
	[bflag:$0x3] =	sbarrier.arrive $0xFFFF;
	s2 =	simm.s32 @!p0 $0x1C03  }
0xe0: {  	[timem:s3], [sflag:s2] =	dma.local @!p0 [hbm:s0], s1  }
0xe1: {  	s0 =	simm.s32 @!p0 $0x3  }
0xe2: {  	_ =	swait.ge @!p0 [sflag:s0], s1  }
0xe3: {  	s1 =	ssub.s32 @!p0 $0x0, s1;
	[sflag:s0] =	ssyncset.done @!p0 $0x0  }
0xe4: {  	[sflag:s0] =	ssyncadd.s32 @!p0 s1  }
0xe5: {  	[bflag:$0x3] =	sbarrier.arrive $0xFFFF  }
0xe6: {  	_ =	shalt  }

// kernel: _run.8.cloned.1.call-start
scs
__scs_entry_jumppad:
0x0: {  	(pc) =	sbr.rel $0x88, $3  }
0x1: {  	(tag) =	ssettag $0x0;
	lr =	simm.s32 $0x1  }
0x2: {  	[smem:$0x3F9B] =	sst lr;
	_ =	strace $0xD0000000  }
0x3: {  	_ = 	snop  }
0x4: {  	_ = 	snop  }
0x5: {  	_ = 	snop  }
0x6: {  	_ = 	snop  }
0x7: {  	_ = 	snop  }
__scs_overlays_trampoline_lowered:
0x8: {  	[smem:$0x3FAA] =	sst s0  }
0x9: {  	[smem:$0x3FAB] =	sst s1  }
0xa: {  	[smem:$0x3FAC] =	sst s2  }
0xb: {  	[smem:$0x3FAD] =	sst s3  }
0xc: {  	[smem:$0x3FAE] =	sst s4  }
0xd: {  	[smem:$0x3FAF] =	sst s5  }
0xe: {  	[smem:$0x3FB0] =	sst s6  }
0xf: {  	[smem:$0x3FB1] =	sst s7  }
0x10: {  	[smem:$0x3FB2] =	sst s8  }
0x11: {  	[smem:$0x3FB3] =	sst s9;
	s0 =	simm.s32 @!p0 $0x0  }
0x12: {  	s1 =	sld [smem:$0x3F99];
	s0 =	simm.s32 @p0 $0x1  }
0x13: {  	[smem:$0x3FB4] =	sst s0;
	s0 =	simm.s32 @!p1 $0x0  }
0x14: {  	s2 =	sld [smem:$0x3F98];
	s0 =	simm.s32 @p1 $0x1  }
0x15: {  	[smem:$0x3FB5] =	sst s0;
	s0 =	simm.s32 @!p2 $0x0  }
0x16: {  	s3 =	sld [smem:$0x3FDB];
	s0 =	simm.s32 @p2 $0x1  }
0x17: {  	s4 =	simm.s32 $0x1BF5;
	[smem:$0x3FB7] =	sst s0  }
0x18: {  	s0 =	sld [smem:$0x3F9A];
	_ =	swait.ge [sflag:s4], $0x0  }
0x19: {  	s7 =	sld [smem:$0x3F9B]  }
0x1a: {  	s8 =	sadd.s32 $0xFFFFE003, lr  }
0x1b: {  	s9 =	sadd.s32 $0xFFFFFEF7, lr;
	s5 =	simm.s32 $0xFFFFFFFF;
	p2 =	slt.u32 s8, $0xFFFFF086  }
0x1c: {  	p1 =	slt.u32 s9, $0xF7A;
	s5 =	simm.s32 @!p2 $0x0  }
0x1d: {  	s5 =	simm.s32 @p1 $0x1;
	p0 =	seq.s32 s7, s2  }
0x1e: {  	s7 =	smul.u32 @!p0 $0xF7A, s2;
	p2 =	seq.s32 @!p0 s5, $0x0  }
0x1f: {  	s9 =	smul.u32 $0xF7A, s1;
	s8 =	simm.s32 @!p0 $0x1BF5;
	p2 =	por !p2, p0  }
0x20: {  	[sflag:s8] =	ssyncset.s32 @!p0 $0xFFFFF086;
	s6 =	sadd.s32 @!p0 s3, s7;
	s7 =	simm.s32 @!p0 $0x108  }
0x21: {  	s3 =	sadd.s32 s3, s9;
	s6 =	sadd.s32 @!p0 $0x88, s6;
	s7 =	simm.s32 @p2 $0x1082  }
0x22: {  	[simem:s7], [sflag:s8] =	dma.local @!p0 [hbm:s6], $0xF7A  }
0x23: {  	s9 =	sor.u32 $0xD0000000, s2;
	s6 =	simm.s32 $0x108;
	_ =	swait.ge @!p0 [sflag:s8], $0x0  }
0x24: {  	s3 =	sadd.s32 $0x88, s3;
	s6 =	simm.s32 @!p1 $0x1082;
	[sflag:s4] =	ssyncset.s32 $0xFFFFF086  }
0x25: {  	[simem:s6], [sflag:s4] =	dma.local [hbm:s3], $0xF7A  }
0x26: {  	[smem:$0x3F9B] =	sst s1;
	(tag) =	ssettag s2;
	_ =	strace s9  }
0x27: {  	s1 =	sld [smem:$0x3FAB]  }
0x28: {  	s2 =	sld [smem:$0x3FAC]  }
0x29: {  	s4 =	sld [smem:$0x3FAE]  }
0x2a: {  	p0 =	seq.s32 s5, $0x0;
	s5 =	sld [smem:$0x3FAF]  }
0x2b: {  	s6 =	sld [smem:$0x3FB0]  }
0x2c: {  	s7 =	sld [smem:$0x3FB1]  }
0x2d: {  	s3 =	simm.s32 $0x108;
	s8 =	sld [smem:$0x3FB2]  }
0x2e: {  	s3 =	simm.s32 @!p0 $0x1082;
	s9 =	sld [smem:$0x3FB3]  }
0x2f: {  	lr =	sadd.s32 s0, s3;
	s0 =	sld [smem:$0x3FAA]  }
0x30: {  	s3 =	sld [smem:$0x3FAD]  }
0x31: {  	[smem:$0x3FB6] =	sst s10  }
0x32: {  	s10 =	sld [smem:$0x3FB4];
	_ =	sdelay $0x3  }
0x33: {  	p0 =	seq.s32 s10, $0x1;
	s10 =	sld [smem:$0x3FB6];
	_ =	sdelay $0x3  }
0x34: {  	[smem:$0x3FB6] =	sst s10  }
0x35: {  	s10 =	sld [smem:$0x3FB5];
	_ =	sdelay $0x3  }
0x36: {  	p1 =	seq.s32 s10, $0x1;
	s10 =	sld [smem:$0x3FB6];
	_ =	sdelay $0x3  }
0x37: {  	[smem:$0x3FB6] =	sst s10  }
0x38: {  	s10 =	sld [smem:$0x3FB7]  }
0x39: {  	_ = 	snop;
	(pc) =	sbr.ind lr, $3  }
0x3a: {  	_ = 	snop  }
0x3b: {  	_ = 	snop  }
0x3c: {  	p2 =	seq.s32 s10, $0x1;
	s10 =	sld [smem:$0x3FB6]  }
0x3d: {  	_ =	shalt  }
0x3e: {  	_ =	shalt  }
0x3f: {  	_ =	shalt  }
0x40: {  	_ =	shalt  }
0x41: {  	_ =	shalt  }
0x42: {  	_ =	shalt  }
0x43: {  	_ =	shalt  }
0x44: {  	_ =	shalt  }
0x45: {  	_ =	shalt  }
0x46: {  	_ =	shalt  }
0x47: {  	_ =	shalt  }
0x48: {  	_ =	shalt  }
0x49: {  	_ =	shalt  }
0x4a: {  	_ =	shalt  }
0x4b: {  	_ =	shalt  }
0x4c: {  	_ =	shalt  }
0x4d: {  	_ =	shalt  }
0x4e: {  	_ =	shalt  }
0x4f: {  	_ =	shalt  }
0x50: {  	_ =	shalt  }
0x51: {  	_ =	shalt  }
0x52: {  	_ =	shalt  }
0x53: {  	_ =	shalt  }
0x54: {  	_ =	shalt  }
0x55: {  	_ =	shalt  }
0x56: {  	_ =	shalt  }
0x57: {  	_ =	shalt  }
0x58: {  	_ =	shalt  }
0x59: {  	_ =	shalt  }
0x5a: {  	_ =	shalt  }
0x5b: {  	_ =	shalt  }
0x5c: {  	_ =	shalt  }
0x5d: {  	_ =	shalt  }
0x5e: {  	_ =	shalt  }
0x5f: {  	_ =	shalt  }
0x60: {  	_ =	shalt  }
0x61: {  	_ =	shalt  }
0x62: {  	_ =	shalt  }
0x63: {  	_ =	shalt  }
0x64: {  	_ =	shalt  }
0x65: {  	_ =	shalt  }
0x66: {  	_ =	shalt  }
0x67: {  	_ =	shalt  }
0x68: {  	_ =	shalt  }
0x69: {  	_ =	shalt  }
0x6a: {  	_ =	shalt  }
0x6b: {  	_ =	shalt  }
0x6c: {  	_ =	shalt  }
0x6d: {  	_ =	shalt  }
0x6e: {  	_ =	shalt  }
0x6f: {  	_ =	shalt  }
0x70: {  	_ =	shalt  }
0x71: {  	_ =	shalt  }
0x72: {  	_ =	shalt  }
0x73: {  	_ =	shalt  }
0x74: {  	_ =	shalt  }
0x75: {  	_ =	shalt  }
0x76: {  	_ =	shalt  }
0x77: {  	_ =	shalt  }
0x78: {  	_ =	shalt  }
0x79: {  	_ =	shalt  }
0x7a: {  	_ =	shalt  }
0x7b: {  	_ =	shalt  }
0x7c: {  	_ =	shalt  }
0x7d: {  	_ =	shalt  }
0x7e: {  	_ =	shalt  }
0x7f: {  	_ =	shalt  }
0x80: {  	_ =	shalt  }
0x81: {  	_ =	shalt  }
0x82: {  	_ =	shalt  }
0x83: {  	_ =	shalt  }
0x84: {  	_ =	shalt  }
0x85: {  	_ =	shalt  }
0x86: {  	_ =	shalt  }
0x87: {  	_ =	shalt  }
.Lfunc_end0:
.L_simem_size_0:
called_computation_lowered:
.L_overlay_start_0:
0x88: {  	s2 =	sld [smem:$0x3FD9]  }
0x89: {  	s3 =	sld [smem:$0x3FFE];
	_ =	sdelay $0x1  }
0x8a: {  	s1 =	srdreg.scid  }
0x8b: {  	s0 =	sand.u32 $0x1, s1  }
0x8c: {  	s17 =	sshll.u32 s0, $0xA;
	s2 =	sadd.s32 s3, s2  }
0x8d: {  	s2 =	sadd.s32 s2, s17  }
0x8e: {  	[smem:$0x3FC2] =	sst s2  }
0x8f: {  	_ = 	snop  }
0x90: {  	s2 =	sld [smem:$0x3FD0];
	(tm) =	ssettm $0x1  }
0x91: {  	s18 =	sld [smem:$0x3FFB];
	_ =	sdelay $0x3  }
0x92: {  	_ =	strace s18  }
0x93: {  	s3 =	sld [smem:$0x3FFC];
	_ =	sdelay $0x3  }
0x94: {  	_ =	strace s3  }
0x95: {  	s3 =	sld [smem:$0x3FFD];
	_ =	sdelay $0x3  }
0x96: {  	_ =	strace s3  }
0x97: {  	_ =	strace $0x8FFFFFFF  }
0x98: {  	s19 =	sld [smem:$0x3FDB];
	_ =	sdelay $0x1  }
0x99: {  	s4 =	simm.s32 $_scs_section_size  }
0x9a: {  	s5 =	simm.s32 $_size__tile_overlayer_lowered;
	s6 =	simm.s32 $_tile_overlayer_lowered  }
0x9b: {  	s22 =	simm.s32 $0x1BFF;
	s21 =	sshll.u32 s6, $0x1;
	s3 =	sadd.s32 s4, s19  }
0x9c: {  	s7 =	simm.s32 $0x0;
	s20 =	sshll.u32 s5, $0x1;
	s5 =	sadd.s32 s21, s3  }
0x9d: {  	[timem:s7], [sflag:s22] =	dma.local [hbm:s5], s20  }
0x9e: {  	_ =	swait.ge [sflag:s22], s20  }
0x9f: {  	s4 =	ssub.s32 $0x0, s20;
	[sflag:s22] =	ssyncset.done $0x0  }
0xa0: {  	[sflag:s22] =	ssyncadd.s32 s4;
	_ =	sdelay $0x1  }
0xa1: {  	s23 =	simm.s32 $0x1B8B  }
0xa2: {  	_ =	swait.ge [sflag:s23], $0x1  }
0xa3: {  	[sflag:s23] =	ssyncset.done $0x0  }
0xa4: {  	s25 =	simm.s32 $0x1B8E;
	s24 =	sld [smem:$0x3FFE];
	[sflag:s23] =	ssyncadd.s32 $0xFFFFFFFF  }
0xa5: {  	s26 =	simm.s32 $execute0_lowered;
	[smem:$0x3FD2] =	sst s25  }
0xa6: {  	s5 =	sshll.u32 s26, $0x1;
	_ =	strace $0x80000046;
	[dreg:$0x1] =	wrdreg $0xFFFFFFFF  }
0xa7: {  	s28 =	simm.s32 $_size_execute0_lowered;
	s3 =	sadd.s32 s3, s5;
	[dreg:$0x0] =	wrdreg $0x0  }
0xa8: {  	s5 =	sshll.u32 s28, $0x1;
	[dreg:$0x2] =	wrdreg s3  }
0xa9: {  	[dreg:$0x3] =	wrdreg s5  }
0xaa: {  	[dreg:$0x4] =	wrdreg $0xC0  }
0xab: {  	_ =	task [dreg:s7], $0x5FFFF  }
0xac: {  	[dreg:$0x1] =	wrdreg $0xFFFFFFFF  }
0xad: {  	[dreg:$0x0] =	wrdreg $0x60  }
0xae: {  	[dreg:$0x2] =	wrdreg s24  }
0xaf: {  	[dreg:$0x3] =	wrdreg s2  }
0xb0: {  	[dreg:$0x4] =	wrdreg $0x68800  }
0xb1: {  	[dreg:$0x5] =	wrdreg $0x9  }
0xb2: {  	_ =	task.clear_ibuf [dreg:s7], $0x6FFFF;
	_ =	strace $0x90000046  }
0xb3: {  	s29 =	simm.s32 $0x9;
	_ =	strace $0x80000048  }
0xb4: {  	_ =	swait.ge [sflag:s29], $0x1  }
0xb5: {  	[sflag:s29] =	ssyncadd.s32 $0xFFFFFFFF  }
0xb6: {  	_ =	strace $0x90000048  }
0xb7: {  	_ =	sfence  }
0xb8: {  	s30 =	sld [smem:$0x0];
	_ =	sdelay $0x2  }
0xb9: {  	s31 =	sshll.u32 s1, $0xD;
	s1 =	sshrl.u32 s1, $0x2  }
0xba: {  	s3 =	sand.u32 $0x4000, s31;
	s1 =	sadd.s32 s1, s30  }
0xbb: {  	s0 =	sor.u32 s3, s0;
	s1 =	sshll.u32 s1, $0x11  }
0xbc: {  	s0 =	sor.u32 s1, s0  }
0xbd: {  	s0 =	sadd.s32 $0x8F2B, s0  }
0xbe: {  	[sflag:s0] =	ssyncadd.remote.s32 $0x1  }
0xbf: {  	_ =	sfence.sel $0xFFFF  }
0xc0: {  	[dreg:$0x0] =	wrdreg $0xFFFFFFFF;
	(pc) =	sbr.abs _section_cstart, $3  }
0xc1: {  	[dreg:$0x1] =	wrdreg $0xFFFFFFFF  }
0xc2: {  	_ =	task.clear_ibuf [dreg:s7], $0x2FFFF;
	_ =	strace $0x9FFFFFFF  }
0xc3: {  	(tm) =	ssettm $0x7FFFFFFF  }
tec
execute0_lowered:
.L_overlay_start_1:
0x0: {  	(tag) =	ssettag $0x1  }
0x1: {  	s6 =	rddreg [dreg:$0x0]  }
0x2: {  	s0 =	srdreg.scid;
	s2 =	rddreg [dreg:$0x1]  }
0x3: {  	s3 =	rddreg [dreg:$0x2];
	s7 =	sand.u32 $0x1, s0  }
0x4: {  	s0 =	stileid.u32;
	s5 =	smul.u32 $0x27100, s7  }
0x5: {  	s1 =	rddreg [dreg:$0x3];
	s4 =	simm.s32 $0x0;
	s8 =	smul.u32 $0x2710, s0  }
0x6: {  	s21 =	simm.s32 $0x50;
	s22 =	simm.s32 $0x0;
	s30 =	smul.u32 $0x50000, s0  }
0x7: {  	[smem:$0x7FF] =	sst s4;
	s15 =	sadd.s32 $0x15C00, s6;
	s10 =	smul.u32 $0x14000, s0  }
0x8: {  	_ =	strace $0x80000047;
	s9 =	ssub.s32 $0x2, s7;
	s18 =	smul.u32 $0x140000, s7  }
0x9: {  	s31 =	sshrl.u32 s9, $0x1;
	s5 =	sadd.s32 s8, s5;
	s8 =	sshrl.u32 s30, $0x2  }
0xa: {  	s16 =	ssub.s32 s9, s31;
	s11 =	sadd.s32 $0x4000, s10;
	s13 =	sadd.s32 $0x8000, s10  }
0xb: {  	s14 =	sadd.s32 $0xC000, s10;
	s19 =	sadd.s32 $0x10000, s10;
	s12 =	sadd.s32 s10, s18  }
0xc: {  	s5 =	sshrl.u32 s5, $0x3;
	s7 =	sadd.s32 s11, s3;
	s9 =	sadd.s32 s14, s3  }
0xd: {  	s11 =	sadd.s32 s18, s11;
	s10 =	sadd.s32 s19, s3;
	s12 =	sshrl.u32 s12, $0x3  }
0xe: {  	s14 =	sadd.s32 s18, s14;
	s16 =	smax.u32 s16, $0x1;
	s17 =	sadd.s32 s5, s6  }
0xf: {  	s5 =	sadd.s32 $0x15600, s6;
	s6 =	sadd.s32 s8, s3;
	s8 =	sadd.s32 s13, s3  }
0x10: {  	s20 =	sshrl.u32 s11, $0x3;
	s11 =	sadd.s32 s15, s12;
	s13 =	sadd.s32 s18, s13  }
0x11: {  	s18 =	sadd.s32 s18, s19;
	s14 =	sshrl.u32 s14, $0x3;
	s19 =	simm.s32 $0x1  }
0x12: {  	s12 =	sadd.s32 s15, s20;
	s13 =	sshrl.u32 s13, $0x3;
	s18 =	sshrl.u32 s18, $0x3  }
0x13: {  	s14 =	sadd.s32 s15, s14;
	s17 =	sadd.s32 $0xB800, s17;
	s20 =	simm.s32 $0x2880  }
0x14: {  	s13 =	sadd.s32 s15, s13;
	s15 =	sadd.s32 s15, s18;
	s18 =	simm.s32 $0x80  }
.LBB2_1:
0x15: {  	[tilespmem:s18], [sflag:$0x1] =	stream.linear.gather [hbm4b:s5+s4], $0x2800, $0x38;
	[tilespmem:$0x9080] =	vst v63  }
0x16: {  	_ =	swait.ge [sflag:s19], $0x2800  }
0x17: {  	[sflag:s19] =	ssyncset.done $0x0  }
0x18: {  	[sflag:s19] =	ssyncadd.s32 $0xFFFFD800  }
0x19: {  	[tilespmem:s20], [sflag:$0x1] =	stream.linear.gather [hbm4b:s2+s4], $0x4000, $0x38;
	[tilespmem:$0x9080] =	vst v63  }
0x1a: {  	_ =	swait.ge [sflag:s19], $0x4000  }
0x1b: {  	[sflag:s19] =	ssyncset.done $0x0  }
0x1c: {  	[sflag:s19] =	ssyncadd.s32 $0xFFFFC000  }
0x1d: {  	[spmem:s6] =	stream.linear.scatter [tilespmem:s20], [sflag:$0x1], $0x4000, $0x38;
	[tilespmem:$0x9080] =	vst v63  }
0x1e: {  	_ =	swait.ge [sflag:s19], $0x4000  }
0x1f: {  	[sflag:s19] =	ssyncset.done $0x0  }
0x20: {  	[sflag:s19] =	ssyncadd.s32 $0xFFFFC000  }
0x21: {  	[spmem:s7] =	stream.linear.scatter [tilespmem:s20], [sflag:$0x1], $0x4000, $0x38;
	[tilespmem:$0x9080] =	vst v63  }
0x22: {  	_ =	swait.ge [sflag:s19], $0x4000  }
0x23: {  	[sflag:s19] =	ssyncset.done $0x0  }
0x24: {  	[sflag:s19] =	ssyncadd.s32 $0xFFFFC000  }
0x25: {  	[spmem:s8] =	stream.linear.scatter [tilespmem:s20], [sflag:$0x1], $0x4000, $0x38;
	[tilespmem:$0x9080] =	vst v63  }
0x26: {  	_ =	swait.ge [sflag:s19], $0x4000  }
0x27: {  	[sflag:s19] =	ssyncset.done $0x0  }
0x28: {  	[sflag:s19] =	ssyncadd.s32 $0xFFFFC000  }
0x29: {  	[spmem:s9] =	stream.linear.scatter [tilespmem:s20], [sflag:$0x1], $0x4000, $0x38;
	[tilespmem:$0x9080] =	vst v63  }
0x2a: {  	_ =	swait.ge [sflag:s19], $0x4000  }
0x2b: {  	[sflag:s19] =	ssyncset.done $0x0  }
0x2c: {  	[sflag:s19] =	ssyncadd.s32 $0xFFFFC000  }
0x2d: {  	[spmem:s10] =	stream.linear.scatter [tilespmem:s20], [sflag:$0x1], $0x4000, $0x38;
	[tilespmem:$0x9080] =	vst v63  }
0x2e: {  	_ =	swait.ge [sflag:s19], $0x4000  }
0x2f: {  	[sflag:s19] =	ssyncset.done $0x0  }
0x30: {  	[sflag:s19] =	ssyncadd.s32 $0xFFFFC000  }
0x31: {  	s23 =	sadd.s32 $0x0, s17;
	[bflag:$0x0] =	sbarrier.arrive $0xFFFF  }
0x32: {  	[tilespmem:s4], [sflag:$0x1] =	stream.linear.gather [hbm4b:s23+s4], $0x50, $0x38;
	[tilespmem:$0x9080] =	vst v63  }
0x33: {  	_ =	swait.ge [sflag:s19], $0x50  }
0x34: {  	[sflag:s19] =	ssyncset.done $0x0  }
0x35: {  	[sflag:s19] =	ssyncadd.s32 $0xFFFFFFB0  }
0x36: {  	[spmem:s3] =	stream.indirect.scatter.add.f32 [tilespmem:s18], [sflag:$0x1], $0x10, s4, s21, $0xb8;
	[tilespmem:$0x9080] =	vst v63  }
0x37: {  	_ =	swait.ge [sflag:s19], $0x500  }
0x38: {  	s24 =	simm.s32 $0x14;
	s23 =	simm.s32 $0xA;
	[sflag:s19] =	ssyncset.done $0x0  }
.LBB2_2:
0x39: {  	s25 =	sadd.s32 s23, s17  }
0x3a: {  	[sflag:s19] =	ssyncadd.s32 $0xFFFFFB00;
	s23 =	smov.u32 s24;
	s26 =	sadd.s32 $0xA, s24  }
0x3b: {  	[tilespmem:s4], [sflag:$0x1] =	stream.linear.gather [hbm4b:s25+s4], $0x50, $0x38;
	[tilespmem:$0x9080] =	vst v63  }
0x3c: {  	p0 =	sne.s32 s24, $0x4D8;
	_ =	swait.ge [sflag:s19], $0x50  }
.Ltmp0:
0x3d: {  	[sflag:s19] =	ssyncset.done $0x0;
	(pc) =	sbr.rel @p0 .LBB2_2-.Ltmp0, $4  }
0x3e: {  	[sflag:s19] =	ssyncadd.s32 $0xFFFFFFB0  }
0x3f: {  	[spmem:s3] =	stream.indirect.scatter.add.f32 [tilespmem:s18], [sflag:$0x1], $0x10, s4, s21, $0xb8;
	[tilespmem:$0x9080] =	vst v63  }
0x40: {  	_ =	swait.ge [sflag:s19], $0x500  }
0x41: {  	s24 =	smov.u32 s26;
	[sflag:s19] =	ssyncset.done $0x0  }
0x42: {  	s23 =	sadd.s32 s23, s17;
	[sflag:s19] =	ssyncadd.s32 $0xFFFFFB00  }
0x43: {  	[tilespmem:s4], [sflag:$0x1] =	stream.linear.gather [hbm4b:s23+s4], $0x50, $0x38;
	[tilespmem:$0x9080] =	vst v63  }
0x44: {  	_ =	swait.ge [sflag:s19], $0x50  }
0x45: {  	[sflag:s19] =	ssyncset.done $0x0  }
0x46: {  	[sflag:s19] =	ssyncadd.s32 $0xFFFFFFB0  }
0x47: {  	[spmem:s3] =	stream.indirect.scatter.add.f32 [tilespmem:s18], [sflag:$0x1], $0x10, s4, s21, $0xb8;
	[tilespmem:$0x9080] =	vst v63  }
0x48: {  	_ =	swait.ge [sflag:s19], $0x500  }
0x49: {  	[sflag:s19] =	ssyncset.done $0x0  }
0x4a: {  	[sflag:s19] =	ssyncadd.s32 $0xFFFFFB00  }
0x4b: {  	[bflag:$0x0] =	sbarrier.arrive $0xFFFF  }
0x4c: {  	[tilespmem:s20], [sflag:$0x1] =	stream.linear.gather [spmem:s6], $0x4000, $0x38;
	[tilespmem:$0x9080] =	vst v63  }
0x4d: {  	_ =	swait.ge [sflag:s19], $0x4000  }
0x4e: {  	[sflag:s19] =	ssyncset.done $0x0  }
0x4f: {  	[sflag:s19] =	ssyncadd.s32 $0xFFFFC000  }
0x50: {  	[hbm4b:s11+s4] =	stream.linear.scatter [tilespmem:s20], [sflag:$0x1], $0x4000, $0x38;
	[tilespmem:$0x9080] =	vst v63  }
0x51: {  	_ =	swait.ge [sflag:s19], $0x4000  }
0x52: {  	[sflag:s19] =	ssyncset.done $0x0  }
0x53: {  	[sflag:s19] =	ssyncadd.s32 $0xFFFFC000  }
0x54: {  	[tilespmem:s20], [sflag:$0x1] =	stream.linear.gather [spmem:s7], $0x4000, $0x38;
	[tilespmem:$0x9080] =	vst v63  }
0x55: {  	_ =	swait.ge [sflag:s19], $0x4000  }
0x56: {  	[sflag:s19] =	ssyncset.done $0x0  }
0x57: {  	[sflag:s19] =	ssyncadd.s32 $0xFFFFC000  }
0x58: {  	[hbm4b:s12+s4] =	stream.linear.scatter [tilespmem:s20], [sflag:$0x1], $0x4000, $0x38;
	[tilespmem:$0x9080] =	vst v63  }
0x59: {  	_ =	swait.ge [sflag:s19], $0x4000  }
0x5a: {  	[sflag:s19] =	ssyncset.done $0x0  }
0x5b: {  	[sflag:s19] =	ssyncadd.s32 $0xFFFFC000  }
0x5c: {  	[tilespmem:s20], [sflag:$0x1] =	stream.linear.gather [spmem:s8], $0x4000, $0x38;
	[tilespmem:$0x9080] =	vst v63  }
0x5d: {  	_ =	swait.ge [sflag:s19], $0x4000  }
0x5e: {  	[sflag:s19] =	ssyncset.done $0x0  }
0x5f: {  	[sflag:s19] =	ssyncadd.s32 $0xFFFFC000  }
0x60: {  	[hbm4b:s13+s4] =	stream.linear.scatter [tilespmem:s20], [sflag:$0x1], $0x4000, $0x38;
	[tilespmem:$0x9080] =	vst v63  }
0x61: {  	_ =	swait.ge [sflag:s19], $0x4000  }
0x62: {  	[sflag:s19] =	ssyncset.done $0x0  }
0x63: {  	[sflag:s19] =	ssyncadd.s32 $0xFFFFC000  }
0x64: {  	[tilespmem:s20], [sflag:$0x1] =	stream.linear.gather [spmem:s9], $0x4000, $0x38;
	[tilespmem:$0x9080] =	vst v63  }
0x65: {  	_ =	swait.ge [sflag:s19], $0x4000  }
0x66: {  	[sflag:s19] =	ssyncset.done $0x0  }
0x67: {  	[sflag:s19] =	ssyncadd.s32 $0xFFFFC000  }
0x68: {  	[hbm4b:s14+s4] =	stream.linear.scatter [tilespmem:s20], [sflag:$0x1], $0x4000, $0x38;
	[tilespmem:$0x9080] =	vst v63  }
0x69: {  	_ =	swait.ge [sflag:s19], $0x4000  }
0x6a: {  	[sflag:s19] =	ssyncset.done $0x0  }
0x6b: {  	[sflag:s19] =	ssyncadd.s32 $0xFFFFC000  }
0x6c: {  	[tilespmem:s20], [sflag:$0x1] =	stream.linear.gather [spmem:s10], $0x4000, $0x38;
	[tilespmem:$0x9080] =	vst v63  }
0x6d: {  	s22 =	sadd.s32 $0x1, s22;
	_ =	swait.ge [sflag:s19], $0x4000  }
0x6e: {  	p0 =	sne.s32 s22, s16;
	[sflag:s19] =	ssyncset.done $0x0  }
.Ltmp1:
0x6f: {  	[sflag:s19] =	ssyncadd.s32 $0xFFFFC000;
	(pc) =	sbr.rel @p0 .LBB2_1-.Ltmp1, $4  }
0x70: {  	[hbm4b:s15+s4] =	stream.linear.scatter [tilespmem:s20], [sflag:$0x1], $0x4000, $0x38;
	[tilespmem:$0x9080] =	vst v63  }
0x71: {  	_ =	swait.ge [sflag:s19], $0x4000  }
0x72: {  	[sflag:s19] =	ssyncset.done $0x0  }
0x73: {  	[sflag:s19] =	ssyncadd.s32 $0xFFFFC000  }
0x74: {  	_ =	sfence.sel $0x180000  }
0x75: {  	[bflag:$0x0] =	sbarrier.arrive $0xFFFF  }
0x76: {  	p0 =	sne.s32 s0, $0x0;
	_ =	strace $0x90000047  }
0x77: {  	s0 =	sadd.s32 @!p0 $0x100000, s1;
	[bflag:$0x2] =	sbarrier.arrive $0xFFFF  }
0x78: {  	[sflag:s0] =	ssyncadd.tile.s32 @!p0 $0x1;
	_ =	shalt  }
.Lfunc_end2:
_tile_overlayer_lowered:
.L_overlay_start_2:
0x79: {  	(tag) =	ssettag $0x2  }
0x7a: {  	s0 =	rddreg [dreg:$0x0];
	s2 =	stileid.u32  }
0x7b: {  	s1 =	rddreg [dreg:$0x1];
	p0 =	sne.s32 s2, $0x0  }
0x7c: {  	s3 =	rddreg [dreg:$0x2];
	[bflag:$0x3] =	sbarrier.arrive $0xFFFF;
	s2 =	simm.s32 @!p0 $0x1C01  }
0x7d: {  	[timem:s3], [sflag:s2] =	dma.local @!p0 [hbm:s0], s1  }
0x7e: {  	s0 =	simm.s32 @!p0 $0x1  }
0x7f: {  	_ =	swait.ge @!p0 [sflag:s0], s1  }
0x80: {  	s1 =	ssub.s32 @!p0 $0x0, s1;
	[sflag:s0] =	ssyncset.done @!p0 $0x0  }
0x81: {  	[sflag:s0] =	ssyncadd.s32 @!p0 s1  }
0x82: {  	[bflag:$0x3] =	sbarrier.arrive $0xFFFF  }
0x83: {  	_ =	shalt  }

</sc_bundles>
